<compile_context>
chip_gen: v7x
topology: tpu7x:2x2x1
jax: 0.10.2.dev20260603
libtpu: 0.0.44.dev20260713+nightly
codegen_flags: <defaults>
</compile_context>

<pallas_src>
import functools

import jax
import jax.numpy as jnp
from jax import lax
from jax.experimental import pallas as pl
from jax.experimental.pallas import tpu as pltpu
from jax.experimental.pallas import tpu_sc as plsc

_AVG_NEIGH = 16.0


def _mm_body(a_ref, b_ref, o_ref):
    o_ref[...] = jnp.dot(a_ref[...], b_ref[...],
                         preferred_element_type=jnp.float32)


def _linear(a, b, block_rows):
    n, k = a.shape
    m = b.shape[1]
    return pl.pallas_call(
        _mm_body,
        grid=(n // block_rows,),
        in_specs=[pl.BlockSpec((block_rows, k), lambda i: (i, 0)),
                  pl.BlockSpec((k, m), lambda i: (0, 0))],
        out_specs=pl.BlockSpec((block_rows, m), lambda i: (i, 0)),
        out_shape=jax.ShapeDtypeStruct((n, m), jnp.float32),
    )(a, b)


def _make_edge_weight_body(e, block_rows):
    def body(eet_ref, eat_ref, wr1_ref, br1_ref, wr2p_ref, o_ref):
        z = jax.lax.dot_general(wr1_ref[...], eet_ref[...],
                                (((0,), (0,)), ((), ())),
                                preferred_element_type=jnp.float32)
        z = z + br1_ref[...]
        h = z * (1.0 / (1.0 + jnp.exp(-z)))
        hh, dea = h.shape[0], eat_ref.shape[0]
        tmp = (h[:, None, :] * eat_ref[...][None, :, :]).reshape(
            hh * dea, h.shape[1])
        acc = jax.lax.dot_general(tmp, wr2p_ref[...],
                                  (((0,), (0,)), ((), ())),
                                  preferred_element_type=jnp.float32)
        row = (pl.program_id(0) * block_rows
               + jax.lax.broadcasted_iota(jnp.int32, acc.shape, 0))
        o_ref[...] = jnp.where(row < e, acc, 0.0)
    return body


def _edge_weights(eet, eat, wr1, br1, wr2p, e_p, block_rows):
    de, e = eet.shape
    dea = eat.shape[0]
    h = wr1.shape[1]
    d = wr2p.shape[1]
    return pl.pallas_call(
        _make_edge_weight_body(e, block_rows),
        grid=(e_p // block_rows,),
        in_specs=[pl.BlockSpec((de, block_rows), lambda i: (0, i)),
                  pl.BlockSpec((dea, block_rows), lambda i: (0, i)),
                  pl.BlockSpec((de, h), lambda i: (0, 0)),
                  pl.BlockSpec((h, 1), lambda i: (0, 0)),
                  pl.BlockSpec((h * dea, d), lambda i: (0, 0))],
        out_specs=pl.BlockSpec((block_rows, d), lambda i: (i, 0)),
        out_shape=jax.ShapeDtypeStruct((e_p, d), jnp.float32),
    )(eet, eat, wr1, br1, wr2p)


def _make_sc_scatter(n_pad, d, q0, q1, ch):
    info = plsc.get_sparse_core_info()
    nc, ns = info.num_cores, info.num_subcores
    rows_per_tile = n_pad // ns
    lanes = d // 16
    nch = max(q0, q1)
    mesh = plsc.VectorSubcoreMesh(core_axis_name="c", subcore_axis_name="s")

    zfull, zrem = divmod(rows_per_tile, ch)

    @functools.partial(
        pl.kernel, mesh=mesh,
        out_type=jax.ShapeDtypeStruct((nc, n_pad, d), jnp.float32),
        scratch_types=[
            pltpu.VMEM((nch, ch), jnp.int32),
            pltpu.VMEM((nch, ch), jnp.int32),
            pltpu.VMEM((2, ch, d), jnp.float32),
            pltpu.VMEM((ch, d), jnp.float32),
            pltpu.VMEM_SHARED((n_pad, d), jnp.float32),
            pltpu.SemaphoreType.DMA((2,)),
            pltpu.SemaphoreType.DMA,
            pltpu.SemaphoreType.DMA((2,)),
        ],
    )
    def sck(x_hbm, w_hbm, src_hbm, dst_hbm, out_hbm,
            src_v, dst_v, rows_v, wbuf_v, msg_sh, gsem, wsem, ssem):
        c = lax.axis_index("c")
        s = lax.axis_index("s")
        qc = jnp.where(c == 0, q0, q1)
        chunk0 = jnp.where(c == 0, s * q0, ns * q0 + s * q1)

        pltpu.sync_copy(src_hbm.at[pl.ds(chunk0, nch)], src_v)
        pltpu.sync_copy(dst_hbm.at[pl.ds(chunk0, nch)], dst_v)

        zvec = jnp.zeros((16,), jnp.float32)

        def zrow(i, carry):
            for j in range(lanes):
                rows_v[0, i, pl.ds(j * 16, 16)] = zvec
            return carry

        lax.fori_loop(0, ch, zrow, 0)
        for z in range(zfull):
            pltpu.sync_copy(rows_v.at[0],
                            msg_sh.at[pl.ds(s * rows_per_tile + z * ch, ch)])
        if zrem:
            pltpu.sync_copy(
                rows_v.at[0, pl.ds(0, zrem)],
                msg_sh.at[pl.ds(s * rows_per_tile + zfull * ch, zrem)])
        plsc.subcore_barrier()

        def issue_gather(g, b):
            pltpu.async_copy(x_hbm.at[src_v.at[g]], rows_v.at[b], gsem.at[b])

        def issue_wload(g):
            base = (chunk0 + g) * ch
            pltpu.async_copy(w_hbm.at[pl.ds(base, ch)], wbuf_v, wsem)

        issue_gather(0, 0)
        issue_wload(0)

        def outer(t, carry):
            for b in range(2):
                g = 2 * t + b
                nb = 1 - b

                @pl.when(g >= 1)
                def _wait_prev_scatter():
                    pltpu.make_async_copy(
                        rows_v.at[nb], msg_sh.at[dst_v.at[0]],
                        ssem.at[nb]).wait()

                @pl.when(g + 1 < qc)
                def _prefetch():
                    issue_gather(g + 1, nb)

                pltpu.make_async_copy(x_hbm.at[src_v.at[0]], rows_v.at[b],
                                      gsem.at[b]).wait()
                pltpu.make_async_copy(w_hbm.at[pl.ds(0, ch)], wbuf_v,
                                      wsem).wait()

                @plsc.parallel_loop(0, ch, unroll=4)
                def _mul(i):
                    for j in range(lanes):
                        sl = pl.ds(j * 16, 16)
                        rows_v[b, i, sl] = rows_v[b, i, sl] * wbuf_v[i, sl]

                pltpu.async_copy(rows_v.at[b], msg_sh.at[dst_v.at[g]],
                                 ssem.at[b], add=True)

                @pl.when(g + 1 < qc)
                def _next_wload():
                    issue_wload(g + 1)
            return carry

        lax.fori_loop(0, qc // 2, outer, 0)
        pltpu.make_async_copy(rows_v.at[1], msg_sh.at[dst_v.at[0]],
                              ssem.at[1]).wait()
        plsc.subcore_barrier()
        pltpu.sync_copy(msg_sh.at[pl.ds(s * rows_per_tile, rows_per_tile)],
                        out_hbm.at[c, pl.ds(s * rows_per_tile, rows_per_tile)])

    return sck


def _selfconn_body(na_ref, nf_ref, wsct_ref, o_ref):
    da = wsct_ref.shape[0]
    sc = jnp.dot(nf_ref[...], wsct_ref[0],
                 preferred_element_type=jnp.float32) * na_ref[:, 0:1]
    for v in range(1, da):
        sc += jnp.dot(nf_ref[...], wsct_ref[v],
                      preferred_element_type=jnp.float32) * na_ref[:, v:v + 1]
    o_ref[...] = sc


def _selfconn(na, nf, wsct, block_rows):
    n, d = nf.shape
    da = na.shape[1]
    return pl.pallas_call(
        _selfconn_body,
        grid=(n // block_rows,),
        in_specs=[pl.BlockSpec((block_rows, da), lambda i: (i, 0)),
                  pl.BlockSpec((block_rows, d), lambda i: (i, 0)),
                  pl.BlockSpec((da, d, d), lambda i: (0, 0, 0))],
        out_specs=pl.BlockSpec((block_rows, d), lambda i: (i, 0)),
        out_shape=jax.ShapeDtypeStruct((n, d), jnp.float32),
    )(na, nf, wsct)


def _post_body(p_ref, na_ref, sc_ref, w2_ref, wut_ref, w3_ref, o_ref):
    msg = (p_ref[0] + p_ref[1]) * (1.0 / (_AVG_NEIGH ** 0.5))
    t = jnp.dot(msg, w2_ref[...], preferred_element_type=jnp.float32)
    upd = t * jnp.dot(na_ref[...], wut_ref[...],
                      preferred_element_type=jnp.float32)
    out = jnp.dot(upd, w3_ref[...], preferred_element_type=jnp.float32)
    o_ref[...] = out + sc_ref[...]


def _post(partials, na, sc, w2, wut, w3, block_rows):
    n, d = sc.shape
    da = na.shape[1]
    return pl.pallas_call(
        _post_body,
        grid=(n // block_rows,),
        in_specs=[pl.BlockSpec((2, block_rows, d), lambda i: (0, i, 0)),
                  pl.BlockSpec((block_rows, da), lambda i: (i, 0)),
                  pl.BlockSpec((block_rows, d), lambda i: (i, 0)),
                  pl.BlockSpec((d, d), lambda i: (0, 0)),
                  pl.BlockSpec((da, d), lambda i: (0, 0)),
                  pl.BlockSpec((d, d), lambda i: (0, 0))],
        out_specs=pl.BlockSpec((block_rows, d), lambda i: (i, 0)),
        out_shape=jax.ShapeDtypeStruct((n, d), jnp.float32),
    )(partials, na, sc, w2, wut, w3)


def kernel(node_features, node_attrs, edge_embedding, edge_attrs, edge_index,
           W1, Wr1, br1, Wr2, W2, Wu, W3, Wsc):
    n, d = node_features.shape
    da = node_attrs.shape[1]
    e, de = edge_embedding.shape
    dea = edge_attrs.shape[1]
    h = Wr1.shape[1]

    ch = 64
    ns = 16
    grain = 2 * 2 * ch * ns
    e_p = ((e + grain - 1) // grain) * grain
    qsum = e_p // (ch * ns)
    q0 = max(2, int(round(qsum * 0.60 / 2)) * 2)
    q1 = qsum - q0

    pad = e_p - e
    src = jnp.pad(edge_index[0], (0, pad)).reshape(-1, ch)
    dst = jnp.pad(edge_index[1], (0, pad)).reshape(-1, ch)
    extra = max(0, ns * q0 + (ns - 1) * q1 + max(q0, q1) - src.shape[0])
    if extra:
        src = jnp.pad(src, ((0, extra), (0, 0)))
        dst = jnp.pad(dst, ((0, extra), (0, 0)))

    wr2p = jnp.transpose(Wr2.reshape(h, d, dea), (0, 2, 1)).reshape(h * dea, d)
    wsct = jnp.transpose(Wsc, (2, 1, 0))
    wut = Wu.T

    n_pad = ((n + 127) // 128) * 128

    x = _linear(node_features, W1, block_rows=2000)
    weighted = _edge_weights(edge_embedding.T, edge_attrs.T, Wr1,
                             br1[:, None], wr2p, e_p, block_rows=4096)
    partials = _make_sc_scatter(n_pad, d, q0, q1, ch)(x, weighted, src, dst)
    sc = _selfconn(node_attrs, node_features, wsct, block_rows=2000)
    return _post(partials, node_attrs, sc, W2, wut, W3, block_rows=2000)

# --- scband reference (transcript-rebuilt; emitter-appended) ---
"""Pipeline reference for scband-segnnconv-42700564856854 (READ-ONLY COPY).

The authoritative reference and input builder live on the scoring server;
editing this copy changes nothing except your own understanding.
"""

import jax, jax.numpy as jnp
import numpy as np

N = 10000
E = 160000
D = 128
DA = 16
DE = 16
DEA = 4
H = 8
AVG_NEIGH = 16.0


def setup_inputs(seed: int = 0) -> dict:
    key = jax.random.key(seed)
    ks = jax.random.split(key, 14)
    inp = {}
    inp["node_features"] = jax.random.normal(ks[0], (N, D), dtype=jnp.float32)
    inp["node_attrs"] = jax.random.normal(ks[1], (N, DA), dtype=jnp.float32)
    inp["edge_embedding"] = jax.random.normal(ks[2], (E, DE), dtype=jnp.float32)
    inp["edge_attrs"] = jax.random.normal(ks[3], (E, DEA), dtype=jnp.float32)
    inp["edge_index"] = jax.random.randint(ks[4], (2, E), 0, N, dtype=jnp.int32)
    # learned parameters
    inp["W1"] = jax.random.normal(ks[5], (D, D), dtype=jnp.float32) / np.sqrt(D)
    inp["Wr1"] = jax.random.normal(ks[6], (DE, H), dtype=jnp.float32) / np.sqrt(DE)
    inp["br1"] = jnp.zeros((H,), dtype=jnp.float32)
    inp["Wr2"] = jax.random.normal(ks[7], (H, D * DEA), dtype=jnp.float32) / np.sqrt(H)
    inp["W2"] = jax.random.normal(ks[8], (D, D), dtype=jnp.float32) / np.sqrt(D)
    inp["Wu"] = jax.random.normal(ks[9], (D, DA), dtype=jnp.float32) / np.sqrt(DA)
    inp["W3"] = jax.random.normal(ks[10], (D, D), dtype=jnp.float32) / np.sqrt(D)
    inp["Wsc"] = jax.random.normal(ks[11], (D, D, DA), dtype=jnp.float32) / np.sqrt(D * DA)
    return inp


def reference(node_features, node_attrs, edge_embedding, edge_attrs, edge_index,
              W1, Wr1, br1, Wr2, W2, Wu, W3, Wsc):
    edge_src = edge_index[0]
    edge_dst = edge_index[1]
    # linear_1 on node features
    x = node_features @ W1
    # radial MLP on edge embedding -> per-edge tensor-product weights [E, D, DEA]
    h = jax.nn.silu(edge_embedding @ Wr1 + br1)
    w = (h @ Wr2).reshape(E, D, DEA)
    # message: UVU tensor product (scalar irreps) between gathered node feats and edge attrs
    gathered = jnp.take(x, edge_src, axis=0)
    msg_per_edge = gathered * jnp.einsum('euv,ev->eu', w, edge_attrs)
    # scatter-add aggregation over destination nodes
    msg = jnp.zeros((N, D), dtype=node_features.dtype).at[edge_dst].add(msg_per_edge)
    msg = msg / jnp.sqrt(AVG_NEIGH)
    # linear_2
    msg = msg @ W2
    # update: UVU tensor product (internal shared weights) with node attrs
    upd = msg * (node_attrs @ Wu.T)
    # linear_3
    out = upd @ W3
    # self connection: fully connected tensor product (bilinear in scalars)
    sc = jnp.einsum('ouv,nu,nv->no', Wsc, node_features, node_attrs)
    return out + sc

if __name__ == "__main__":
    import jax
    _d = setup_inputs()
    print(jax.jit(kernel)(*tuple(_d.values())))

</pallas_src>

<mosaic_0001>
#map = affine_map<(d0, d1) -> (0, 0)>
#map1 = affine_map<(d0, d1) -> (0, 0, 0)>
module attributes {stable_mosaic.version = 14 : i64} {
  func.func @sck(%arg0: i32, %arg1: i32, %arg2: memref<10000x128xf32, #tpu.memory_space<hbm>>, %arg3: memref<163840x128xf32, #tpu.memory_space<hbm>>, %arg4: memref<2592x64xi32, #tpu.memory_space<hbm>>, %arg5: memref<2592x64xi32, #tpu.memory_space<hbm>>, %arg6: memref<2x10112x128xf32, #tpu.memory_space<hbm>>, %arg7: memref<96x64xi32, #tpu.memory_space<vmem>>, %arg8: memref<96x64xi32, #tpu.memory_space<vmem>>, %arg9: memref<2x64x128xf32, #tpu.memory_space<vmem>>, %arg10: memref<64x128xf32, #tpu.memory_space<vmem>>, %arg11: memref<10112x128xf32, #tpu.memory_space<vmem_shared>>, %arg12: memref<2x!tpu.dma_semaphore, #tpu.memory_space<semaphore_mem>>, %arg13: memref<!tpu.dma_semaphore, #tpu.memory_space<semaphore_mem>>, %arg14: memref<2x!tpu.dma_semaphore, #tpu.memory_space<semaphore_mem>>) attributes {dimension_semantics = [#tpu.dimension_semantics<core_parallel>, #tpu.dimension_semantics<subcore_parallel>], iteration_bounds = array<i64: 2, 16>, scalar_prefetch = 0 : i64, scratch_operands = 8 : i64, tpu.core_type = #tpu.core_type<sc_vector_subcore>, window_params = [{transform_indices = #map}, {transform_indices = #map}, {transform_indices = #map}, {transform_indices = #map}, {transform_indices = #map1}]} {
    %eq3A = arith.constant 0 : i32
    %eq3A_0 = arith.cmpi eq, %arg0, %eq3A : i32
    %jit3A = arith.constant 96 : i32
    %jit3A_1 = arith.constant 64 : i32
    %select_n3A = arith.select %eq3A_0, %jit3A, %jit3A_1 : i32
    %eq3A_2 = arith.constant 0 : i32
    %eq3A_3 = arith.cmpi eq, %arg0, %eq3A_2 : i32
    %mul3A = arith.constant 96 : i32
    %mul3A_4 = arith.muli %arg1, %mul3A : i32
    %mul3A_5 = arith.constant 64 : i32
    %mul3A_6 = arith.muli %arg1, %mul3A_5 : i32
    %add3A = arith.constant 1536 : i32
    %add3A_7 = arith.addi %add3A, %mul3A_6 : i32
    %select_n3A_8 = arith.select %eq3A_3, %mul3A_4, %add3A_7 : i32
    "tpu.region"() ({
      %run_scoped3A_132 = tpu.sem_alloc : memref<!tpu.dma_semaphore, #tpu.memory_space<semaphore_mem>>
      %dma_start3A_133 = arith.constant 0 : i32
      %dma_start3A_134 = tpu.memref_slice %arg4[%select_n3A_8, %dma_start3A_133] : memref<2592x64xi32, #tpu.memory_space<hbm>> -> memref<96x64xi32, #tpu.memory_space<hbm>>
      %dma_start3A_135 = arith.constant 0 : i32
      %dma_start3A_136 = tpu.memref_slice %arg4[%select_n3A_8, %dma_start3A_135] : memref<2592x64xi32, #tpu.memory_space<hbm>> -> memref<96x64xi32, #tpu.memory_space<hbm>>
      tpu.enqueue_dma source(%dma_start3A_136 : memref<96x64xi32, #tpu.memory_space<hbm>>) target(%arg7 : memref<96x64xi32, #tpu.memory_space<vmem>>) target_semaphore(%run_scoped3A_132 : memref<!tpu.dma_semaphore, #tpu.memory_space<semaphore_mem>>)
      %dma_wait3A_137 = arith.constant 0 : i32
      %dma_wait3A_138 = tpu.memref_slice %arg4[%select_n3A_8, %dma_wait3A_137] : memref<2592x64xi32, #tpu.memory_space<hbm>> -> memref<96x64xi32, #tpu.memory_space<hbm>>
      %dma_wait3A_139 = arith.constant 0 : i32
      %dma_wait3A_140 = tpu.memref_slice %arg4[%select_n3A_8, %dma_wait3A_139] : memref<2592x64xi32, #tpu.memory_space<hbm>> -> memref<96x64xi32, #tpu.memory_space<hbm>>
      tpu.wait_dma2 semaphore(%run_scoped3A_132 : memref<!tpu.dma_semaphore, #tpu.memory_space<semaphore_mem>>) src(%dma_wait3A_140 : memref<96x64xi32, #tpu.memory_space<hbm>>) dst(%arg7 : memref<96x64xi32, #tpu.memory_space<vmem>>)
      tpu.yield
    }) : () -> ()
    "tpu.region"() ({
      %run_scoped3A_132 = tpu.sem_alloc : memref<!tpu.dma_semaphore, #tpu.memory_space<semaphore_mem>>
      %dma_start3A_133 = arith.constant 0 : i32
      %dma_start3A_134 = tpu.memref_slice %arg5[%select_n3A_8, %dma_start3A_133] : memref<2592x64xi32, #tpu.memory_space<hbm>> -> memref<96x64xi32, #tpu.memory_space<hbm>>
      %dma_start3A_135 = arith.constant 0 : i32
      %dma_start3A_136 = tpu.memref_slice %arg5[%select_n3A_8, %dma_start3A_135] : memref<2592x64xi32, #tpu.memory_space<hbm>> -> memref<96x64xi32, #tpu.memory_space<hbm>>
      tpu.enqueue_dma source(%dma_start3A_136 : memref<96x64xi32, #tpu.memory_space<hbm>>) target(%arg8 : memref<96x64xi32, #tpu.memory_space<vmem>>) target_semaphore(%run_scoped3A_132 : memref<!tpu.dma_semaphore, #tpu.memory_space<semaphore_mem>>)
      %dma_wait3A_137 = arith.constant 0 : i32
      %dma_wait3A_138 = tpu.memref_slice %arg5[%select_n3A_8, %dma_wait3A_137] : memref<2592x64xi32, #tpu.memory_space<hbm>> -> memref<96x64xi32, #tpu.memory_space<hbm>>
      %dma_wait3A_139 = arith.constant 0 : i32
      %dma_wait3A_140 = tpu.memref_slice %arg5[%select_n3A_8, %dma_wait3A_139] : memref<2592x64xi32, #tpu.memory_space<hbm>> -> memref<96x64xi32, #tpu.memory_space<hbm>>
      tpu.wait_dma2 semaphore(%run_scoped3A_132 : memref<!tpu.dma_semaphore, #tpu.memory_space<semaphore_mem>>) src(%dma_wait3A_140 : memref<96x64xi32, #tpu.memory_space<hbm>>) dst(%arg8 : memref<96x64xi32, #tpu.memory_space<vmem>>)
      tpu.yield
    }) : () -> ()
    %broadcast_in_dim3A = arith.constant 0.000000e+00 : f32
    %broadcast_in_dim3A_9 = vector.broadcast %broadcast_in_dim3A : f32 to vector<16xf32>
    %scan3A = arith.constant 0 : i32
    %scan3A_10 = arith.constant 0 : i32
    %scan3A_11 = arith.constant 64 : i32
    %scan3A_12 = arith.addi %scan3A_10, %scan3A_11 : i32
    %scan3A_13 = arith.constant 1 : i32
    scf.for %scan3A_132 = %scan3A_10 to %scan3A_12 step %scan3A_13  : i32 {
      %swap3A = arith.constant 0 : i32
      %swap3A_133 = arith.index_cast %swap3A : i32 to index
      %swap3A_134 = arith.index_cast %scan3A_132 : i32 to index
      %swap3A_135 = arith.constant 0 : index
      %swap3A_136 = tpu.vector_load %arg9[%swap3A_133, %swap3A_134, %swap3A_135] {strides = array<i32>} : memref<2x64x128xf32, #tpu.memory_space<vmem>>, vector<1x1x16xf32>,
      %swap3A_137 = vector.shape_cast %swap3A_136 : vector<1x1x16xf32> to vector<16xf32>
      %swap3A_138 = vector.shape_cast %broadcast_in_dim3A_9 : vector<16xf32> to vector<1x1x16xf32>
      tpu.vector_store %arg9[%swap3A_133, %swap3A_134, %swap3A_135], %swap3A_138 {strides = array<i32>} : memref<2x64x128xf32, #tpu.memory_space<vmem>>, vector<1x1x16xf32>,
      %swap3A_139 = arith.constant 0 : i32
      %swap3A_140 = arith.index_cast %swap3A_139 : i32 to index
      %swap3A_141 = arith.index_cast %scan3A_132 : i32 to index
      %swap3A_142 = arith.constant 16 : index
      %swap3A_143 = tpu.vector_load %arg9[%swap3A_140, %swap3A_141, %swap3A_142] {strides = array<i32>} : memref<2x64x128xf32, #tpu.memory_space<vmem>>, vector<1x1x16xf32>,
      %swap3A_144 = vector.shape_cast %swap3A_143 : vector<1x1x16xf32> to vector<16xf32>
      %swap3A_145 = vector.shape_cast %broadcast_in_dim3A_9 : vector<16xf32> to vector<1x1x16xf32>
      tpu.vector_store %arg9[%swap3A_140, %swap3A_141, %swap3A_142], %swap3A_145 {strides = array<i32>} : memref<2x64x128xf32, #tpu.memory_space<vmem>>, vector<1x1x16xf32>,
      %swap3A_146 = arith.constant 0 : i32
      %swap3A_147 = arith.index_cast %swap3A_146 : i32 to index
      %swap3A_148 = arith.index_cast %scan3A_132 : i32 to index
      %swap3A_149 = arith.constant 32 : index
      %swap3A_150 = tpu.vector_load %arg9[%swap3A_147, %swap3A_148, %swap3A_149] {strides = array<i32>} : memref<2x64x128xf32, #tpu.memory_space<vmem>>, vector<1x1x16xf32>,
      %swap3A_151 = vector.shape_cast %swap3A_150 : vector<1x1x16xf32> to vector<16xf32>
      %swap3A_152 = vector.shape_cast %broadcast_in_dim3A_9 : vector<16xf32> to vector<1x1x16xf32>
      tpu.vector_store %arg9[%swap3A_147, %swap3A_148, %swap3A_149], %swap3A_152 {strides = array<i32>} : memref<2x64x128xf32, #tpu.memory_space<vmem>>, vector<1x1x16xf32>,
      %swap3A_153 = arith.constant 0 : i32
      %swap3A_154 = arith.index_cast %swap3A_153 : i32 to index
      %swap3A_155 = arith.index_cast %scan3A_132 : i32 to index
      %swap3A_156 = arith.constant 48 : index
      %swap3A_157 = tpu.vector_load %arg9[%swap3A_154, %swap3A_155, %swap3A_156] {strides = array<i32>} : memref<2x64x128xf32, #tpu.memory_space<vmem>>, vector<1x1x16xf32>,
      %swap3A_158 = vector.shape_cast %swap3A_157 : vector<1x1x16xf32> to vector<16xf32>
      %swap3A_159 = vector.shape_cast %broadcast_in_dim3A_9 : vector<16xf32> to vector<1x1x16xf32>
      tpu.vector_store %arg9[%swap3A_154, %swap3A_155, %swap3A_156], %swap3A_159 {strides = array<i32>} : memref<2x64x128xf32, #tpu.memory_space<vmem>>, vector<1x1x16xf32>,
      %swap3A_160 = arith.constant 0 : i32
      %swap3A_161 = arith.index_cast %swap3A_160 : i32 to index
      %swap3A_162 = arith.index_cast %scan3A_132 : i32 to index
      %swap3A_163 = arith.constant 64 : index
      %swap3A_164 = tpu.vector_load %arg9[%swap3A_161, %swap3A_162, %swap3A_163] {strides = array<i32>} : memref<2x64x128xf32, #tpu.memory_space<vmem>>, vector<1x1x16xf32>,
      %swap3A_165 = vector.shape_cast %swap3A_164 : vector<1x1x16xf32> to vector<16xf32>
      %swap3A_166 = vector.shape_cast %broadcast_in_dim3A_9 : vector<16xf32> to vector<1x1x16xf32>
      tpu.vector_store %arg9[%swap3A_161, %swap3A_162, %swap3A_163], %swap3A_166 {strides = array<i32>} : memref<2x64x128xf32, #tpu.memory_space<vmem>>, vector<1x1x16xf32>,
      %swap3A_167 = arith.constant 0 : i32
      %swap3A_168 = arith.index_cast %swap3A_167 : i32 to index
      %swap3A_169 = arith.index_cast %scan3A_132 : i32 to index
      %swap3A_170 = arith.constant 80 : index
      %swap3A_171 = tpu.vector_load %arg9[%swap3A_168, %swap3A_169, %swap3A_170] {strides = array<i32>} : memref<2x64x128xf32, #tpu.memory_space<vmem>>, vector<1x1x16xf32>,
      %swap3A_172 = vector.shape_cast %swap3A_171 : vector<1x1x16xf32> to vector<16xf32>
      %swap3A_173 = vector.shape_cast %broadcast_in_dim3A_9 : vector<16xf32> to vector<1x1x16xf32>
      tpu.vector_store %arg9[%swap3A_168, %swap3A_169, %swap3A_170], %swap3A_173 {strides = array<i32>} : memref<2x64x128xf32, #tpu.memory_space<vmem>>, vector<1x1x16xf32>,
      %swap3A_174 = arith.constant 0 : i32
      %swap3A_175 = arith.index_cast %swap3A_174 : i32 to index
      %swap3A_176 = arith.index_cast %scan3A_132 : i32 to index
      %swap3A_177 = arith.constant 96 : index
      %swap3A_178 = tpu.vector_load %arg9[%swap3A_175, %swap3A_176, %swap3A_177] {strides = array<i32>} : memref<2x64x128xf32, #tpu.memory_space<vmem>>, vector<1x1x16xf32>,
      %swap3A_179 = vector.shape_cast %swap3A_178 : vector<1x1x16xf32> to vector<16xf32>
      %swap3A_180 = vector.shape_cast %broadcast_in_dim3A_9 : vector<16xf32> to vector<1x1x16xf32>
      tpu.vector_store %arg9[%swap3A_175, %swap3A_176, %swap3A_177], %swap3A_180 {strides = array<i32>} : memref<2x64x128xf32, #tpu.memory_space<vmem>>, vector<1x1x16xf32>,
      %swap3A_181 = arith.constant 0 : i32
      %swap3A_182 = arith.index_cast %swap3A_181 : i32 to index
      %swap3A_183 = arith.index_cast %scan3A_132 : i32 to index
      %swap3A_184 = arith.constant 112 : index
      %swap3A_185 = tpu.vector_load %arg9[%swap3A_182, %swap3A_183, %swap3A_184] {strides = array<i32>} : memref<2x64x128xf32, #tpu.memory_space<vmem>>, vector<1x1x16xf32>,
      %swap3A_186 = vector.shape_cast %swap3A_185 : vector<1x1x16xf32> to vector<16xf32>
      %swap3A_187 = vector.shape_cast %broadcast_in_dim3A_9 : vector<16xf32> to vector<1x1x16xf32>
      tpu.vector_store %arg9[%swap3A_182, %swap3A_183, %swap3A_184], %swap3A_187 {strides = array<i32>} : memref<2x64x128xf32, #tpu.memory_space<vmem>>, vector<1x1x16xf32>,
    }
    %scan3A_14 = arith.constant 64 : i32
    %mul3A_15 = arith.constant 632 : i32
    %mul3A_16 = arith.muli %arg1, %mul3A_15 : i32
    %add3A_17 = arith.constant 0 : i32
    %add3A_18 = arith.addi %mul3A_16, %add3A_17 : i32
    %run_scoped3A = arith.constant 0 : i32
    "tpu.region"() ({
      %run_scoped3A_132 = tpu.sem_alloc : memref<!tpu.dma_semaphore, #tpu.memory_space<semaphore_mem>>
      %dma_start3A_133 = arith.constant 0 : i32
      %dma_start3A_134 = arith.constant 0 : i32
      %dma_start3A_135 = tpu.memref_slice %arg9[%run_scoped3A, %dma_start3A_133, %dma_start3A_134] : memref<2x64x128xf32, #tpu.memory_space<vmem>> -> memref<1x64x128xf32, #tpu.memory_space<vmem>>
      %dma_start3A_136 = tpu.memref_squeeze %dma_start3A_135 : memref<1x64x128xf32, #tpu.memory_space<vmem>> -> memref<64x128xf32, #tpu.memory_space<vmem>>
      %dma_start3A_137 = arith.constant 0 : i32
      %dma_start3A_138 = tpu.memref_slice %arg11[%add3A_18, %dma_start3A_137] : memref<10112x128xf32, #tpu.memory_space<vmem_shared>> -> memref<64x128xf32, #tpu.memory_space<vmem_shared>>
      %dma_start3A_139 = arith.constant 0 : i32
      %dma_start3A_140 = tpu.memref_slice %arg11[%add3A_18, %dma_start3A_139] : memref<10112x128xf32, #tpu.memory_space<vmem_shared>> -> memref<64x128xf32, #tpu.memory_space<vmem_shared>>
      %dma_start3A_141 = arith.constant 0 : i32
      %dma_start3A_142 = arith.constant 0 : i32
      %dma_start3A_143 = tpu.memref_slice %arg9[%run_scoped3A, %dma_start3A_141, %dma_start3A_142] : memref<2x64x128xf32, #tpu.memory_space<vmem>> -> memref<1x64x128xf32, #tpu.memory_space<vmem>>
      %dma_start3A_144 = tpu.memref_squeeze %dma_start3A_143 : memref<1x64x128xf32, #tpu.memory_space<vmem>> -> memref<64x128xf32, #tpu.memory_space<vmem>>
      tpu.enqueue_dma source(%dma_start3A_144 : memref<64x128xf32, #tpu.memory_space<vmem>>) target(%dma_start3A_140 : memref<64x128xf32, #tpu.memory_space<vmem_shared>>) target_semaphore(%run_scoped3A_132 : memref<!tpu.dma_semaphore, #tpu.memory_space<semaphore_mem>>)
      %dma_wait3A_145 = arith.constant 0 : i32
      %dma_wait3A_146 = arith.constant 0 : i32
      %dma_wait3A_147 = tpu.memref_slice %arg9[%run_scoped3A, %dma_wait3A_145, %dma_wait3A_146] : memref<2x64x128xf32, #tpu.memory_space<vmem>> -> memref<1x64x128xf32, #tpu.memory_space<vmem>>
      %dma_wait3A_148 = tpu.memref_squeeze %dma_wait3A_147 : memref<1x64x128xf32, #tpu.memory_space<vmem>> -> memref<64x128xf32, #tpu.memory_space<vmem>>
      %dma_wait3A_149 = arith.constant 0 : i32
      %dma_wait3A_150 = tpu.memref_slice %arg11[%add3A_18, %dma_wait3A_149] : memref<10112x128xf32, #tpu.memory_space<vmem_shared>> -> memref<64x128xf32, #tpu.memory_space<vmem_shared>>
      %dma_wait3A_151 = arith.constant 0 : i32
      %dma_wait3A_152 = tpu.memref_slice %arg11[%add3A_18, %dma_wait3A_151] : memref<10112x128xf32, #tpu.memory_space<vmem_shared>> -> memref<64x128xf32, #tpu.memory_space<vmem_shared>>
      %dma_wait3A_153 = arith.constant 0 : i32
      %dma_wait3A_154 = arith.constant 0 : i32
      %dma_wait3A_155 = tpu.memref_slice %arg9[%run_scoped3A, %dma_wait3A_153, %dma_wait3A_154] : memref<2x64x128xf32, #tpu.memory_space<vmem>> -> memref<1x64x128xf32, #tpu.memory_space<vmem>>
      %dma_wait3A_156 = tpu.memref_squeeze %dma_wait3A_155 : memref<1x64x128xf32, #tpu.memory_space<vmem>> -> memref<64x128xf32, #tpu.memory_space<vmem>>
      tpu.wait_dma2 semaphore(%run_scoped3A_132 : memref<!tpu.dma_semaphore, #tpu.memory_space<semaphore_mem>>) src(%dma_wait3A_156 : memref<64x128xf32, #tpu.memory_space<vmem>>) dst(%dma_wait3A_152 : memref<64x128xf32, #tpu.memory_space<vmem_shared>>)
      tpu.yield
    }) : () -> ()
    %mul3A_19 = arith.constant 632 : i32
    %mul3A_20 = arith.muli %arg1, %mul3A_19 : i32
    %add3A_21 = arith.constant 64 : i32
    %add3A_22 = arith.addi %mul3A_20, %add3A_21 : i32
    %run_scoped3A_23 = arith.constant 0 : i32
    "tpu.region"() ({
      %run_scoped3A_132 = tpu.sem_alloc : memref<!tpu.dma_semaphore, #tpu.memory_space<semaphore_mem>>
      %dma_start3A_133 = arith.constant 0 : i32
      %dma_start3A_134 = arith.constant 0 : i32
      %dma_start3A_135 = tpu.memref_slice %arg9[%run_scoped3A_23, %dma_start3A_133, %dma_start3A_134] : memref<2x64x128xf32, #tpu.memory_space<vmem>> -> memref<1x64x128xf32, #tpu.memory_space<vmem>>
      %dma_start3A_136 = tpu.memref_squeeze %dma_start3A_135 : memref<1x64x128xf32, #tpu.memory_space<vmem>> -> memref<64x128xf32, #tpu.memory_space<vmem>>
      %dma_start3A_137 = arith.constant 0 : i32
      %dma_start3A_138 = tpu.memref_slice %arg11[%add3A_22, %dma_start3A_137] : memref<10112x128xf32, #tpu.memory_space<vmem_shared>> -> memref<64x128xf32, #tpu.memory_space<vmem_shared>>
      %dma_start3A_139 = arith.constant 0 : i32
      %dma_start3A_140 = tpu.memref_slice %arg11[%add3A_22, %dma_start3A_139] : memref<10112x128xf32, #tpu.memory_space<vmem_shared>> -> memref<64x128xf32, #tpu.memory_space<vmem_shared>>
      %dma_start3A_141 = arith.constant 0 : i32
      %dma_start3A_142 = arith.constant 0 : i32
      %dma_start3A_143 = tpu.memref_slice %arg9[%run_scoped3A_23, %dma_start3A_141, %dma_start3A_142] : memref<2x64x128xf32, #tpu.memory_space<vmem>> -> memref<1x64x128xf32, #tpu.memory_space<vmem>>
      %dma_start3A_144 = tpu.memref_squeeze %dma_start3A_143 : memref<1x64x128xf32, #tpu.memory_space<vmem>> -> memref<64x128xf32, #tpu.memory_space<vmem>>
      tpu.enqueue_dma source(%dma_start3A_144 : memref<64x128xf32, #tpu.memory_space<vmem>>) target(%dma_start3A_140 : memref<64x128xf32, #tpu.memory_space<vmem_shared>>) target_semaphore(%run_scoped3A_132 : memref<!tpu.dma_semaphore, #tpu.memory_space<semaphore_mem>>)
      %dma_wait3A_145 = arith.constant 0 : i32
      %dma_wait3A_146 = arith.constant 0 : i32
      %dma_wait3A_147 = tpu.memref_slice %arg9[%run_scoped3A_23, %dma_wait3A_145, %dma_wait3A_146] : memref<2x64x128xf32, #tpu.memory_space<vmem>> -> memref<1x64x128xf32, #tpu.memory_space<vmem>>
      %dma_wait3A_148 = tpu.memref_squeeze %dma_wait3A_147 : memref<1x64x128xf32, #tpu.memory_space<vmem>> -> memref<64x128xf32, #tpu.memory_space<vmem>>
      %dma_wait3A_149 = arith.constant 0 : i32
      %dma_wait3A_150 = tpu.memref_slice %arg11[%add3A_22, %dma_wait3A_149] : memref<10112x128xf32, #tpu.memory_space<vmem_shared>> -> memref<64x128xf32, #tpu.memory_space<vmem_shared>>
      %dma_wait3A_151 = arith.constant 0 : i32
      %dma_wait3A_152 = tpu.memref_slice %arg11[%add3A_22, %dma_wait3A_151] : memref<10112x128xf32, #tpu.memory_space<vmem_shared>> -> memref<64x128xf32, #tpu.memory_space<vmem_shared>>
      %dma_wait3A_153 = arith.constant 0 : i32
      %dma_wait3A_154 = arith.constant 0 : i32
      %dma_wait3A_155 = tpu.memref_slice %arg9[%run_scoped3A_23, %dma_wait3A_153, %dma_wait3A_154] : memref<2x64x128xf32, #tpu.memory_space<vmem>> -> memref<1x64x128xf32, #tpu.memory_space<vmem>>
      %dma_wait3A_156 = tpu.memref_squeeze %dma_wait3A_155 : memref<1x64x128xf32, #tpu.memory_space<vmem>> -> memref<64x128xf32, #tpu.memory_space<vmem>>
      tpu.wait_dma2 semaphore(%run_scoped3A_132 : memref<!tpu.dma_semaphore, #tpu.memory_space<semaphore_mem>>) src(%dma_wait3A_156 : memref<64x128xf32, #tpu.memory_space<vmem>>) dst(%dma_wait3A_152 : memref<64x128xf32, #tpu.memory_space<vmem_shared>>)
      tpu.yield
    }) : () -> ()
    %mul3A_24 = arith.constant 632 : i32
    %mul3A_25 = arith.muli %arg1, %mul3A_24 : i32
    %add3A_26 = arith.constant 128 : i32
    %add3A_27 = arith.addi %mul3A_25, %add3A_26 : i32
    %run_scoped3A_28 = arith.constant 0 : i32
    "tpu.region"() ({
      %run_scoped3A_132 = tpu.sem_alloc : memref<!tpu.dma_semaphore, #tpu.memory_space<semaphore_mem>>
      %dma_start3A_133 = arith.constant 0 : i32
      %dma_start3A_134 = arith.constant 0 : i32
      %dma_start3A_135 = tpu.memref_slice %arg9[%run_scoped3A_28, %dma_start3A_133, %dma_start3A_134] : memref<2x64x128xf32, #tpu.memory_space<vmem>> -> memref<1x64x128xf32, #tpu.memory_space<vmem>>
      %dma_start3A_136 = tpu.memref_squeeze %dma_start3A_135 : memref<1x64x128xf32, #tpu.memory_space<vmem>> -> memref<64x128xf32, #tpu.memory_space<vmem>>
      %dma_start3A_137 = arith.constant 0 : i32
      %dma_start3A_138 = tpu.memref_slice %arg11[%add3A_27, %dma_start3A_137] : memref<10112x128xf32, #tpu.memory_space<vmem_shared>> -> memref<64x128xf32, #tpu.memory_space<vmem_shared>>
      %dma_start3A_139 = arith.constant 0 : i32
      %dma_start3A_140 = tpu.memref_slice %arg11[%add3A_27, %dma_start3A_139] : memref<10112x128xf32, #tpu.memory_space<vmem_shared>> -> memref<64x128xf32, #tpu.memory_space<vmem_shared>>
      %dma_start3A_141 = arith.constant 0 : i32
      %dma_start3A_142 = arith.constant 0 : i32
      %dma_start3A_143 = tpu.memref_slice %arg9[%run_scoped3A_28, %dma_start3A_141, %dma_start3A_142] : memref<2x64x128xf32, #tpu.memory_space<vmem>> -> memref<1x64x128xf32, #tpu.memory_space<vmem>>
      %dma_start3A_144 = tpu.memref_squeeze %dma_start3A_143 : memref<1x64x128xf32, #tpu.memory_space<vmem>> -> memref<64x128xf32, #tpu.memory_space<vmem>>
      tpu.enqueue_dma source(%dma_start3A_144 : memref<64x128xf32, #tpu.memory_space<vmem>>) target(%dma_start3A_140 : memref<64x128xf32, #tpu.memory_space<vmem_shared>>) target_semaphore(%run_scoped3A_132 : memref<!tpu.dma_semaphore, #tpu.memory_space<semaphore_mem>>)
      %dma_wait3A_145 = arith.constant 0 : i32
      %dma_wait3A_146 = arith.constant 0 : i32
      %dma_wait3A_147 = tpu.memref_slice %arg9[%run_scoped3A_28, %dma_wait3A_145, %dma_wait3A_146] : memref<2x64x128xf32, #tpu.memory_space<vmem>> -> memref<1x64x128xf32, #tpu.memory_space<vmem>>
      %dma_wait3A_148 = tpu.memref_squeeze %dma_wait3A_147 : memref<1x64x128xf32, #tpu.memory_space<vmem>> -> memref<64x128xf32, #tpu.memory_space<vmem>>
      %dma_wait3A_149 = arith.constant 0 : i32
      %dma_wait3A_150 = tpu.memref_slice %arg11[%add3A_27, %dma_wait3A_149] : memref<10112x128xf32, #tpu.memory_space<vmem_shared>> -> memref<64x128xf32, #tpu.memory_space<vmem_shared>>
      %dma_wait3A_151 = arith.constant 0 : i32
      %dma_wait3A_152 = tpu.memref_slice %arg11[%add3A_27, %dma_wait3A_151] : memref<10112x128xf32, #tpu.memory_space<vmem_shared>> -> memref<64x128xf32, #tpu.memory_space<vmem_shared>>
      %dma_wait3A_153 = arith.constant 0 : i32
      %dma_wait3A_154 = arith.constant 0 : i32
      %dma_wait3A_155 = tpu.memref_slice %arg9[%run_scoped3A_28, %dma_wait3A_153, %dma_wait3A_154] : memref<2x64x128xf32, #tpu.memory_space<vmem>> -> memref<1x64x128xf32, #tpu.memory_space<vmem>>
      %dma_wait3A_156 = tpu.memref_squeeze %dma_wait3A_155 : memref<1x64x128xf32, #tpu.memory_space<vmem>> -> memref<64x128xf32, #tpu.memory_space<vmem>>
      tpu.wait_dma2 semaphore(%run_scoped3A_132 : memref<!tpu.dma_semaphore, #tpu.memory_space<semaphore_mem>>) src(%dma_wait3A_156 : memref<64x128xf32, #tpu.memory_space<vmem>>) dst(%dma_wait3A_152 : memref<64x128xf32, #tpu.memory_space<vmem_shared>>)
      tpu.yield
    }) : () -> ()
    %mul3A_29 = arith.constant 632 : i32
    %mul3A_30 = arith.muli %arg1, %mul3A_29 : i32
    %add3A_31 = arith.constant 192 : i32
    %add3A_32 = arith.addi %mul3A_30, %add3A_31 : i32
    %run_scoped3A_33 = arith.constant 0 : i32
    "tpu.region"() ({
      %run_scoped3A_132 = tpu.sem_alloc : memref<!tpu.dma_semaphore, #tpu.memory_space<semaphore_mem>>
      %dma_start3A_133 = arith.constant 0 : i32
      %dma_start3A_134 = arith.constant 0 : i32
      %dma_start3A_135 = tpu.memref_slice %arg9[%run_scoped3A_33, %dma_start3A_133, %dma_start3A_134] : memref<2x64x128xf32, #tpu.memory_space<vmem>> -> memref<1x64x128xf32, #tpu.memory_space<vmem>>
      %dma_start3A_136 = tpu.memref_squeeze %dma_start3A_135 : memref<1x64x128xf32, #tpu.memory_space<vmem>> -> memref<64x128xf32, #tpu.memory_space<vmem>>
      %dma_start3A_137 = arith.constant 0 : i32
      %dma_start3A_138 = tpu.memref_slice %arg11[%add3A_32, %dma_start3A_137] : memref<10112x128xf32, #tpu.memory_space<vmem_shared>> -> memref<64x128xf32, #tpu.memory_space<vmem_shared>>
      %dma_start3A_139 = arith.constant 0 : i32
      %dma_start3A_140 = tpu.memref_slice %arg11[%add3A_32, %dma_start3A_139] : memref<10112x128xf32, #tpu.memory_space<vmem_shared>> -> memref<64x128xf32, #tpu.memory_space<vmem_shared>>
      %dma_start3A_141 = arith.constant 0 : i32
      %dma_start3A_142 = arith.constant 0 : i32
      %dma_start3A_143 = tpu.memref_slice %arg9[%run_scoped3A_33, %dma_start3A_141, %dma_start3A_142] : memref<2x64x128xf32, #tpu.memory_space<vmem>> -> memref<1x64x128xf32, #tpu.memory_space<vmem>>
      %dma_start3A_144 = tpu.memref_squeeze %dma_start3A_143 : memref<1x64x128xf32, #tpu.memory_space<vmem>> -> memref<64x128xf32, #tpu.memory_space<vmem>>
      tpu.enqueue_dma source(%dma_start3A_144 : memref<64x128xf32, #tpu.memory_space<vmem>>) target(%dma_start3A_140 : memref<64x128xf32, #tpu.memory_space<vmem_shared>>) target_semaphore(%run_scoped3A_132 : memref<!tpu.dma_semaphore, #tpu.memory_space<semaphore_mem>>)
      %dma_wait3A_145 = arith.constant 0 : i32
      %dma_wait3A_146 = arith.constant 0 : i32
      %dma_wait3A_147 = tpu.memref_slice %arg9[%run_scoped3A_33, %dma_wait3A_145, %dma_wait3A_146] : memref<2x64x128xf32, #tpu.memory_space<vmem>> -> memref<1x64x128xf32, #tpu.memory_space<vmem>>
      %dma_wait3A_148 = tpu.memref_squeeze %dma_wait3A_147 : memref<1x64x128xf32, #tpu.memory_space<vmem>> -> memref<64x128xf32, #tpu.memory_space<vmem>>
      %dma_wait3A_149 = arith.constant 0 : i32
      %dma_wait3A_150 = tpu.memref_slice %arg11[%add3A_32, %dma_wait3A_149] : memref<10112x128xf32, #tpu.memory_space<vmem_shared>> -> memref<64x128xf32, #tpu.memory_space<vmem_shared>>
      %dma_wait3A_151 = arith.constant 0 : i32
      %dma_wait3A_152 = tpu.memref_slice %arg11[%add3A_32, %dma_wait3A_151] : memref<10112x128xf32, #tpu.memory_space<vmem_shared>> -> memref<64x128xf32, #tpu.memory_space<vmem_shared>>
      %dma_wait3A_153 = arith.constant 0 : i32
      %dma_wait3A_154 = arith.constant 0 : i32
      %dma_wait3A_155 = tpu.memref_slice %arg9[%run_scoped3A_33, %dma_wait3A_153, %dma_wait3A_154] : memref<2x64x128xf32, #tpu.memory_space<vmem>> -> memref<1x64x128xf32, #tpu.memory_space<vmem>>
      %dma_wait3A_156 = tpu.memref_squeeze %dma_wait3A_155 : memref<1x64x128xf32, #tpu.memory_space<vmem>> -> memref<64x128xf32, #tpu.memory_space<vmem>>
      tpu.wait_dma2 semaphore(%run_scoped3A_132 : memref<!tpu.dma_semaphore, #tpu.memory_space<semaphore_mem>>) src(%dma_wait3A_156 : memref<64x128xf32, #tpu.memory_space<vmem>>) dst(%dma_wait3A_152 : memref<64x128xf32, #tpu.memory_space<vmem_shared>>)
      tpu.yield
    }) : () -> ()
    %mul3A_34 = arith.constant 632 : i32
    %mul3A_35 = arith.muli %arg1, %mul3A_34 : i32
    %add3A_36 = arith.constant 256 : i32
    %add3A_37 = arith.addi %mul3A_35, %add3A_36 : i32
    %run_scoped3A_38 = arith.constant 0 : i32
    "tpu.region"() ({
      %run_scoped3A_132 = tpu.sem_alloc : memref<!tpu.dma_semaphore, #tpu.memory_space<semaphore_mem>>
      %dma_start3A_133 = arith.constant 0 : i32
      %dma_start3A_134 = arith.constant 0 : i32
      %dma_start3A_135 = tpu.memref_slice %arg9[%run_scoped3A_38, %dma_start3A_133, %dma_start3A_134] : memref<2x64x128xf32, #tpu.memory_space<vmem>> -> memref<1x64x128xf32, #tpu.memory_space<vmem>>
      %dma_start3A_136 = tpu.memref_squeeze %dma_start3A_135 : memref<1x64x128xf32, #tpu.memory_space<vmem>> -> memref<64x128xf32, #tpu.memory_space<vmem>>
      %dma_start3A_137 = arith.constant 0 : i32
      %dma_start3A_138 = tpu.memref_slice %arg11[%add3A_37, %dma_start3A_137] : memref<10112x128xf32, #tpu.memory_space<vmem_shared>> -> memref<64x128xf32, #tpu.memory_space<vmem_shared>>
      %dma_start3A_139 = arith.constant 0 : i32
      %dma_start3A_140 = tpu.memref_slice %arg11[%add3A_37, %dma_start3A_139] : memref<10112x128xf32, #tpu.memory_space<vmem_shared>> -> memref<64x128xf32, #tpu.memory_space<vmem_shared>>
      %dma_start3A_141 = arith.constant 0 : i32
      %dma_start3A_142 = arith.constant 0 : i32
      %dma_start3A_143 = tpu.memref_slice %arg9[%run_scoped3A_38, %dma_start3A_141, %dma_start3A_142] : memref<2x64x128xf32, #tpu.memory_space<vmem>> -> memref<1x64x128xf32, #tpu.memory_space<vmem>>
      %dma_start3A_144 = tpu.memref_squeeze %dma_start3A_143 : memref<1x64x128xf32, #tpu.memory_space<vmem>> -> memref<64x128xf32, #tpu.memory_space<vmem>>
      tpu.enqueue_dma source(%dma_start3A_144 : memref<64x128xf32, #tpu.memory_space<vmem>>) target(%dma_start3A_140 : memref<64x128xf32, #tpu.memory_space<vmem_shared>>) target_semaphore(%run_scoped3A_132 : memref<!tpu.dma_semaphore, #tpu.memory_space<semaphore_mem>>)
      %dma_wait3A_145 = arith.constant 0 : i32
      %dma_wait3A_146 = arith.constant 0 : i32
      %dma_wait3A_147 = tpu.memref_slice %arg9[%run_scoped3A_38, %dma_wait3A_145, %dma_wait3A_146] : memref<2x64x128xf32, #tpu.memory_space<vmem>> -> memref<1x64x128xf32, #tpu.memory_space<vmem>>
      %dma_wait3A_148 = tpu.memref_squeeze %dma_wait3A_147 : memref<1x64x128xf32, #tpu.memory_space<vmem>> -> memref<64x128xf32, #tpu.memory_space<vmem>>
      %dma_wait3A_149 = arith.constant 0 : i32
      %dma_wait3A_150 = tpu.memref_slice %arg11[%add3A_37, %dma_wait3A_149] : memref<10112x128xf32, #tpu.memory_space<vmem_shared>> -> memref<64x128xf32, #tpu.memory_space<vmem_shared>>
      %dma_wait3A_151 = arith.constant 0 : i32
      %dma_wait3A_152 = tpu.memref_slice %arg11[%add3A_37, %dma_wait3A_151] : memref<10112x128xf32, #tpu.memory_space<vmem_shared>> -> memref<64x128xf32, #tpu.memory_space<vmem_shared>>
      %dma_wait3A_153 = arith.constant 0 : i32
      %dma_wait3A_154 = arith.constant 0 : i32
      %dma_wait3A_155 = tpu.memref_slice %arg9[%run_scoped3A_38, %dma_wait3A_153, %dma_wait3A_154] : memref<2x64x128xf32, #tpu.memory_space<vmem>> -> memref<1x64x128xf32, #tpu.memory_space<vmem>>
      %dma_wait3A_156 = tpu.memref_squeeze %dma_wait3A_155 : memref<1x64x128xf32, #tpu.memory_space<vmem>> -> memref<64x128xf32, #tpu.memory_space<vmem>>
      tpu.wait_dma2 semaphore(%run_scoped3A_132 : memref<!tpu.dma_semaphore, #tpu.memory_space<semaphore_mem>>) src(%dma_wait3A_156 : memref<64x128xf32, #tpu.memory_space<vmem>>) dst(%dma_wait3A_152 : memref<64x128xf32, #tpu.memory_space<vmem_shared>>)
      tpu.yield
    }) : () -> ()
    %mul3A_39 = arith.constant 632 : i32
    %mul3A_40 = arith.muli %arg1, %mul3A_39 : i32
    %add3A_41 = arith.constant 320 : i32
    %add3A_42 = arith.addi %mul3A_40, %add3A_41 : i32
    %run_scoped3A_43 = arith.constant 0 : i32
    "tpu.region"() ({
      %run_scoped3A_132 = tpu.sem_alloc : memref<!tpu.dma_semaphore, #tpu.memory_space<semaphore_mem>>
      %dma_start3A_133 = arith.constant 0 : i32
      %dma_start3A_134 = arith.constant 0 : i32
      %dma_start3A_135 = tpu.memref_slice %arg9[%run_scoped3A_43, %dma_start3A_133, %dma_start3A_134] : memref<2x64x128xf32, #tpu.memory_space<vmem>> -> memref<1x64x128xf32, #tpu.memory_space<vmem>>
      %dma_start3A_136 = tpu.memref_squeeze %dma_start3A_135 : memref<1x64x128xf32, #tpu.memory_space<vmem>> -> memref<64x128xf32, #tpu.memory_space<vmem>>
      %dma_start3A_137 = arith.constant 0 : i32
      %dma_start3A_138 = tpu.memref_slice %arg11[%add3A_42, %dma_start3A_137] : memref<10112x128xf32, #tpu.memory_space<vmem_shared>> -> memref<64x128xf32, #tpu.memory_space<vmem_shared>>
      %dma_start3A_139 = arith.constant 0 : i32
      %dma_start3A_140 = tpu.memref_slice %arg11[%add3A_42, %dma_start3A_139] : memref<10112x128xf32, #tpu.memory_space<vmem_shared>> -> memref<64x128xf32, #tpu.memory_space<vmem_shared>>
      %dma_start3A_141 = arith.constant 0 : i32
      %dma_start3A_142 = arith.constant 0 : i32
      %dma_start3A_143 = tpu.memref_slice %arg9[%run_scoped3A_43, %dma_start3A_141, %dma_start3A_142] : memref<2x64x128xf32, #tpu.memory_space<vmem>> -> memref<1x64x128xf32, #tpu.memory_space<vmem>>
      %dma_start3A_144 = tpu.memref_squeeze %dma_start3A_143 : memref<1x64x128xf32, #tpu.memory_space<vmem>> -> memref<64x128xf32, #tpu.memory_space<vmem>>
      tpu.enqueue_dma source(%dma_start3A_144 : memref<64x128xf32, #tpu.memory_space<vmem>>) target(%dma_start3A_140 : memref<64x128xf32, #tpu.memory_space<vmem_shared>>) target_semaphore(%run_scoped3A_132 : memref<!tpu.dma_semaphore, #tpu.memory_space<semaphore_mem>>)
      %dma_wait3A_145 = arith.constant 0 : i32
      %dma_wait3A_146 = arith.constant 0 : i32
      %dma_wait3A_147 = tpu.memref_slice %arg9[%run_scoped3A_43, %dma_wait3A_145, %dma_wait3A_146] : memref<2x64x128xf32, #tpu.memory_space<vmem>> -> memref<1x64x128xf32, #tpu.memory_space<vmem>>
      %dma_wait3A_148 = tpu.memref_squeeze %dma_wait3A_147 : memref<1x64x128xf32, #tpu.memory_space<vmem>> -> memref<64x128xf32, #tpu.memory_space<vmem>>
      %dma_wait3A_149 = arith.constant 0 : i32
      %dma_wait3A_150 = tpu.memref_slice %arg11[%add3A_42, %dma_wait3A_149] : memref<10112x128xf32, #tpu.memory_space<vmem_shared>> -> memref<64x128xf32, #tpu.memory_space<vmem_shared>>
      %dma_wait3A_151 = arith.constant 0 : i32
      %dma_wait3A_152 = tpu.memref_slice %arg11[%add3A_42, %dma_wait3A_151] : memref<10112x128xf32, #tpu.memory_space<vmem_shared>> -> memref<64x128xf32, #tpu.memory_space<vmem_shared>>
      %dma_wait3A_153 = arith.constant 0 : i32
      %dma_wait3A_154 = arith.constant 0 : i32
      %dma_wait3A_155 = tpu.memref_slice %arg9[%run_scoped3A_43, %dma_wait3A_153, %dma_wait3A_154] : memref<2x64x128xf32, #tpu.memory_space<vmem>> -> memref<1x64x128xf32, #tpu.memory_space<vmem>>
      %dma_wait3A_156 = tpu.memref_squeeze %dma_wait3A_155 : memref<1x64x128xf32, #tpu.memory_space<vmem>> -> memref<64x128xf32, #tpu.memory_space<vmem>>
      tpu.wait_dma2 semaphore(%run_scoped3A_132 : memref<!tpu.dma_semaphore, #tpu.memory_space<semaphore_mem>>) src(%dma_wait3A_156 : memref<64x128xf32, #tpu.memory_space<vmem>>) dst(%dma_wait3A_152 : memref<64x128xf32, #tpu.memory_space<vmem_shared>>)
      tpu.yield
    }) : () -> ()
    %mul3A_44 = arith.constant 632 : i32
    %mul3A_45 = arith.muli %arg1, %mul3A_44 : i32
    %add3A_46 = arith.constant 384 : i32
    %add3A_47 = arith.addi %mul3A_45, %add3A_46 : i32
    %run_scoped3A_48 = arith.constant 0 : i32
    "tpu.region"() ({
      %run_scoped3A_132 = tpu.sem_alloc : memref<!tpu.dma_semaphore, #tpu.memory_space<semaphore_mem>>
      %dma_start3A_133 = arith.constant 0 : i32
      %dma_start3A_134 = arith.constant 0 : i32
      %dma_start3A_135 = tpu.memref_slice %arg9[%run_scoped3A_48, %dma_start3A_133, %dma_start3A_134] : memref<2x64x128xf32, #tpu.memory_space<vmem>> -> memref<1x64x128xf32, #tpu.memory_space<vmem>>
      %dma_start3A_136 = tpu.memref_squeeze %dma_start3A_135 : memref<1x64x128xf32, #tpu.memory_space<vmem>> -> memref<64x128xf32, #tpu.memory_space<vmem>>
      %dma_start3A_137 = arith.constant 0 : i32
      %dma_start3A_138 = tpu.memref_slice %arg11[%add3A_47, %dma_start3A_137] : memref<10112x128xf32, #tpu.memory_space<vmem_shared>> -> memref<64x128xf32, #tpu.memory_space<vmem_shared>>
      %dma_start3A_139 = arith.constant 0 : i32
      %dma_start3A_140 = tpu.memref_slice %arg11[%add3A_47, %dma_start3A_139] : memref<10112x128xf32, #tpu.memory_space<vmem_shared>> -> memref<64x128xf32, #tpu.memory_space<vmem_shared>>
      %dma_start3A_141 = arith.constant 0 : i32
      %dma_start3A_142 = arith.constant 0 : i32
      %dma_start3A_143 = tpu.memref_slice %arg9[%run_scoped3A_48, %dma_start3A_141, %dma_start3A_142] : memref<2x64x128xf32, #tpu.memory_space<vmem>> -> memref<1x64x128xf32, #tpu.memory_space<vmem>>
      %dma_start3A_144 = tpu.memref_squeeze %dma_start3A_143 : memref<1x64x128xf32, #tpu.memory_space<vmem>> -> memref<64x128xf32, #tpu.memory_space<vmem>>
      tpu.enqueue_dma source(%dma_start3A_144 : memref<64x128xf32, #tpu.memory_space<vmem>>) target(%dma_start3A_140 : memref<64x128xf32, #tpu.memory_space<vmem_shared>>) target_semaphore(%run_scoped3A_132 : memref<!tpu.dma_semaphore, #tpu.memory_space<semaphore_mem>>)
      %dma_wait3A_145 = arith.constant 0 : i32
      %dma_wait3A_146 = arith.constant 0 : i32
      %dma_wait3A_147 = tpu.memref_slice %arg9[%run_scoped3A_48, %dma_wait3A_145, %dma_wait3A_146] : memref<2x64x128xf32, #tpu.memory_space<vmem>> -> memref<1x64x128xf32, #tpu.memory_space<vmem>>
      %dma_wait3A_148 = tpu.memref_squeeze %dma_wait3A_147 : memref<1x64x128xf32, #tpu.memory_space<vmem>> -> memref<64x128xf32, #tpu.memory_space<vmem>>
      %dma_wait3A_149 = arith.constant 0 : i32
      %dma_wait3A_150 = tpu.memref_slice %arg11[%add3A_47, %dma_wait3A_149] : memref<10112x128xf32, #tpu.memory_space<vmem_shared>> -> memref<64x128xf32, #tpu.memory_space<vmem_shared>>
      %dma_wait3A_151 = arith.constant 0 : i32
      %dma_wait3A_152 = tpu.memref_slice %arg11[%add3A_47, %dma_wait3A_151] : memref<10112x128xf32, #tpu.memory_space<vmem_shared>> -> memref<64x128xf32, #tpu.memory_space<vmem_shared>>
      %dma_wait3A_153 = arith.constant 0 : i32
      %dma_wait3A_154 = arith.constant 0 : i32
      %dma_wait3A_155 = tpu.memref_slice %arg9[%run_scoped3A_48, %dma_wait3A_153, %dma_wait3A_154] : memref<2x64x128xf32, #tpu.memory_space<vmem>> -> memref<1x64x128xf32, #tpu.memory_space<vmem>>
      %dma_wait3A_156 = tpu.memref_squeeze %dma_wait3A_155 : memref<1x64x128xf32, #tpu.memory_space<vmem>> -> memref<64x128xf32, #tpu.memory_space<vmem>>
      tpu.wait_dma2 semaphore(%run_scoped3A_132 : memref<!tpu.dma_semaphore, #tpu.memory_space<semaphore_mem>>) src(%dma_wait3A_156 : memref<64x128xf32, #tpu.memory_space<vmem>>) dst(%dma_wait3A_152 : memref<64x128xf32, #tpu.memory_space<vmem_shared>>)
      tpu.yield
    }) : () -> ()
    %mul3A_49 = arith.constant 632 : i32
    %mul3A_50 = arith.muli %arg1, %mul3A_49 : i32
    %add3A_51 = arith.constant 448 : i32
    %add3A_52 = arith.addi %mul3A_50, %add3A_51 : i32
    %run_scoped3A_53 = arith.constant 0 : i32
    "tpu.region"() ({
      %run_scoped3A_132 = tpu.sem_alloc : memref<!tpu.dma_semaphore, #tpu.memory_space<semaphore_mem>>
      %dma_start3A_133 = arith.constant 0 : i32
      %dma_start3A_134 = arith.constant 0 : i32
      %dma_start3A_135 = tpu.memref_slice %arg9[%run_scoped3A_53, %dma_start3A_133, %dma_start3A_134] : memref<2x64x128xf32, #tpu.memory_space<vmem>> -> memref<1x64x128xf32, #tpu.memory_space<vmem>>
      %dma_start3A_136 = tpu.memref_squeeze %dma_start3A_135 : memref<1x64x128xf32, #tpu.memory_space<vmem>> -> memref<64x128xf32, #tpu.memory_space<vmem>>
      %dma_start3A_137 = arith.constant 0 : i32
      %dma_start3A_138 = tpu.memref_slice %arg11[%add3A_52, %dma_start3A_137] : memref<10112x128xf32, #tpu.memory_space<vmem_shared>> -> memref<64x128xf32, #tpu.memory_space<vmem_shared>>
      %dma_start3A_139 = arith.constant 0 : i32
      %dma_start3A_140 = tpu.memref_slice %arg11[%add3A_52, %dma_start3A_139] : memref<10112x128xf32, #tpu.memory_space<vmem_shared>> -> memref<64x128xf32, #tpu.memory_space<vmem_shared>>
      %dma_start3A_141 = arith.constant 0 : i32
      %dma_start3A_142 = arith.constant 0 : i32
      %dma_start3A_143 = tpu.memref_slice %arg9[%run_scoped3A_53, %dma_start3A_141, %dma_start3A_142] : memref<2x64x128xf32, #tpu.memory_space<vmem>> -> memref<1x64x128xf32, #tpu.memory_space<vmem>>
      %dma_start3A_144 = tpu.memref_squeeze %dma_start3A_143 : memref<1x64x128xf32, #tpu.memory_space<vmem>> -> memref<64x128xf32, #tpu.memory_space<vmem>>
      tpu.enqueue_dma source(%dma_start3A_144 : memref<64x128xf32, #tpu.memory_space<vmem>>) target(%dma_start3A_140 : memref<64x128xf32, #tpu.memory_space<vmem_shared>>) target_semaphore(%run_scoped3A_132 : memref<!tpu.dma_semaphore, #tpu.memory_space<semaphore_mem>>)
      %dma_wait3A_145 = arith.constant 0 : i32
      %dma_wait3A_146 = arith.constant 0 : i32
      %dma_wait3A_147 = tpu.memref_slice %arg9[%run_scoped3A_53, %dma_wait3A_145, %dma_wait3A_146] : memref<2x64x128xf32, #tpu.memory_space<vmem>> -> memref<1x64x128xf32, #tpu.memory_space<vmem>>
      %dma_wait3A_148 = tpu.memref_squeeze %dma_wait3A_147 : memref<1x64x128xf32, #tpu.memory_space<vmem>> -> memref<64x128xf32, #tpu.memory_space<vmem>>
      %dma_wait3A_149 = arith.constant 0 : i32
      %dma_wait3A_150 = tpu.memref_slice %arg11[%add3A_52, %dma_wait3A_149] : memref<10112x128xf32, #tpu.memory_space<vmem_shared>> -> memref<64x128xf32, #tpu.memory_space<vmem_shared>>
      %dma_wait3A_151 = arith.constant 0 : i32
      %dma_wait3A_152 = tpu.memref_slice %arg11[%add3A_52, %dma_wait3A_151] : memref<10112x128xf32, #tpu.memory_space<vmem_shared>> -> memref<64x128xf32, #tpu.memory_space<vmem_shared>>
      %dma_wait3A_153 = arith.constant 0 : i32
      %dma_wait3A_154 = arith.constant 0 : i32
      %dma_wait3A_155 = tpu.memref_slice %arg9[%run_scoped3A_53, %dma_wait3A_153, %dma_wait3A_154] : memref<2x64x128xf32, #tpu.memory_space<vmem>> -> memref<1x64x128xf32, #tpu.memory_space<vmem>>
      %dma_wait3A_156 = tpu.memref_squeeze %dma_wait3A_155 : memref<1x64x128xf32, #tpu.memory_space<vmem>> -> memref<64x128xf32, #tpu.memory_space<vmem>>
      tpu.wait_dma2 semaphore(%run_scoped3A_132 : memref<!tpu.dma_semaphore, #tpu.memory_space<semaphore_mem>>) src(%dma_wait3A_156 : memref<64x128xf32, #tpu.memory_space<vmem>>) dst(%dma_wait3A_152 : memref<64x128xf32, #tpu.memory_space<vmem_shared>>)
      tpu.yield
    }) : () -> ()
    %mul3A_54 = arith.constant 632 : i32
    %mul3A_55 = arith.muli %arg1, %mul3A_54 : i32
    %add3A_56 = arith.constant 512 : i32
    %add3A_57 = arith.addi %mul3A_55, %add3A_56 : i32
    %run_scoped3A_58 = arith.constant 0 : i32
    "tpu.region"() ({
      %run_scoped3A_132 = tpu.sem_alloc : memref<!tpu.dma_semaphore, #tpu.memory_space<semaphore_mem>>
      %dma_start3A_133 = arith.constant 0 : i32
      %dma_start3A_134 = arith.constant 0 : i32
      %dma_start3A_135 = tpu.memref_slice %arg9[%run_scoped3A_58, %dma_start3A_133, %dma_start3A_134] : memref<2x64x128xf32, #tpu.memory_space<vmem>> -> memref<1x64x128xf32, #tpu.memory_space<vmem>>
      %dma_start3A_136 = tpu.memref_squeeze %dma_start3A_135 : memref<1x64x128xf32, #tpu.memory_space<vmem>> -> memref<64x128xf32, #tpu.memory_space<vmem>>
      %dma_start3A_137 = arith.constant 0 : i32
      %dma_start3A_138 = tpu.memref_slice %arg11[%add3A_57, %dma_start3A_137] : memref<10112x128xf32, #tpu.memory_space<vmem_shared>> -> memref<64x128xf32, #tpu.memory_space<vmem_shared>>
      %dma_start3A_139 = arith.constant 0 : i32
      %dma_start3A_140 = tpu.memref_slice %arg11[%add3A_57, %dma_start3A_139] : memref<10112x128xf32, #tpu.memory_space<vmem_shared>> -> memref<64x128xf32, #tpu.memory_space<vmem_shared>>
      %dma_start3A_141 = arith.constant 0 : i32
      %dma_start3A_142 = arith.constant 0 : i32
      %dma_start3A_143 = tpu.memref_slice %arg9[%run_scoped3A_58, %dma_start3A_141, %dma_start3A_142] : memref<2x64x128xf32, #tpu.memory_space<vmem>> -> memref<1x64x128xf32, #tpu.memory_space<vmem>>
      %dma_start3A_144 = tpu.memref_squeeze %dma_start3A_143 : memref<1x64x128xf32, #tpu.memory_space<vmem>> -> memref<64x128xf32, #tpu.memory_space<vmem>>
      tpu.enqueue_dma source(%dma_start3A_144 : memref<64x128xf32, #tpu.memory_space<vmem>>) target(%dma_start3A_140 : memref<64x128xf32, #tpu.memory_space<vmem_shared>>) target_semaphore(%run_scoped3A_132 : memref<!tpu.dma_semaphore, #tpu.memory_space<semaphore_mem>>)
      %dma_wait3A_145 = arith.constant 0 : i32
      %dma_wait3A_146 = arith.constant 0 : i32
      %dma_wait3A_147 = tpu.memref_slice %arg9[%run_scoped3A_58, %dma_wait3A_145, %dma_wait3A_146] : memref<2x64x128xf32, #tpu.memory_space<vmem>> -> memref<1x64x128xf32, #tpu.memory_space<vmem>>
      %dma_wait3A_148 = tpu.memref_squeeze %dma_wait3A_147 : memref<1x64x128xf32, #tpu.memory_space<vmem>> -> memref<64x128xf32, #tpu.memory_space<vmem>>
      %dma_wait3A_149 = arith.constant 0 : i32
      %dma_wait3A_150 = tpu.memref_slice %arg11[%add3A_57, %dma_wait3A_149] : memref<10112x128xf32, #tpu.memory_space<vmem_shared>> -> memref<64x128xf32, #tpu.memory_space<vmem_shared>>
      %dma_wait3A_151 = arith.constant 0 : i32
      %dma_wait3A_152 = tpu.memref_slice %arg11[%add3A_57, %dma_wait3A_151] : memref<10112x128xf32, #tpu.memory_space<vmem_shared>> -> memref<64x128xf32, #tpu.memory_space<vmem_shared>>
      %dma_wait3A_153 = arith.constant 0 : i32
      %dma_wait3A_154 = arith.constant 0 : i32
      %dma_wait3A_155 = tpu.memref_slice %arg9[%run_scoped3A_58, %dma_wait3A_153, %dma_wait3A_154] : memref<2x64x128xf32, #tpu.memory_space<vmem>> -> memref<1x64x128xf32, #tpu.memory_space<vmem>>
      %dma_wait3A_156 = tpu.memref_squeeze %dma_wait3A_155 : memref<1x64x128xf32, #tpu.memory_space<vmem>> -> memref<64x128xf32, #tpu.memory_space<vmem>>
      tpu.wait_dma2 semaphore(%run_scoped3A_132 : memref<!tpu.dma_semaphore, #tpu.memory_space<semaphore_mem>>) src(%dma_wait3A_156 : memref<64x128xf32, #tpu.memory_space<vmem>>) dst(%dma_wait3A_152 : memref<64x128xf32, #tpu.memory_space<vmem_shared>>)
      tpu.yield
    }) : () -> ()
    %mul3A_59 = arith.constant 632 : i32
    %mul3A_60 = arith.muli %arg1, %mul3A_59 : i32
    %add3A_61 = arith.constant 576 : i32
    %add3A_62 = arith.addi %mul3A_60, %add3A_61 : i32
    %run_scoped3A_63 = arith.constant 0 : i32
    "tpu.region"() ({
      %run_scoped3A_132 = tpu.sem_alloc : memref<!tpu.dma_semaphore, #tpu.memory_space<semaphore_mem>>
      %dma_start3A_133 = arith.constant 0 : i32
      %dma_start3A_134 = arith.constant 0 : i32
      %dma_start3A_135 = tpu.memref_slice %arg9[%run_scoped3A_63, %dma_start3A_133, %dma_start3A_134] : memref<2x64x128xf32, #tpu.memory_space<vmem>> -> memref<1x56x128xf32, #tpu.memory_space<vmem>>
      %dma_start3A_136 = tpu.memref_squeeze %dma_start3A_135 : memref<1x56x128xf32, #tpu.memory_space<vmem>> -> memref<56x128xf32, #tpu.memory_space<vmem>>
      %dma_start3A_137 = arith.constant 0 : i32
      %dma_start3A_138 = tpu.memref_slice %arg11[%add3A_62, %dma_start3A_137] : memref<10112x128xf32, #tpu.memory_space<vmem_shared>> -> memref<56x128xf32, #tpu.memory_space<vmem_shared>>
      %dma_start3A_139 = arith.constant 0 : i32
      %dma_start3A_140 = tpu.memref_slice %arg11[%add3A_62, %dma_start3A_139] : memref<10112x128xf32, #tpu.memory_space<vmem_shared>> -> memref<56x128xf32, #tpu.memory_space<vmem_shared>>
      %dma_start3A_141 = arith.constant 0 : i32
      %dma_start3A_142 = arith.constant 0 : i32
      %dma_start3A_143 = tpu.memref_slice %arg9[%run_scoped3A_63, %dma_start3A_141, %dma_start3A_142] : memref<2x64x128xf32, #tpu.memory_space<vmem>> -> memref<1x56x128xf32, #tpu.memory_space<vmem>>
      %dma_start3A_144 = tpu.memref_squeeze %dma_start3A_143 : memref<1x56x128xf32, #tpu.memory_space<vmem>> -> memref<56x128xf32, #tpu.memory_space<vmem>>
      tpu.enqueue_dma source(%dma_start3A_144 : memref<56x128xf32, #tpu.memory_space<vmem>>) target(%dma_start3A_140 : memref<56x128xf32, #tpu.memory_space<vmem_shared>>) target_semaphore(%run_scoped3A_132 : memref<!tpu.dma_semaphore, #tpu.memory_space<semaphore_mem>>)
      %dma_wait3A_145 = arith.constant 0 : i32
      %dma_wait3A_146 = arith.constant 0 : i32
      %dma_wait3A_147 = tpu.memref_slice %arg9[%run_scoped3A_63, %dma_wait3A_145, %dma_wait3A_146] : memref<2x64x128xf32, #tpu.memory_space<vmem>> -> memref<1x56x128xf32, #tpu.memory_space<vmem>>
      %dma_wait3A_148 = tpu.memref_squeeze %dma_wait3A_147 : memref<1x56x128xf32, #tpu.memory_space<vmem>> -> memref<56x128xf32, #tpu.memory_space<vmem>>
      %dma_wait3A_149 = arith.constant 0 : i32
      %dma_wait3A_150 = tpu.memref_slice %arg11[%add3A_62, %dma_wait3A_149] : memref<10112x128xf32, #tpu.memory_space<vmem_shared>> -> memref<56x128xf32, #tpu.memory_space<vmem_shared>>
      %dma_wait3A_151 = arith.constant 0 : i32
      %dma_wait3A_152 = tpu.memref_slice %arg11[%add3A_62, %dma_wait3A_151] : memref<10112x128xf32, #tpu.memory_space<vmem_shared>> -> memref<56x128xf32, #tpu.memory_space<vmem_shared>>
      %dma_wait3A_153 = arith.constant 0 : i32
      %dma_wait3A_154 = arith.constant 0 : i32
      %dma_wait3A_155 = tpu.memref_slice %arg9[%run_scoped3A_63, %dma_wait3A_153, %dma_wait3A_154] : memref<2x64x128xf32, #tpu.memory_space<vmem>> -> memref<1x56x128xf32, #tpu.memory_space<vmem>>
      %dma_wait3A_156 = tpu.memref_squeeze %dma_wait3A_155 : memref<1x56x128xf32, #tpu.memory_space<vmem>> -> memref<56x128xf32, #tpu.memory_space<vmem>>
      tpu.wait_dma2 semaphore(%run_scoped3A_132 : memref<!tpu.dma_semaphore, #tpu.memory_space<semaphore_mem>>) src(%dma_wait3A_156 : memref<56x128xf32, #tpu.memory_space<vmem>>) dst(%dma_wait3A_152 : memref<56x128xf32, #tpu.memory_space<vmem_shared>>)
      tpu.yield
    }) : () -> ()
    %barrier3A = arith.constant 0 : index
    tpu.barrier barrier_id(%barrier3A)
    %dma_start3A = arith.constant 0 : i32
    %dma_start3A_64 = arith.constant 0 : i32
    %dma_start3A_65 = arith.constant 0 : i32
    %dma_start3A_66 = arith.constant 0 : i32
    %dma_start3A_67 = arith.constant 0 : i32
    %dma_start3A_68 = tpu.memref_slice %arg9[%dma_start3A_64, %dma_start3A_66, %dma_start3A_67] : memref<2x64x128xf32, #tpu.memory_space<vmem>> -> memref<1x64x128xf32, #tpu.memory_space<vmem>>
    %dma_start3A_69 = tpu.memref_squeeze %dma_start3A_68 : memref<1x64x128xf32, #tpu.memory_space<vmem>> -> memref<64x128xf32, #tpu.memory_space<vmem>>
    %dma_start3A_70 = arith.constant 0 : i32
    %dma_start3A_71 = tpu.memref_slice %arg7[%dma_start3A, %dma_start3A_70] : memref<96x64xi32, #tpu.memory_space<vmem>> -> memref<1x64xi32, #tpu.memory_space<vmem>>
    %dma_start3A_72 = tpu.memref_squeeze %dma_start3A_71 : memref<1x64xi32, #tpu.memory_space<vmem>> -> memref<64xi32, #tpu.memory_space<vmem>>
    %dma_start3A_73 = arith.constant 0 : i32
    %dma_start3A_74 = arith.constant 0 : i32
    %dma_start3A_75 = tpu.memref_slice %arg2[%dma_start3A_73, %dma_start3A_74] : memref<10000x128xf32, #tpu.memory_space<hbm>> -> memref<10000x128xf32, #tpu.memory_space<hbm>>
    %dma_start3A_76 = tpu.memref_slice %arg12[%dma_start3A_65] : memref<2x!tpu.dma_semaphore, #tpu.memory_space<semaphore_mem>> -> memref<1x!tpu.dma_semaphore, #tpu.memory_space<semaphore_mem>>
    %dma_start3A_77 = tpu.memref_squeeze %dma_start3A_76 : memref<1x!tpu.dma_semaphore, #tpu.memory_space<semaphore_mem>> -> memref<!tpu.dma_semaphore, #tpu.memory_space<semaphore_mem>>
    tpu.enqueue_indirect_dma source(%dma_start3A_75 : memref<10000x128xf32, #tpu.memory_space<hbm>>) target(%dma_start3A_69 : memref<64x128xf32, #tpu.memory_space<vmem>>) offsets(%dma_start3A_72 : memref<64xi32, #tpu.memory_space<vmem>>) semaphore(%dma_start3A_77 : memref<!tpu.dma_semaphore, #tpu.memory_space<semaphore_mem>>)
    %add3A_78 = arith.constant 0 : i32
    %add3A_79 = arith.addi %select_n3A_8, %add3A_78 : i32
    %mul3A_80 = arith.constant 64 : i32
    %mul3A_81 = arith.muli %add3A_79, %mul3A_80 : i32
    %dma_start3A_82 = arith.constant 0 : i32
    %dma_start3A_83 = tpu.memref_slice %arg3[%mul3A_81, %dma_start3A_82] : memref<163840x128xf32, #tpu.memory_space<hbm>> -> memref<64x128xf32, #tpu.memory_space<hbm>>
    %dma_start3A_84 = arith.constant 0 : i32
    %dma_start3A_85 = tpu.memref_slice %arg3[%mul3A_81, %dma_start3A_84] : memref<163840x128xf32, #tpu.memory_space<hbm>> -> memref<64x128xf32, #tpu.memory_space<hbm>>
    tpu.enqueue_dma source(%dma_start3A_85 : memref<64x128xf32, #tpu.memory_space<hbm>>) target(%arg10 : memref<64x128xf32, #tpu.memory_space<vmem>>) target_semaphore(%arg13 : memref<!tpu.dma_semaphore, #tpu.memory_space<semaphore_mem>>)
    %jit3A_86 = arith.constant 2 : i32
    %div3A = arith.divsi %select_n3A, %jit3A_86 : i32
    %sign3A = arith.constant 0 : i32
    %sign3A_87 = arith.cmpi sgt, %select_n3A, %sign3A : i32
    %sign3A_88 = arith.extui %sign3A_87 : i1 to i32
    %sign3A_89 = arith.constant 0 : i32
    %sign3A_90 = arith.cmpi slt, %select_n3A, %sign3A_89 : i32
    %sign3A_91 = arith.extui %sign3A_90 : i1 to i32
    %sign3A_92 = arith.subi %sign3A_88, %sign3A_91 : i32
    %sign3A_93 = arith.constant 0 : i32
    %sign3A_94 = arith.cmpi sgt, %jit3A_86, %sign3A_93 : i32
    %sign3A_95 = arith.extui %sign3A_94 : i1 to i32
    %sign3A_96 = arith.constant 0 : i32
    %sign3A_97 = arith.cmpi slt, %jit3A_86, %sign3A_96 : i32
    %sign3A_98 = arith.extui %sign3A_97 : i1 to i32
    %sign3A_99 = arith.subi %sign3A_95, %sign3A_98 : i32
    %ne3A = arith.cmpi ne, %sign3A_92, %sign3A_99 : i32
    %rem3A = arith.remsi %select_n3A, %jit3A_86 : i32
    %ne3A_100 = arith.constant 0 : i32
    %ne3A_101 = arith.cmpi ne, %rem3A, %ne3A_100 : i32
    %and3A = arith.andi %ne3A, %ne3A_101 : i1
    %sub3A = arith.constant 1 : i32
    %sub3A_102 = arith.subi %div3A, %sub3A : i32
    %select_n3A_103 = arith.select %and3A, %sub3A_102, %div3A : i32
    %while3A = arith.constant 0 : i32
    %while3A_104 = arith.constant 0 : i32
    %while3A_105 = arith.subi %select_n3A_103, %while3A_104 : i32
    %while3A_106 = arith.addi %while3A_104, %while3A_105 : i32
    %while3A_107 = arith.constant 1 : i32
    %while3A_108 = arith.divsi %while3A_105, %while3A_107 : i32
    %while3A_109 = arith.muli %while3A_108, %while3A_107 : i32
    %while3A_110 = arith.addi %while3A_104, %while3A_109 : i32
    %while3A_111 = arith.constant 1 : i32
    scf.for %while3A_132 = %while3A_104 to %while3A_110 step %while3A_111  : i32 {
      %mul3A_133 = arith.constant 2 : i32
      %mul3A_134 = arith.muli %mul3A_133, %while3A_132 : i32
      %add3A_135 = arith.constant 0 : i32
      %add3A_136 = arith.addi %mul3A_134, %add3A_135 : i32
      %ge3A = arith.constant 1 : i32
      %ge3A_137 = arith.cmpi sge, %add3A_136, %ge3A : i32
      %convert_element_type3A = arith.extui %ge3A_137 : i1 to i32
      %cond3A = arith.constant 0 : i32
      %cond3A_138 = arith.cmpi ne, %convert_element_type3A, %cond3A : i32
      scf.if %cond3A_138 {
        %dma_wait3A_246 = arith.constant 1 : i32
        %dma_wait3A_247 = arith.constant 0 : i32
        %dma_wait3A_248 = arith.constant 1 : i32
        %dma_wait3A_249 = arith.constant 0 : i32
        %dma_wait3A_250 = arith.constant 0 : i32
        %dma_wait3A_251 = tpu.memref_slice %arg9[%dma_wait3A_246, %dma_wait3A_249, %dma_wait3A_250] : memref<2x64x128xf32, #tpu.memory_space<vmem>> -> memref<1x64x128xf32, #tpu.memory_space<vmem>>
        %dma_wait3A_252 = tpu.memref_squeeze %dma_wait3A_251 : memref<1x64x128xf32, #tpu.memory_space<vmem>> -> memref<64x128xf32, #tpu.memory_space<vmem>>
        %dma_wait3A_253 = arith.constant 0 : i32
        %dma_wait3A_254 = tpu.memref_slice %arg8[%dma_wait3A_247, %dma_wait3A_253] : memref<96x64xi32, #tpu.memory_space<vmem>> -> memref<1x64xi32, #tpu.memory_space<vmem>>
        %dma_wait3A_255 = tpu.memref_squeeze %dma_wait3A_254 : memref<1x64xi32, #tpu.memory_space<vmem>> -> memref<64xi32, #tpu.memory_space<vmem>>
        %dma_wait3A_256 = arith.constant 0 : i32
        %dma_wait3A_257 = arith.constant 0 : i32
        %dma_wait3A_258 = tpu.memref_slice %arg11[%dma_wait3A_256, %dma_wait3A_257] : memref<10112x128xf32, #tpu.memory_space<vmem_shared>> -> memref<10112x128xf32, #tpu.memory_space<vmem_shared>>
        %dma_wait3A_259 = tpu.memref_slice %arg14[%dma_wait3A_248] : memref<2x!tpu.dma_semaphore, #tpu.memory_space<semaphore_mem>> -> memref<1x!tpu.dma_semaphore, #tpu.memory_space<semaphore_mem>>
        %dma_wait3A_260 = tpu.memref_squeeze %dma_wait3A_259 : memref<1x!tpu.dma_semaphore, #tpu.memory_space<semaphore_mem>> -> memref<!tpu.dma_semaphore, #tpu.memory_space<semaphore_mem>>
        tpu.wait_indirect_dma semaphore(%dma_wait3A_260 : memref<!tpu.dma_semaphore, #tpu.memory_space<semaphore_mem>>) src(%dma_wait3A_252 : memref<64x128xf32, #tpu.memory_space<vmem>>) dst(%dma_wait3A_258 : memref<10112x128xf32, #tpu.memory_space<vmem_shared>>)
      } else {
      }
      %add3A_139 = arith.constant 1 : i32
      %add3A_140 = arith.addi %add3A_136, %add3A_139 : i32
      %lt3A = arith.cmpi slt, %add3A_140, %select_n3A : i32
      %convert_element_type3A_141 = arith.extui %lt3A : i1 to i32
      %cond3A_142 = arith.constant 0 : i32
      %cond3A_143 = arith.cmpi ne, %convert_element_type3A_141, %cond3A_142 : i32
      scf.if %cond3A_143 {
        %add3A_246 = arith.constant 1 : i32
        %add3A_247 = arith.addi %add3A_136, %add3A_246 : i32
        %dma_start3A_248 = arith.constant 1 : i32
        %dma_start3A_249 = arith.constant 1 : i32
        %dma_start3A_250 = arith.constant 0 : i32
        %dma_start3A_251 = arith.constant 0 : i32
        %dma_start3A_252 = tpu.memref_slice %arg9[%dma_start3A_248, %dma_start3A_250, %dma_start3A_251] : memref<2x64x128xf32, #tpu.memory_space<vmem>> -> memref<1x64x128xf32, #tpu.memory_space<vmem>>
        %dma_start3A_253 = tpu.memref_squeeze %dma_start3A_252 : memref<1x64x128xf32, #tpu.memory_space<vmem>> -> memref<64x128xf32, #tpu.memory_space<vmem>>
        %dma_start3A_254 = arith.constant 0 : i32
        %dma_start3A_255 = tpu.memref_slice %arg7[%add3A_247, %dma_start3A_254] : memref<96x64xi32, #tpu.memory_space<vmem>> -> memref<1x64xi32, #tpu.memory_space<vmem>>
        %dma_start3A_256 = tpu.memref_squeeze %dma_start3A_255 : memref<1x64xi32, #tpu.memory_space<vmem>> -> memref<64xi32, #tpu.memory_space<vmem>>
        %dma_start3A_257 = arith.constant 0 : i32
        %dma_start3A_258 = arith.constant 0 : i32
        %dma_start3A_259 = tpu.memref_slice %arg2[%dma_start3A_257, %dma_start3A_258] : memref<10000x128xf32, #tpu.memory_space<hbm>> -> memref<10000x128xf32, #tpu.memory_space<hbm>>
        %dma_start3A_260 = tpu.memref_slice %arg12[%dma_start3A_249] : memref<2x!tpu.dma_semaphore, #tpu.memory_space<semaphore_mem>> -> memref<1x!tpu.dma_semaphore, #tpu.memory_space<semaphore_mem>>
        %dma_start3A_261 = tpu.memref_squeeze %dma_start3A_260 : memref<1x!tpu.dma_semaphore, #tpu.memory_space<semaphore_mem>> -> memref<!tpu.dma_semaphore, #tpu.memory_space<semaphore_mem>>
        tpu.enqueue_indirect_dma source(%dma_start3A_259 : memref<10000x128xf32, #tpu.memory_space<hbm>>) target(%dma_start3A_253 : memref<64x128xf32, #tpu.memory_space<vmem>>) offsets(%dma_start3A_256 : memref<64xi32, #tpu.memory_space<vmem>>) semaphore(%dma_start3A_261 : memref<!tpu.dma_semaphore, #tpu.memory_space<semaphore_mem>>)
      } else {
      }
      %dma_wait3A_144 = arith.constant 0 : i32
      %dma_wait3A_145 = arith.constant 0 : i32
      %dma_wait3A_146 = arith.constant 0 : i32
      %dma_wait3A_147 = arith.constant 0 : i32
      %dma_wait3A_148 = arith.constant 0 : i32
      %dma_wait3A_149 = tpu.memref_slice %arg9[%dma_wait3A_145, %dma_wait3A_147, %dma_wait3A_148] : memref<2x64x128xf32, #tpu.memory_space<vmem>> -> memref<1x64x128xf32, #tpu.memory_space<vmem>>
      %dma_wait3A_150 = tpu.memref_squeeze %dma_wait3A_149 : memref<1x64x128xf32, #tpu.memory_space<vmem>> -> memref<64x128xf32, #tpu.memory_space<vmem>>
      %dma_wait3A_151 = arith.constant 0 : i32
      %dma_wait3A_152 = tpu.memref_slice %arg7[%dma_wait3A_144, %dma_wait3A_151] : memref<96x64xi32, #tpu.memory_space<vmem>> -> memref<1x64xi32, #tpu.memory_space<vmem>>
      %dma_wait3A_153 = tpu.memref_squeeze %dma_wait3A_152 : memref<1x64xi32, #tpu.memory_space<vmem>> -> memref<64xi32, #tpu.memory_space<vmem>>
      %dma_wait3A_154 = arith.constant 0 : i32
      %dma_wait3A_155 = arith.constant 0 : i32
      %dma_wait3A_156 = tpu.memref_slice %arg2[%dma_wait3A_154, %dma_wait3A_155] : memref<10000x128xf32, #tpu.memory_space<hbm>> -> memref<10000x128xf32, #tpu.memory_space<hbm>>
      %dma_wait3A_157 = tpu.memref_slice %arg12[%dma_wait3A_146] : memref<2x!tpu.dma_semaphore, #tpu.memory_space<semaphore_mem>> -> memref<1x!tpu.dma_semaphore, #tpu.memory_space<semaphore_mem>>
      %dma_wait3A_158 = tpu.memref_squeeze %dma_wait3A_157 : memref<1x!tpu.dma_semaphore, #tpu.memory_space<semaphore_mem>> -> memref<!tpu.dma_semaphore, #tpu.memory_space<semaphore_mem>>
      tpu.wait_indirect_dma semaphore(%dma_wait3A_158 : memref<!tpu.dma_semaphore, #tpu.memory_space<semaphore_mem>>) src(%dma_wait3A_156 : memref<10000x128xf32, #tpu.memory_space<hbm>>) dst(%dma_wait3A_150 : memref<64x128xf32, #tpu.memory_space<vmem>>)
      %dma_wait3A_159 = arith.constant 0 : i32
      %dma_wait3A_160 = arith.constant 0 : i32
      %dma_wait3A_161 = tpu.memref_slice %arg3[%dma_wait3A_159, %dma_wait3A_160] : memref<163840x128xf32, #tpu.memory_space<hbm>> -> memref<64x128xf32, #tpu.memory_space<hbm>>
      %dma_wait3A_162 = arith.constant 0 : i32
      %dma_wait3A_163 = arith.constant 0 : i32
      %dma_wait3A_164 = tpu.memref_slice %arg3[%dma_wait3A_162, %dma_wait3A_163] : memref<163840x128xf32, #tpu.memory_space<hbm>> -> memref<64x128xf32, #tpu.memory_space<hbm>>
      tpu.wait_dma2 semaphore(%arg13 : memref<!tpu.dma_semaphore, #tpu.memory_space<semaphore_mem>>) src(%dma_wait3A_164 : memref<64x128xf32, #tpu.memory_space<hbm>>) dst(%arg10 : memref<64x128xf32, #tpu.memory_space<vmem>>)
      %parallel_loop3A = arith.constant 0 : i32
      %parallel_loop3A_165 = arith.constant 64 : i32
      %parallel_loop3A_166 = arith.constant 1 : i32
      scf.for %parallel_loop3A_246 = %parallel_loop3A to %parallel_loop3A_165 step %parallel_loop3A_166  : i32 {
        %parallel_loop3A_247 = arith.constant 0 : i32
        %parallel_loop3A_248 = arith.index_cast %parallel_loop3A_247 : i32 to index
        %parallel_loop3A_249 = arith.index_cast %parallel_loop3A_246 : i32 to index
        %parallel_loop3A_250 = arith.constant 0 : index
        %parallel_loop3A_251 = tpu.vector_load %arg9[%parallel_loop3A_248, %parallel_loop3A_249, %parallel_loop3A_250] {strides = array<i32>} : memref<2x64x128xf32, #tpu.memory_space<vmem>>, vector<1x1x16xf32>,
        %parallel_loop3A_252 = vector.shape_cast %parallel_loop3A_251 : vector<1x1x16xf32> to vector<16xf32>
        %parallel_loop3A_253 = arith.index_cast %parallel_loop3A_246 : i32 to index
        %parallel_loop3A_254 = arith.constant 0 : index
        %parallel_loop3A_255 = tpu.vector_load %arg10[%parallel_loop3A_253, %parallel_loop3A_254] {strides = array<i32>} : memref<64x128xf32, #tpu.memory_space<vmem>>, vector<1x16xf32>,
        %parallel_loop3A_256 = vector.shape_cast %parallel_loop3A_255 : vector<1x16xf32> to vector<16xf32>
        %parallel_loop3A_257 = arith.mulf %parallel_loop3A_252, %parallel_loop3A_256 : vector<16xf32>
        %parallel_loop3A_258 = arith.constant 0 : i32
        %parallel_loop3A_259 = arith.index_cast %parallel_loop3A_258 : i32 to index
        %parallel_loop3A_260 = arith.index_cast %parallel_loop3A_246 : i32 to index
        %parallel_loop3A_261 = arith.constant 0 : index
        %parallel_loop3A_262 = tpu.vector_load %arg9[%parallel_loop3A_259, %parallel_loop3A_260, %parallel_loop3A_261] {strides = array<i32>} : memref<2x64x128xf32, #tpu.memory_space<vmem>>, vector<1x1x16xf32>,
        %parallel_loop3A_263 = vector.shape_cast %parallel_loop3A_262 : vector<1x1x16xf32> to vector<16xf32>
        %parallel_loop3A_264 = vector.shape_cast %parallel_loop3A_257 : vector<16xf32> to vector<1x1x16xf32>
        tpu.vector_store %arg9[%parallel_loop3A_259, %parallel_loop3A_260, %parallel_loop3A_261], %parallel_loop3A_264 {strides = array<i32>} : memref<2x64x128xf32, #tpu.memory_space<vmem>>, vector<1x1x16xf32>,
        %parallel_loop3A_265 = arith.constant 0 : i32
        %parallel_loop3A_266 = arith.index_cast %parallel_loop3A_265 : i32 to index
        %parallel_loop3A_267 = arith.index_cast %parallel_loop3A_246 : i32 to index
        %parallel_loop3A_268 = arith.constant 16 : index
        %parallel_loop3A_269 = tpu.vector_load %arg9[%parallel_loop3A_266, %parallel_loop3A_267, %parallel_loop3A_268] {strides = array<i32>} : memref<2x64x128xf32, #tpu.memory_space<vmem>>, vector<1x1x16xf32>,
        %parallel_loop3A_270 = vector.shape_cast %parallel_loop3A_269 : vector<1x1x16xf32> to vector<16xf32>
        %parallel_loop3A_271 = arith.index_cast %parallel_loop3A_246 : i32 to index
        %parallel_loop3A_272 = arith.constant 16 : index
        %parallel_loop3A_273 = tpu.vector_load %arg10[%parallel_loop3A_271, %parallel_loop3A_272] {strides = array<i32>} : memref<64x128xf32, #tpu.memory_space<vmem>>, vector<1x16xf32>,
        %parallel_loop3A_274 = vector.shape_cast %parallel_loop3A_273 : vector<1x16xf32> to vector<16xf32>
        %parallel_loop3A_275 = arith.mulf %parallel_loop3A_270, %parallel_loop3A_274 : vector<16xf32>
        %parallel_loop3A_276 = arith.constant 0 : i32
        %parallel_loop3A_277 = arith.index_cast %parallel_loop3A_276 : i32 to index
        %parallel_loop3A_278 = arith.index_cast %parallel_loop3A_246 : i32 to index
        %parallel_loop3A_279 = arith.constant 16 : index
        %parallel_loop3A_280 = tpu.vector_load %arg9[%parallel_loop3A_277, %parallel_loop3A_278, %parallel_loop3A_279] {strides = array<i32>} : memref<2x64x128xf32, #tpu.memory_space<vmem>>, vector<1x1x16xf32>,
        %parallel_loop3A_281 = vector.shape_cast %parallel_loop3A_280 : vector<1x1x16xf32> to vector<16xf32>
        %parallel_loop3A_282 = vector.shape_cast %parallel_loop3A_275 : vector<16xf32> to vector<1x1x16xf32>
        tpu.vector_store %arg9[%parallel_loop3A_277, %parallel_loop3A_278, %parallel_loop3A_279], %parallel_loop3A_282 {strides = array<i32>} : memref<2x64x128xf32, #tpu.memory_space<vmem>>, vector<1x1x16xf32>,
        %parallel_loop3A_283 = arith.constant 0 : i32
        %parallel_loop3A_284 = arith.index_cast %parallel_loop3A_283 : i32 to index
        %parallel_loop3A_285 = arith.index_cast %parallel_loop3A_246 : i32 to index
        %parallel_loop3A_286 = arith.constant 32 : index
        %parallel_loop3A_287 = tpu.vector_load %arg9[%parallel_loop3A_284, %parallel_loop3A_285, %parallel_loop3A_286] {strides = array<i32>} : memref<2x64x128xf32, #tpu.memory_space<vmem>>, vector<1x1x16xf32>,
        %parallel_loop3A_288 = vector.shape_cast %parallel_loop3A_287 : vector<1x1x16xf32> to vector<16xf32>
        %parallel_loop3A_289 = arith.index_cast %parallel_loop3A_246 : i32 to index
        %parallel_loop3A_290 = arith.constant 32 : index
        %parallel_loop3A_291 = tpu.vector_load %arg10[%parallel_loop3A_289, %parallel_loop3A_290] {strides = array<i32>} : memref<64x128xf32, #tpu.memory_space<vmem>>, vector<1x16xf32>,
        %parallel_loop3A_292 = vector.shape_cast %parallel_loop3A_291 : vector<1x16xf32> to vector<16xf32>
        %parallel_loop3A_293 = arith.mulf %parallel_loop3A_288, %parallel_loop3A_292 : vector<16xf32>
        %parallel_loop3A_294 = arith.constant 0 : i32
        %parallel_loop3A_295 = arith.index_cast %parallel_loop3A_294 : i32 to index
        %parallel_loop3A_296 = arith.index_cast %parallel_loop3A_246 : i32 to index
        %parallel_loop3A_297 = arith.constant 32 : index
        %parallel_loop3A_298 = tpu.vector_load %arg9[%parallel_loop3A_295, %parallel_loop3A_296, %parallel_loop3A_297] {strides = array<i32>} : memref<2x64x128xf32, #tpu.memory_space<vmem>>, vector<1x1x16xf32>,
        %parallel_loop3A_299 = vector.shape_cast %parallel_loop3A_298 : vector<1x1x16xf32> to vector<16xf32>
        %parallel_loop3A_300 = vector.shape_cast %parallel_loop3A_293 : vector<16xf32> to vector<1x1x16xf32>
        tpu.vector_store %arg9[%parallel_loop3A_295, %parallel_loop3A_296, %parallel_loop3A_297], %parallel_loop3A_300 {strides = array<i32>} : memref<2x64x128xf32, #tpu.memory_space<vmem>>, vector<1x1x16xf32>,
        %parallel_loop3A_301 = arith.constant 0 : i32
        %parallel_loop3A_302 = arith.index_cast %parallel_loop3A_301 : i32 to index
        %parallel_loop3A_303 = arith.index_cast %parallel_loop3A_246 : i32 to index
        %parallel_loop3A_304 = arith.constant 48 : index
        %parallel_loop3A_305 = tpu.vector_load %arg9[%parallel_loop3A_302, %parallel_loop3A_303, %parallel_loop3A_304] {strides = array<i32>} : memref<2x64x128xf32, #tpu.memory_space<vmem>>, vector<1x1x16xf32>,
        %parallel_loop3A_306 = vector.shape_cast %parallel_loop3A_305 : vector<1x1x16xf32> to vector<16xf32>
        %parallel_loop3A_307 = arith.index_cast %parallel_loop3A_246 : i32 to index
        %parallel_loop3A_308 = arith.constant 48 : index
        %parallel_loop3A_309 = tpu.vector_load %arg10[%parallel_loop3A_307, %parallel_loop3A_308] {strides = array<i32>} : memref<64x128xf32, #tpu.memory_space<vmem>>, vector<1x16xf32>,
        %parallel_loop3A_310 = vector.shape_cast %parallel_loop3A_309 : vector<1x16xf32> to vector<16xf32>
        %parallel_loop3A_311 = arith.mulf %parallel_loop3A_306, %parallel_loop3A_310 : vector<16xf32>
        %parallel_loop3A_312 = arith.constant 0 : i32
        %parallel_loop3A_313 = arith.index_cast %parallel_loop3A_312 : i32 to index
        %parallel_loop3A_314 = arith.index_cast %parallel_loop3A_246 : i32 to index
        %parallel_loop3A_315 = arith.constant 48 : index
        %parallel_loop3A_316 = tpu.vector_load %arg9[%parallel_loop3A_313, %parallel_loop3A_314, %parallel_loop3A_315] {strides = array<i32>} : memref<2x64x128xf32, #tpu.memory_space<vmem>>, vector<1x1x16xf32>,
        %parallel_loop3A_317 = vector.shape_cast %parallel_loop3A_316 : vector<1x1x16xf32> to vector<16xf32>
        %parallel_loop3A_318 = vector.shape_cast %parallel_loop3A_311 : vector<16xf32> to vector<1x1x16xf32>
        tpu.vector_store %arg9[%parallel_loop3A_313, %parallel_loop3A_314, %parallel_loop3A_315], %parallel_loop3A_318 {strides = array<i32>} : memref<2x64x128xf32, #tpu.memory_space<vmem>>, vector<1x1x16xf32>,
        %parallel_loop3A_319 = arith.constant 0 : i32
        %parallel_loop3A_320 = arith.index_cast %parallel_loop3A_319 : i32 to index
        %parallel_loop3A_321 = arith.index_cast %parallel_loop3A_246 : i32 to index
        %parallel_loop3A_322 = arith.constant 64 : index
        %parallel_loop3A_323 = tpu.vector_load %arg9[%parallel_loop3A_320, %parallel_loop3A_321, %parallel_loop3A_322] {strides = array<i32>} : memref<2x64x128xf32, #tpu.memory_space<vmem>>, vector<1x1x16xf32>,
        %parallel_loop3A_324 = vector.shape_cast %parallel_loop3A_323 : vector<1x1x16xf32> to vector<16xf32>
        %parallel_loop3A_325 = arith.index_cast %parallel_loop3A_246 : i32 to index
        %parallel_loop3A_326 = arith.constant 64 : index
        %parallel_loop3A_327 = tpu.vector_load %arg10[%parallel_loop3A_325, %parallel_loop3A_326] {strides = array<i32>} : memref<64x128xf32, #tpu.memory_space<vmem>>, vector<1x16xf32>,
        %parallel_loop3A_328 = vector.shape_cast %parallel_loop3A_327 : vector<1x16xf32> to vector<16xf32>
        %parallel_loop3A_329 = arith.mulf %parallel_loop3A_324, %parallel_loop3A_328 : vector<16xf32>
        %parallel_loop3A_330 = arith.constant 0 : i32
        %parallel_loop3A_331 = arith.index_cast %parallel_loop3A_330 : i32 to index
        %parallel_loop3A_332 = arith.index_cast %parallel_loop3A_246 : i32 to index
        %parallel_loop3A_333 = arith.constant 64 : index
        %parallel_loop3A_334 = tpu.vector_load %arg9[%parallel_loop3A_331, %parallel_loop3A_332, %parallel_loop3A_333] {strides = array<i32>} : memref<2x64x128xf32, #tpu.memory_space<vmem>>, vector<1x1x16xf32>,
        %parallel_loop3A_335 = vector.shape_cast %parallel_loop3A_334 : vector<1x1x16xf32> to vector<16xf32>
        %parallel_loop3A_336 = vector.shape_cast %parallel_loop3A_329 : vector<16xf32> to vector<1x1x16xf32>
        tpu.vector_store %arg9[%parallel_loop3A_331, %parallel_loop3A_332, %parallel_loop3A_333], %parallel_loop3A_336 {strides = array<i32>} : memref<2x64x128xf32, #tpu.memory_space<vmem>>, vector<1x1x16xf32>,
        %parallel_loop3A_337 = arith.constant 0 : i32
        %parallel_loop3A_338 = arith.index_cast %parallel_loop3A_337 : i32 to index
        %parallel_loop3A_339 = arith.index_cast %parallel_loop3A_246 : i32 to index
        %parallel_loop3A_340 = arith.constant 80 : index
        %parallel_loop3A_341 = tpu.vector_load %arg9[%parallel_loop3A_338, %parallel_loop3A_339, %parallel_loop3A_340] {strides = array<i32>} : memref<2x64x128xf32, #tpu.memory_space<vmem>>, vector<1x1x16xf32>,
        %parallel_loop3A_342 = vector.shape_cast %parallel_loop3A_341 : vector<1x1x16xf32> to vector<16xf32>
        %parallel_loop3A_343 = arith.index_cast %parallel_loop3A_246 : i32 to index
        %parallel_loop3A_344 = arith.constant 80 : index
        %parallel_loop3A_345 = tpu.vector_load %arg10[%parallel_loop3A_343, %parallel_loop3A_344] {strides = array<i32>} : memref<64x128xf32, #tpu.memory_space<vmem>>, vector<1x16xf32>,
        %parallel_loop3A_346 = vector.shape_cast %parallel_loop3A_345 : vector<1x16xf32> to vector<16xf32>
        %parallel_loop3A_347 = arith.mulf %parallel_loop3A_342, %parallel_loop3A_346 : vector<16xf32>
        %parallel_loop3A_348 = arith.constant 0 : i32
        %parallel_loop3A_349 = arith.index_cast %parallel_loop3A_348 : i32 to index
        %parallel_loop3A_350 = arith.index_cast %parallel_loop3A_246 : i32 to index
        %parallel_loop3A_351 = arith.constant 80 : index
        %parallel_loop3A_352 = tpu.vector_load %arg9[%parallel_loop3A_349, %parallel_loop3A_350, %parallel_loop3A_351] {strides = array<i32>} : memref<2x64x128xf32, #tpu.memory_space<vmem>>, vector<1x1x16xf32>,
        %parallel_loop3A_353 = vector.shape_cast %parallel_loop3A_352 : vector<1x1x16xf32> to vector<16xf32>
        %parallel_loop3A_354 = vector.shape_cast %parallel_loop3A_347 : vector<16xf32> to vector<1x1x16xf32>
        tpu.vector_store %arg9[%parallel_loop3A_349, %parallel_loop3A_350, %parallel_loop3A_351], %parallel_loop3A_354 {strides = array<i32>} : memref<2x64x128xf32, #tpu.memory_space<vmem>>, vector<1x1x16xf32>,
        %parallel_loop3A_355 = arith.constant 0 : i32
        %parallel_loop3A_356 = arith.index_cast %parallel_loop3A_355 : i32 to index
        %parallel_loop3A_357 = arith.index_cast %parallel_loop3A_246 : i32 to index
        %parallel_loop3A_358 = arith.constant 96 : index
        %parallel_loop3A_359 = tpu.vector_load %arg9[%parallel_loop3A_356, %parallel_loop3A_357, %parallel_loop3A_358] {strides = array<i32>} : memref<2x64x128xf32, #tpu.memory_space<vmem>>, vector<1x1x16xf32>,
        %parallel_loop3A_360 = vector.shape_cast %parallel_loop3A_359 : vector<1x1x16xf32> to vector<16xf32>
        %parallel_loop3A_361 = arith.index_cast %parallel_loop3A_246 : i32 to index
        %parallel_loop3A_362 = arith.constant 96 : index
        %parallel_loop3A_363 = tpu.vector_load %arg10[%parallel_loop3A_361, %parallel_loop3A_362] {strides = array<i32>} : memref<64x128xf32, #tpu.memory_space<vmem>>, vector<1x16xf32>,
        %parallel_loop3A_364 = vector.shape_cast %parallel_loop3A_363 : vector<1x16xf32> to vector<16xf32>
        %parallel_loop3A_365 = arith.mulf %parallel_loop3A_360, %parallel_loop3A_364 : vector<16xf32>
        %parallel_loop3A_366 = arith.constant 0 : i32
        %parallel_loop3A_367 = arith.index_cast %parallel_loop3A_366 : i32 to index
        %parallel_loop3A_368 = arith.index_cast %parallel_loop3A_246 : i32 to index
        %parallel_loop3A_369 = arith.constant 96 : index
        %parallel_loop3A_370 = tpu.vector_load %arg9[%parallel_loop3A_367, %parallel_loop3A_368, %parallel_loop3A_369] {strides = array<i32>} : memref<2x64x128xf32, #tpu.memory_space<vmem>>, vector<1x1x16xf32>,
        %parallel_loop3A_371 = vector.shape_cast %parallel_loop3A_370 : vector<1x1x16xf32> to vector<16xf32>
        %parallel_loop3A_372 = vector.shape_cast %parallel_loop3A_365 : vector<16xf32> to vector<1x1x16xf32>
        tpu.vector_store %arg9[%parallel_loop3A_367, %parallel_loop3A_368, %parallel_loop3A_369], %parallel_loop3A_372 {strides = array<i32>} : memref<2x64x128xf32, #tpu.memory_space<vmem>>, vector<1x1x16xf32>,
        %parallel_loop3A_373 = arith.constant 0 : i32
        %parallel_loop3A_374 = arith.index_cast %parallel_loop3A_373 : i32 to index
        %parallel_loop3A_375 = arith.index_cast %parallel_loop3A_246 : i32 to index
        %parallel_loop3A_376 = arith.constant 112 : index
        %parallel_loop3A_377 = tpu.vector_load %arg9[%parallel_loop3A_374, %parallel_loop3A_375, %parallel_loop3A_376] {strides = array<i32>} : memref<2x64x128xf32, #tpu.memory_space<vmem>>, vector<1x1x16xf32>,
        %parallel_loop3A_378 = vector.shape_cast %parallel_loop3A_377 : vector<1x1x16xf32> to vector<16xf32>
        %parallel_loop3A_379 = arith.index_cast %parallel_loop3A_246 : i32 to index
        %parallel_loop3A_380 = arith.constant 112 : index
        %parallel_loop3A_381 = tpu.vector_load %arg10[%parallel_loop3A_379, %parallel_loop3A_380] {strides = array<i32>} : memref<64x128xf32, #tpu.memory_space<vmem>>, vector<1x16xf32>,
        %parallel_loop3A_382 = vector.shape_cast %parallel_loop3A_381 : vector<1x16xf32> to vector<16xf32>
        %parallel_loop3A_383 = arith.mulf %parallel_loop3A_378, %parallel_loop3A_382 : vector<16xf32>
        %parallel_loop3A_384 = arith.constant 0 : i32
        %parallel_loop3A_385 = arith.index_cast %parallel_loop3A_384 : i32 to index
        %parallel_loop3A_386 = arith.index_cast %parallel_loop3A_246 : i32 to index
        %parallel_loop3A_387 = arith.constant 112 : index
        %parallel_loop3A_388 = tpu.vector_load %arg9[%parallel_loop3A_385, %parallel_loop3A_386, %parallel_loop3A_387] {strides = array<i32>} : memref<2x64x128xf32, #tpu.memory_space<vmem>>, vector<1x1x16xf32>,
        %parallel_loop3A_389 = vector.shape_cast %parallel_loop3A_388 : vector<1x1x16xf32> to vector<16xf32>
        %parallel_loop3A_390 = vector.shape_cast %parallel_loop3A_383 : vector<16xf32> to vector<1x1x16xf32>
        tpu.vector_store %arg9[%parallel_loop3A_385, %parallel_loop3A_386, %parallel_loop3A_387], %parallel_loop3A_390 {strides = array<i32>} : memref<2x64x128xf32, #tpu.memory_space<vmem>>, vector<1x1x16xf32>,
      } {sc.loop_unroll_factor = 4 : i64, sc.parallel_access}
      %dma_start3A_167 = arith.constant 0 : i32
      %dma_start3A_168 = arith.constant 0 : i32
      %dma_start3A_169 = arith.constant 0 : i32
      %dma_start3A_170 = arith.constant 0 : i32
      %dma_start3A_171 = tpu.memref_slice %arg9[%dma_start3A_167, %dma_start3A_169, %dma_start3A_170] : memref<2x64x128xf32, #tpu.memory_space<vmem>> -> memref<1x64x128xf32, #tpu.memory_space<vmem>>
      %dma_start3A_172 = tpu.memref_squeeze %dma_start3A_171 : memref<1x64x128xf32, #tpu.memory_space<vmem>> -> memref<64x128xf32, #tpu.memory_space<vmem>>
      %dma_start3A_173 = arith.constant 0 : i32
      %dma_start3A_174 = tpu.memref_slice %arg8[%add3A_136, %dma_start3A_173] : memref<96x64xi32, #tpu.memory_space<vmem>> -> memref<1x64xi32, #tpu.memory_space<vmem>>
      %dma_start3A_175 = tpu.memref_squeeze %dma_start3A_174 : memref<1x64xi32, #tpu.memory_space<vmem>> -> memref<64xi32, #tpu.memory_space<vmem>>
      %dma_start3A_176 = arith.constant 0 : i32
      %dma_start3A_177 = arith.constant 0 : i32
      %dma_start3A_178 = tpu.memref_slice %arg11[%dma_start3A_176, %dma_start3A_177] : memref<10112x128xf32, #tpu.memory_space<vmem_shared>> -> memref<10112x128xf32, #tpu.memory_space<vmem_shared>>
      %dma_start3A_179 = tpu.memref_slice %arg14[%dma_start3A_168] : memref<2x!tpu.dma_semaphore, #tpu.memory_space<semaphore_mem>> -> memref<1x!tpu.dma_semaphore, #tpu.memory_space<semaphore_mem>>
      %dma_start3A_180 = tpu.memref_squeeze %dma_start3A_179 : memref<1x!tpu.dma_semaphore, #tpu.memory_space<semaphore_mem>> -> memref<!tpu.dma_semaphore, #tpu.memory_space<semaphore_mem>>
      tpu.enqueue_indirect_dma source(%dma_start3A_172 : memref<64x128xf32, #tpu.memory_space<vmem>>) target(%dma_start3A_178 : memref<10112x128xf32, #tpu.memory_space<vmem_shared>>) offsets(%dma_start3A_175 : memref<64xi32, #tpu.memory_space<vmem>>) semaphore(%dma_start3A_180 : memref<!tpu.dma_semaphore, #tpu.memory_space<semaphore_mem>>) {add = true}
      %add3A_181 = arith.constant 1 : i32
      %add3A_182 = arith.addi %add3A_136, %add3A_181 : i32
      %lt3A_183 = arith.cmpi slt, %add3A_182, %select_n3A : i32
      %convert_element_type3A_184 = arith.extui %lt3A_183 : i1 to i32
      %cond3A_185 = arith.constant 0 : i32
      %cond3A_186 = arith.cmpi ne, %convert_element_type3A_184, %cond3A_185 : i32
      scf.if %cond3A_186 {
        %add3A_246 = arith.constant 1 : i32
        %add3A_247 = arith.addi %add3A_136, %add3A_246 : i32
        %add3A_248 = arith.addi %select_n3A_8, %add3A_247 : i32
        %mul3A_249 = arith.constant 64 : i32
        %mul3A_250 = arith.muli %add3A_248, %mul3A_249 : i32
        %dma_start3A_251 = arith.constant 0 : i32
        %dma_start3A_252 = tpu.memref_slice %arg3[%mul3A_250, %dma_start3A_251] : memref<163840x128xf32, #tpu.memory_space<hbm>> -> memref<64x128xf32, #tpu.memory_space<hbm>>
        %dma_start3A_253 = arith.constant 0 : i32
        %dma_start3A_254 = tpu.memref_slice %arg3[%mul3A_250, %dma_start3A_253] : memref<163840x128xf32, #tpu.memory_space<hbm>> -> memref<64x128xf32, #tpu.memory_space<hbm>>
        tpu.enqueue_dma source(%dma_start3A_254 : memref<64x128xf32, #tpu.memory_space<hbm>>) target(%arg10 : memref<64x128xf32, #tpu.memory_space<vmem>>) target_semaphore(%arg13 : memref<!tpu.dma_semaphore, #tpu.memory_space<semaphore_mem>>)
      } else {
      }
      %mul3A_187 = arith.constant 2 : i32
      %mul3A_188 = arith.muli %mul3A_187, %while3A_132 : i32
      %add3A_189 = arith.constant 1 : i32
      %add3A_190 = arith.addi %mul3A_188, %add3A_189 : i32
      %ge3A_191 = arith.constant 1 : i32
      %ge3A_192 = arith.cmpi sge, %add3A_190, %ge3A_191 : i32
      %convert_element_type3A_193 = arith.extui %ge3A_192 : i1 to i32
      %cond3A_194 = arith.constant 0 : i32
      %cond3A_195 = arith.cmpi ne, %convert_element_type3A_193, %cond3A_194 : i32
      scf.if %cond3A_195 {
        %dma_wait3A_246 = arith.constant 0 : i32
        %dma_wait3A_247 = arith.constant 0 : i32
        %dma_wait3A_248 = arith.constant 0 : i32
        %dma_wait3A_249 = arith.constant 0 : i32
        %dma_wait3A_250 = arith.constant 0 : i32
        %dma_wait3A_251 = tpu.memref_slice %arg9[%dma_wait3A_246, %dma_wait3A_249, %dma_wait3A_250] : memref<2x64x128xf32, #tpu.memory_space<vmem>> -> memref<1x64x128xf32, #tpu.memory_space<vmem>>
        %dma_wait3A_252 = tpu.memref_squeeze %dma_wait3A_251 : memref<1x64x128xf32, #tpu.memory_space<vmem>> -> memref<64x128xf32, #tpu.memory_space<vmem>>
        %dma_wait3A_253 = arith.constant 0 : i32
        %dma_wait3A_254 = tpu.memref_slice %arg8[%dma_wait3A_247, %dma_wait3A_253] : memref<96x64xi32, #tpu.memory_space<vmem>> -> memref<1x64xi32, #tpu.memory_space<vmem>>
        %dma_wait3A_255 = tpu.memref_squeeze %dma_wait3A_254 : memref<1x64xi32, #tpu.memory_space<vmem>> -> memref<64xi32, #tpu.memory_space<vmem>>
        %dma_wait3A_256 = arith.constant 0 : i32
        %dma_wait3A_257 = arith.constant 0 : i32
        %dma_wait3A_258 = tpu.memref_slice %arg11[%dma_wait3A_256, %dma_wait3A_257] : memref<10112x128xf32, #tpu.memory_space<vmem_shared>> -> memref<10112x128xf32, #tpu.memory_space<vmem_shared>>
        %dma_wait3A_259 = tpu.memref_slice %arg14[%dma_wait3A_248] : memref<2x!tpu.dma_semaphore, #tpu.memory_space<semaphore_mem>> -> memref<1x!tpu.dma_semaphore, #tpu.memory_space<semaphore_mem>>
        %dma_wait3A_260 = tpu.memref_squeeze %dma_wait3A_259 : memref<1x!tpu.dma_semaphore, #tpu.memory_space<semaphore_mem>> -> memref<!tpu.dma_semaphore, #tpu.memory_space<semaphore_mem>>
        tpu.wait_indirect_dma semaphore(%dma_wait3A_260 : memref<!tpu.dma_semaphore, #tpu.memory_space<semaphore_mem>>) src(%dma_wait3A_252 : memref<64x128xf32, #tpu.memory_space<vmem>>) dst(%dma_wait3A_258 : memref<10112x128xf32, #tpu.memory_space<vmem_shared>>)
      } else {
      }
      %add3A_196 = arith.constant 1 : i32
      %add3A_197 = arith.addi %add3A_190, %add3A_196 : i32
      %lt3A_198 = arith.cmpi slt, %add3A_197, %select_n3A : i32
      %convert_element_type3A_199 = arith.extui %lt3A_198 : i1 to i32
      %cond3A_200 = arith.constant 0 : i32
      %cond3A_201 = arith.cmpi ne, %convert_element_type3A_199, %cond3A_200 : i32
      scf.if %cond3A_201 {
        %add3A_246 = arith.constant 1 : i32
        %add3A_247 = arith.addi %add3A_190, %add3A_246 : i32
        %dma_start3A_248 = arith.constant 0 : i32
        %dma_start3A_249 = arith.constant 0 : i32
        %dma_start3A_250 = arith.constant 0 : i32
        %dma_start3A_251 = arith.constant 0 : i32
        %dma_start3A_252 = tpu.memref_slice %arg9[%dma_start3A_248, %dma_start3A_250, %dma_start3A_251] : memref<2x64x128xf32, #tpu.memory_space<vmem>> -> memref<1x64x128xf32, #tpu.memory_space<vmem>>
        %dma_start3A_253 = tpu.memref_squeeze %dma_start3A_252 : memref<1x64x128xf32, #tpu.memory_space<vmem>> -> memref<64x128xf32, #tpu.memory_space<vmem>>
        %dma_start3A_254 = arith.constant 0 : i32
        %dma_start3A_255 = tpu.memref_slice %arg7[%add3A_247, %dma_start3A_254] : memref<96x64xi32, #tpu.memory_space<vmem>> -> memref<1x64xi32, #tpu.memory_space<vmem>>
        %dma_start3A_256 = tpu.memref_squeeze %dma_start3A_255 : memref<1x64xi32, #tpu.memory_space<vmem>> -> memref<64xi32, #tpu.memory_space<vmem>>
        %dma_start3A_257 = arith.constant 0 : i32
        %dma_start3A_258 = arith.constant 0 : i32
        %dma_start3A_259 = tpu.memref_slice %arg2[%dma_start3A_257, %dma_start3A_258] : memref<10000x128xf32, #tpu.memory_space<hbm>> -> memref<10000x128xf32, #tpu.memory_space<hbm>>
        %dma_start3A_260 = tpu.memref_slice %arg12[%dma_start3A_249] : memref<2x!tpu.dma_semaphore, #tpu.memory_space<semaphore_mem>> -> memref<1x!tpu.dma_semaphore, #tpu.memory_space<semaphore_mem>>
        %dma_start3A_261 = tpu.memref_squeeze %dma_start3A_260 : memref<1x!tpu.dma_semaphore, #tpu.memory_space<semaphore_mem>> -> memref<!tpu.dma_semaphore, #tpu.memory_space<semaphore_mem>>
        tpu.enqueue_indirect_dma source(%dma_start3A_259 : memref<10000x128xf32, #tpu.memory_space<hbm>>) target(%dma_start3A_253 : memref<64x128xf32, #tpu.memory_space<vmem>>) offsets(%dma_start3A_256 : memref<64xi32, #tpu.memory_space<vmem>>) semaphore(%dma_start3A_261 : memref<!tpu.dma_semaphore, #tpu.memory_space<semaphore_mem>>)
      } else {
      }
      %dma_wait3A_202 = arith.constant 0 : i32
      %dma_wait3A_203 = arith.constant 1 : i32
      %dma_wait3A_204 = arith.constant 1 : i32
      %dma_wait3A_205 = arith.constant 0 : i32
      %dma_wait3A_206 = arith.constant 0 : i32
      %dma_wait3A_207 = tpu.memref_slice %arg9[%dma_wait3A_203, %dma_wait3A_205, %dma_wait3A_206] : memref<2x64x128xf32, #tpu.memory_space<vmem>> -> memref<1x64x128xf32, #tpu.memory_space<vmem>>
      %dma_wait3A_208 = tpu.memref_squeeze %dma_wait3A_207 : memref<1x64x128xf32, #tpu.memory_space<vmem>> -> memref<64x128xf32, #tpu.memory_space<vmem>>
      %dma_wait3A_209 = arith.constant 0 : i32
      %dma_wait3A_210 = tpu.memref_slice %arg7[%dma_wait3A_202, %dma_wait3A_209] : memref<96x64xi32, #tpu.memory_space<vmem>> -> memref<1x64xi32, #tpu.memory_space<vmem>>
      %dma_wait3A_211 = tpu.memref_squeeze %dma_wait3A_210 : memref<1x64xi32, #tpu.memory_space<vmem>> -> memref<64xi32, #tpu.memory_space<vmem>>
      %dma_wait3A_212 = arith.constant 0 : i32
      %dma_wait3A_213 = arith.constant 0 : i32
      %dma_wait3A_214 = tpu.memref_slice %arg2[%dma_wait3A_212, %dma_wait3A_213] : memref<10000x128xf32, #tpu.memory_space<hbm>> -> memref<10000x128xf32, #tpu.memory_space<hbm>>
      %dma_wait3A_215 = tpu.memref_slice %arg12[%dma_wait3A_204] : memref<2x!tpu.dma_semaphore, #tpu.memory_space<semaphore_mem>> -> memref<1x!tpu.dma_semaphore, #tpu.memory_space<semaphore_mem>>
      %dma_wait3A_216 = tpu.memref_squeeze %dma_wait3A_215 : memref<1x!tpu.dma_semaphore, #tpu.memory_space<semaphore_mem>> -> memref<!tpu.dma_semaphore, #tpu.memory_space<semaphore_mem>>
      tpu.wait_indirect_dma semaphore(%dma_wait3A_216 : memref<!tpu.dma_semaphore, #tpu.memory_space<semaphore_mem>>) src(%dma_wait3A_214 : memref<10000x128xf32, #tpu.memory_space<hbm>>) dst(%dma_wait3A_208 : memref<64x128xf32, #tpu.memory_space<vmem>>)
      %dma_wait3A_217 = arith.constant 0 : i32
      %dma_wait3A_218 = arith.constant 0 : i32
      %dma_wait3A_219 = tpu.memref_slice %arg3[%dma_wait3A_217, %dma_wait3A_218] : memref<163840x128xf32, #tpu.memory_space<hbm>> -> memref<64x128xf32, #tpu.memory_space<hbm>>
      %dma_wait3A_220 = arith.constant 0 : i32
      %dma_wait3A_221 = arith.constant 0 : i32
      %dma_wait3A_222 = tpu.memref_slice %arg3[%dma_wait3A_220, %dma_wait3A_221] : memref<163840x128xf32, #tpu.memory_space<hbm>> -> memref<64x128xf32, #tpu.memory_space<hbm>>
      tpu.wait_dma2 semaphore(%arg13 : memref<!tpu.dma_semaphore, #tpu.memory_space<semaphore_mem>>) src(%dma_wait3A_222 : memref<64x128xf32, #tpu.memory_space<hbm>>) dst(%arg10 : memref<64x128xf32, #tpu.memory_space<vmem>>)
      %parallel_loop3A_223 = arith.constant 0 : i32
      %parallel_loop3A_224 = arith.constant 64 : i32
      %parallel_loop3A_225 = arith.constant 1 : i32
      scf.for %parallel_loop3A_246 = %parallel_loop3A_223 to %parallel_loop3A_224 step %parallel_loop3A_225  : i32 {
        %parallel_loop3A_247 = arith.constant 1 : i32
        %parallel_loop3A_248 = arith.index_cast %parallel_loop3A_247 : i32 to index
        %parallel_loop3A_249 = arith.index_cast %parallel_loop3A_246 : i32 to index
        %parallel_loop3A_250 = arith.constant 0 : index
        %parallel_loop3A_251 = tpu.vector_load %arg9[%parallel_loop3A_248, %parallel_loop3A_249, %parallel_loop3A_250] {strides = array<i32>} : memref<2x64x128xf32, #tpu.memory_space<vmem>>, vector<1x1x16xf32>,
        %parallel_loop3A_252 = vector.shape_cast %parallel_loop3A_251 : vector<1x1x16xf32> to vector<16xf32>
        %parallel_loop3A_253 = arith.index_cast %parallel_loop3A_246 : i32 to index
        %parallel_loop3A_254 = arith.constant 0 : index
        %parallel_loop3A_255 = tpu.vector_load %arg10[%parallel_loop3A_253, %parallel_loop3A_254] {strides = array<i32>} : memref<64x128xf32, #tpu.memory_space<vmem>>, vector<1x16xf32>,
        %parallel_loop3A_256 = vector.shape_cast %parallel_loop3A_255 : vector<1x16xf32> to vector<16xf32>
        %parallel_loop3A_257 = arith.mulf %parallel_loop3A_252, %parallel_loop3A_256 : vector<16xf32>
        %parallel_loop3A_258 = arith.constant 1 : i32
        %parallel_loop3A_259 = arith.index_cast %parallel_loop3A_258 : i32 to index
        %parallel_loop3A_260 = arith.index_cast %parallel_loop3A_246 : i32 to index
        %parallel_loop3A_261 = arith.constant 0 : index
        %parallel_loop3A_262 = tpu.vector_load %arg9[%parallel_loop3A_259, %parallel_loop3A_260, %parallel_loop3A_261] {strides = array<i32>} : memref<2x64x128xf32, #tpu.memory_space<vmem>>, vector<1x1x16xf32>,
        %parallel_loop3A_263 = vector.shape_cast %parallel_loop3A_262 : vector<1x1x16xf32> to vector<16xf32>
        %parallel_loop3A_264 = vector.shape_cast %parallel_loop3A_257 : vector<16xf32> to vector<1x1x16xf32>
        tpu.vector_store %arg9[%parallel_loop3A_259, %parallel_loop3A_260, %parallel_loop3A_261], %parallel_loop3A_264 {strides = array<i32>} : memref<2x64x128xf32, #tpu.memory_space<vmem>>, vector<1x1x16xf32>,
        %parallel_loop3A_265 = arith.constant 1 : i32
        %parallel_loop3A_266 = arith.index_cast %parallel_loop3A_265 : i32 to index
        %parallel_loop3A_267 = arith.index_cast %parallel_loop3A_246 : i32 to index
        %parallel_loop3A_268 = arith.constant 16 : index
        %parallel_loop3A_269 = tpu.vector_load %arg9[%parallel_loop3A_266, %parallel_loop3A_267, %parallel_loop3A_268] {strides = array<i32>} : memref<2x64x128xf32, #tpu.memory_space<vmem>>, vector<1x1x16xf32>,
        %parallel_loop3A_270 = vector.shape_cast %parallel_loop3A_269 : vector<1x1x16xf32> to vector<16xf32>
        %parallel_loop3A_271 = arith.index_cast %parallel_loop3A_246 : i32 to index
        %parallel_loop3A_272 = arith.constant 16 : index
        %parallel_loop3A_273 = tpu.vector_load %arg10[%parallel_loop3A_271, %parallel_loop3A_272] {strides = array<i32>} : memref<64x128xf32, #tpu.memory_space<vmem>>, vector<1x16xf32>,
        %parallel_loop3A_274 = vector.shape_cast %parallel_loop3A_273 : vector<1x16xf32> to vector<16xf32>
        %parallel_loop3A_275 = arith.mulf %parallel_loop3A_270, %parallel_loop3A_274 : vector<16xf32>
        %parallel_loop3A_276 = arith.constant 1 : i32
        %parallel_loop3A_277 = arith.index_cast %parallel_loop3A_276 : i32 to index
        %parallel_loop3A_278 = arith.index_cast %parallel_loop3A_246 : i32 to index
        %parallel_loop3A_279 = arith.constant 16 : index
        %parallel_loop3A_280 = tpu.vector_load %arg9[%parallel_loop3A_277, %parallel_loop3A_278, %parallel_loop3A_279] {strides = array<i32>} : memref<2x64x128xf32, #tpu.memory_space<vmem>>, vector<1x1x16xf32>,
        %parallel_loop3A_281 = vector.shape_cast %parallel_loop3A_280 : vector<1x1x16xf32> to vector<16xf32>
        %parallel_loop3A_282 = vector.shape_cast %parallel_loop3A_275 : vector<16xf32> to vector<1x1x16xf32>
        tpu.vector_store %arg9[%parallel_loop3A_277, %parallel_loop3A_278, %parallel_loop3A_279], %parallel_loop3A_282 {strides = array<i32>} : memref<2x64x128xf32, #tpu.memory_space<vmem>>, vector<1x1x16xf32>,
        %parallel_loop3A_283 = arith.constant 1 : i32
        %parallel_loop3A_284 = arith.index_cast %parallel_loop3A_283 : i32 to index
        %parallel_loop3A_285 = arith.index_cast %parallel_loop3A_246 : i32 to index
        %parallel_loop3A_286 = arith.constant 32 : index
        %parallel_loop3A_287 = tpu.vector_load %arg9[%parallel_loop3A_284, %parallel_loop3A_285, %parallel_loop3A_286] {strides = array<i32>} : memref<2x64x128xf32, #tpu.memory_space<vmem>>, vector<1x1x16xf32>,
        %parallel_loop3A_288 = vector.shape_cast %parallel_loop3A_287 : vector<1x1x16xf32> to vector<16xf32>
        %parallel_loop3A_289 = arith.index_cast %parallel_loop3A_246 : i32 to index
        %parallel_loop3A_290 = arith.constant 32 : index
        %parallel_loop3A_291 = tpu.vector_load %arg10[%parallel_loop3A_289, %parallel_loop3A_290] {strides = array<i32>} : memref<64x128xf32, #tpu.memory_space<vmem>>, vector<1x16xf32>,
        %parallel_loop3A_292 = vector.shape_cast %parallel_loop3A_291 : vector<1x16xf32> to vector<16xf32>
        %parallel_loop3A_293 = arith.mulf %parallel_loop3A_288, %parallel_loop3A_292 : vector<16xf32>
        %parallel_loop3A_294 = arith.constant 1 : i32
        %parallel_loop3A_295 = arith.index_cast %parallel_loop3A_294 : i32 to index
        %parallel_loop3A_296 = arith.index_cast %parallel_loop3A_246 : i32 to index
        %parallel_loop3A_297 = arith.constant 32 : index
        %parallel_loop3A_298 = tpu.vector_load %arg9[%parallel_loop3A_295, %parallel_loop3A_296, %parallel_loop3A_297] {strides = array<i32>} : memref<2x64x128xf32, #tpu.memory_space<vmem>>, vector<1x1x16xf32>,
        %parallel_loop3A_299 = vector.shape_cast %parallel_loop3A_298 : vector<1x1x16xf32> to vector<16xf32>
        %parallel_loop3A_300 = vector.shape_cast %parallel_loop3A_293 : vector<16xf32> to vector<1x1x16xf32>
        tpu.vector_store %arg9[%parallel_loop3A_295, %parallel_loop3A_296, %parallel_loop3A_297], %parallel_loop3A_300 {strides = array<i32>} : memref<2x64x128xf32, #tpu.memory_space<vmem>>, vector<1x1x16xf32>,
        %parallel_loop3A_301 = arith.constant 1 : i32
        %parallel_loop3A_302 = arith.index_cast %parallel_loop3A_301 : i32 to index
        %parallel_loop3A_303 = arith.index_cast %parallel_loop3A_246 : i32 to index
        %parallel_loop3A_304 = arith.constant 48 : index
        %parallel_loop3A_305 = tpu.vector_load %arg9[%parallel_loop3A_302, %parallel_loop3A_303, %parallel_loop3A_304] {strides = array<i32>} : memref<2x64x128xf32, #tpu.memory_space<vmem>>, vector<1x1x16xf32>,
        %parallel_loop3A_306 = vector.shape_cast %parallel_loop3A_305 : vector<1x1x16xf32> to vector<16xf32>
        %parallel_loop3A_307 = arith.index_cast %parallel_loop3A_246 : i32 to index
        %parallel_loop3A_308 = arith.constant 48 : index
        %parallel_loop3A_309 = tpu.vector_load %arg10[%parallel_loop3A_307, %parallel_loop3A_308] {strides = array<i32>} : memref<64x128xf32, #tpu.memory_space<vmem>>, vector<1x16xf32>,
        %parallel_loop3A_310 = vector.shape_cast %parallel_loop3A_309 : vector<1x16xf32> to vector<16xf32>
        %parallel_loop3A_311 = arith.mulf %parallel_loop3A_306, %parallel_loop3A_310 : vector<16xf32>
        %parallel_loop3A_312 = arith.constant 1 : i32
        %parallel_loop3A_313 = arith.index_cast %parallel_loop3A_312 : i32 to index
        %parallel_loop3A_314 = arith.index_cast %parallel_loop3A_246 : i32 to index
        %parallel_loop3A_315 = arith.constant 48 : index
        %parallel_loop3A_316 = tpu.vector_load %arg9[%parallel_loop3A_313, %parallel_loop3A_314, %parallel_loop3A_315] {strides = array<i32>} : memref<2x64x128xf32, #tpu.memory_space<vmem>>, vector<1x1x16xf32>,
        %parallel_loop3A_317 = vector.shape_cast %parallel_loop3A_316 : vector<1x1x16xf32> to vector<16xf32>
        %parallel_loop3A_318 = vector.shape_cast %parallel_loop3A_311 : vector<16xf32> to vector<1x1x16xf32>
        tpu.vector_store %arg9[%parallel_loop3A_313, %parallel_loop3A_314, %parallel_loop3A_315], %parallel_loop3A_318 {strides = array<i32>} : memref<2x64x128xf32, #tpu.memory_space<vmem>>, vector<1x1x16xf32>,
        %parallel_loop3A_319 = arith.constant 1 : i32
        %parallel_loop3A_320 = arith.index_cast %parallel_loop3A_319 : i32 to index
        %parallel_loop3A_321 = arith.index_cast %parallel_loop3A_246 : i32 to index
        %parallel_loop3A_322 = arith.constant 64 : index
        %parallel_loop3A_323 = tpu.vector_load %arg9[%parallel_loop3A_320, %parallel_loop3A_321, %parallel_loop3A_322] {strides = array<i32>} : memref<2x64x128xf32, #tpu.memory_space<vmem>>, vector<1x1x16xf32>,
        %parallel_loop3A_324 = vector.shape_cast %parallel_loop3A_323 : vector<1x1x16xf32> to vector<16xf32>
        %parallel_loop3A_325 = arith.index_cast %parallel_loop3A_246 : i32 to index
        %parallel_loop3A_326 = arith.constant 64 : index
        %parallel_loop3A_327 = tpu.vector_load %arg10[%parallel_loop3A_325, %parallel_loop3A_326] {strides = array<i32>} : memref<64x128xf32, #tpu.memory_space<vmem>>, vector<1x16xf32>,
        %parallel_loop3A_328 = vector.shape_cast %parallel_loop3A_327 : vector<1x16xf32> to vector<16xf32>
        %parallel_loop3A_329 = arith.mulf %parallel_loop3A_324, %parallel_loop3A_328 : vector<16xf32>
        %parallel_loop3A_330 = arith.constant 1 : i32
        %parallel_loop3A_331 = arith.index_cast %parallel_loop3A_330 : i32 to index
        %parallel_loop3A_332 = arith.index_cast %parallel_loop3A_246 : i32 to index
        %parallel_loop3A_333 = arith.constant 64 : index
        %parallel_loop3A_334 = tpu.vector_load %arg9[%parallel_loop3A_331, %parallel_loop3A_332, %parallel_loop3A_333] {strides = array<i32>} : memref<2x64x128xf32, #tpu.memory_space<vmem>>, vector<1x1x16xf32>,
        %parallel_loop3A_335 = vector.shape_cast %parallel_loop3A_334 : vector<1x1x16xf32> to vector<16xf32>
        %parallel_loop3A_336 = vector.shape_cast %parallel_loop3A_329 : vector<16xf32> to vector<1x1x16xf32>
        tpu.vector_store %arg9[%parallel_loop3A_331, %parallel_loop3A_332, %parallel_loop3A_333], %parallel_loop3A_336 {strides = array<i32>} : memref<2x64x128xf32, #tpu.memory_space<vmem>>, vector<1x1x16xf32>,
        %parallel_loop3A_337 = arith.constant 1 : i32
        %parallel_loop3A_338 = arith.index_cast %parallel_loop3A_337 : i32 to index
        %parallel_loop3A_339 = arith.index_cast %parallel_loop3A_246 : i32 to index
        %parallel_loop3A_340 = arith.constant 80 : index
        %parallel_loop3A_341 = tpu.vector_load %arg9[%parallel_loop3A_338, %parallel_loop3A_339, %parallel_loop3A_340] {strides = array<i32>} : memref<2x64x128xf32, #tpu.memory_space<vmem>>, vector<1x1x16xf32>,
        %parallel_loop3A_342 = vector.shape_cast %parallel_loop3A_341 : vector<1x1x16xf32> to vector<16xf32>
        %parallel_loop3A_343 = arith.index_cast %parallel_loop3A_246 : i32 to index
        %parallel_loop3A_344 = arith.constant 80 : index
        %parallel_loop3A_345 = tpu.vector_load %arg10[%parallel_loop3A_343, %parallel_loop3A_344] {strides = array<i32>} : memref<64x128xf32, #tpu.memory_space<vmem>>, vector<1x16xf32>,
        %parallel_loop3A_346 = vector.shape_cast %parallel_loop3A_345 : vector<1x16xf32> to vector<16xf32>
        %parallel_loop3A_347 = arith.mulf %parallel_loop3A_342, %parallel_loop3A_346 : vector<16xf32>
        %parallel_loop3A_348 = arith.constant 1 : i32
        %parallel_loop3A_349 = arith.index_cast %parallel_loop3A_348 : i32 to index
        %parallel_loop3A_350 = arith.index_cast %parallel_loop3A_246 : i32 to index
        %parallel_loop3A_351 = arith.constant 80 : index
        %parallel_loop3A_352 = tpu.vector_load %arg9[%parallel_loop3A_349, %parallel_loop3A_350, %parallel_loop3A_351] {strides = array<i32>} : memref<2x64x128xf32, #tpu.memory_space<vmem>>, vector<1x1x16xf32>,
        %parallel_loop3A_353 = vector.shape_cast %parallel_loop3A_352 : vector<1x1x16xf32> to vector<16xf32>
        %parallel_loop3A_354 = vector.shape_cast %parallel_loop3A_347 : vector<16xf32> to vector<1x1x16xf32>
        tpu.vector_store %arg9[%parallel_loop3A_349, %parallel_loop3A_350, %parallel_loop3A_351], %parallel_loop3A_354 {strides = array<i32>} : memref<2x64x128xf32, #tpu.memory_space<vmem>>, vector<1x1x16xf32>,
        %parallel_loop3A_355 = arith.constant 1 : i32
        %parallel_loop3A_356 = arith.index_cast %parallel_loop3A_355 : i32 to index
        %parallel_loop3A_357 = arith.index_cast %parallel_loop3A_246 : i32 to index
        %parallel_loop3A_358 = arith.constant 96 : index
        %parallel_loop3A_359 = tpu.vector_load %arg9[%parallel_loop3A_356, %parallel_loop3A_357, %parallel_loop3A_358] {strides = array<i32>} : memref<2x64x128xf32, #tpu.memory_space<vmem>>, vector<1x1x16xf32>,
        %parallel_loop3A_360 = vector.shape_cast %parallel_loop3A_359 : vector<1x1x16xf32> to vector<16xf32>
        %parallel_loop3A_361 = arith.index_cast %parallel_loop3A_246 : i32 to index
        %parallel_loop3A_362 = arith.constant 96 : index
        %parallel_loop3A_363 = tpu.vector_load %arg10[%parallel_loop3A_361, %parallel_loop3A_362] {strides = array<i32>} : memref<64x128xf32, #tpu.memory_space<vmem>>, vector<1x16xf32>,
        %parallel_loop3A_364 = vector.shape_cast %parallel_loop3A_363 : vector<1x16xf32> to vector<16xf32>
        %parallel_loop3A_365 = arith.mulf %parallel_loop3A_360, %parallel_loop3A_364 : vector<16xf32>
        %parallel_loop3A_366 = arith.constant 1 : i32
        %parallel_loop3A_367 = arith.index_cast %parallel_loop3A_366 : i32 to index
        %parallel_loop3A_368 = arith.index_cast %parallel_loop3A_246 : i32 to index
        %parallel_loop3A_369 = arith.constant 96 : index
        %parallel_loop3A_370 = tpu.vector_load %arg9[%parallel_loop3A_367, %parallel_loop3A_368, %parallel_loop3A_369] {strides = array<i32>} : memref<2x64x128xf32, #tpu.memory_space<vmem>>, vector<1x1x16xf32>,
        %parallel_loop3A_371 = vector.shape_cast %parallel_loop3A_370 : vector<1x1x16xf32> to vector<16xf32>
        %parallel_loop3A_372 = vector.shape_cast %parallel_loop3A_365 : vector<16xf32> to vector<1x1x16xf32>
        tpu.vector_store %arg9[%parallel_loop3A_367, %parallel_loop3A_368, %parallel_loop3A_369], %parallel_loop3A_372 {strides = array<i32>} : memref<2x64x128xf32, #tpu.memory_space<vmem>>, vector<1x1x16xf32>,
        %parallel_loop3A_373 = arith.constant 1 : i32
        %parallel_loop3A_374 = arith.index_cast %parallel_loop3A_373 : i32 to index
        %parallel_loop3A_375 = arith.index_cast %parallel_loop3A_246 : i32 to index
        %parallel_loop3A_376 = arith.constant 112 : index
        %parallel_loop3A_377 = tpu.vector_load %arg9[%parallel_loop3A_374, %parallel_loop3A_375, %parallel_loop3A_376] {strides = array<i32>} : memref<2x64x128xf32, #tpu.memory_space<vmem>>, vector<1x1x16xf32>,
        %parallel_loop3A_378 = vector.shape_cast %parallel_loop3A_377 : vector<1x1x16xf32> to vector<16xf32>
        %parallel_loop3A_379 = arith.index_cast %parallel_loop3A_246 : i32 to index
        %parallel_loop3A_380 = arith.constant 112 : index
        %parallel_loop3A_381 = tpu.vector_load %arg10[%parallel_loop3A_379, %parallel_loop3A_380] {strides = array<i32>} : memref<64x128xf32, #tpu.memory_space<vmem>>, vector<1x16xf32>,
        %parallel_loop3A_382 = vector.shape_cast %parallel_loop3A_381 : vector<1x16xf32> to vector<16xf32>
        %parallel_loop3A_383 = arith.mulf %parallel_loop3A_378, %parallel_loop3A_382 : vector<16xf32>
        %parallel_loop3A_384 = arith.constant 1 : i32
        %parallel_loop3A_385 = arith.index_cast %parallel_loop3A_384 : i32 to index
        %parallel_loop3A_386 = arith.index_cast %parallel_loop3A_246 : i32 to index
        %parallel_loop3A_387 = arith.constant 112 : index
        %parallel_loop3A_388 = tpu.vector_load %arg9[%parallel_loop3A_385, %parallel_loop3A_386, %parallel_loop3A_387] {strides = array<i32>} : memref<2x64x128xf32, #tpu.memory_space<vmem>>, vector<1x1x16xf32>,
        %parallel_loop3A_389 = vector.shape_cast %parallel_loop3A_388 : vector<1x1x16xf32> to vector<16xf32>
        %parallel_loop3A_390 = vector.shape_cast %parallel_loop3A_383 : vector<16xf32> to vector<1x1x16xf32>
        tpu.vector_store %arg9[%parallel_loop3A_385, %parallel_loop3A_386, %parallel_loop3A_387], %parallel_loop3A_390 {strides = array<i32>} : memref<2x64x128xf32, #tpu.memory_space<vmem>>, vector<1x1x16xf32>,
      } {sc.loop_unroll_factor = 4 : i64, sc.parallel_access}
      %dma_start3A_226 = arith.constant 1 : i32
      %dma_start3A_227 = arith.constant 1 : i32
      %dma_start3A_228 = arith.constant 0 : i32
      %dma_start3A_229 = arith.constant 0 : i32
      %dma_start3A_230 = tpu.memref_slice %arg9[%dma_start3A_226, %dma_start3A_228, %dma_start3A_229] : memref<2x64x128xf32, #tpu.memory_space<vmem>> -> memref<1x64x128xf32, #tpu.memory_space<vmem>>
      %dma_start3A_231 = tpu.memref_squeeze %dma_start3A_230 : memref<1x64x128xf32, #tpu.memory_space<vmem>> -> memref<64x128xf32, #tpu.memory_space<vmem>>
      %dma_start3A_232 = arith.constant 0 : i32
      %dma_start3A_233 = tpu.memref_slice %arg8[%add3A_190, %dma_start3A_232] : memref<96x64xi32, #tpu.memory_space<vmem>> -> memref<1x64xi32, #tpu.memory_space<vmem>>
      %dma_start3A_234 = tpu.memref_squeeze %dma_start3A_233 : memref<1x64xi32, #tpu.memory_space<vmem>> -> memref<64xi32, #tpu.memory_space<vmem>>
      %dma_start3A_235 = arith.constant 0 : i32
      %dma_start3A_236 = arith.constant 0 : i32
      %dma_start3A_237 = tpu.memref_slice %arg11[%dma_start3A_235, %dma_start3A_236] : memref<10112x128xf32, #tpu.memory_space<vmem_shared>> -> memref<10112x128xf32, #tpu.memory_space<vmem_shared>>
      %dma_start3A_238 = tpu.memref_slice %arg14[%dma_start3A_227] : memref<2x!tpu.dma_semaphore, #tpu.memory_space<semaphore_mem>> -> memref<1x!tpu.dma_semaphore, #tpu.memory_space<semaphore_mem>>
      %dma_start3A_239 = tpu.memref_squeeze %dma_start3A_238 : memref<1x!tpu.dma_semaphore, #tpu.memory_space<semaphore_mem>> -> memref<!tpu.dma_semaphore, #tpu.memory_space<semaphore_mem>>
      tpu.enqueue_indirect_dma source(%dma_start3A_231 : memref<64x128xf32, #tpu.memory_space<vmem>>) target(%dma_start3A_237 : memref<10112x128xf32, #tpu.memory_space<vmem_shared>>) offsets(%dma_start3A_234 : memref<64xi32, #tpu.memory_space<vmem>>) semaphore(%dma_start3A_239 : memref<!tpu.dma_semaphore, #tpu.memory_space<semaphore_mem>>) {add = true}
      %add3A_240 = arith.constant 1 : i32
      %add3A_241 = arith.addi %add3A_190, %add3A_240 : i32
      %lt3A_242 = arith.cmpi slt, %add3A_241, %select_n3A : i32
      %convert_element_type3A_243 = arith.extui %lt3A_242 : i1 to i32
      %cond3A_244 = arith.constant 0 : i32
      %cond3A_245 = arith.cmpi ne, %convert_element_type3A_243, %cond3A_244 : i32
      scf.if %cond3A_245 {
        %add3A_246 = arith.constant 1 : i32
        %add3A_247 = arith.addi %add3A_190, %add3A_246 : i32
        %add3A_248 = arith.addi %select_n3A_8, %add3A_247 : i32
        %mul3A_249 = arith.constant 64 : i32
        %mul3A_250 = arith.muli %add3A_248, %mul3A_249 : i32
        %dma_start3A_251 = arith.constant 0 : i32
        %dma_start3A_252 = tpu.memref_slice %arg3[%mul3A_250, %dma_start3A_251] : memref<163840x128xf32, #tpu.memory_space<hbm>> -> memref<64x128xf32, #tpu.memory_space<hbm>>
        %dma_start3A_253 = arith.constant 0 : i32
        %dma_start3A_254 = tpu.memref_slice %arg3[%mul3A_250, %dma_start3A_253] : memref<163840x128xf32, #tpu.memory_space<hbm>> -> memref<64x128xf32, #tpu.memory_space<hbm>>
        tpu.enqueue_dma source(%dma_start3A_254 : memref<64x128xf32, #tpu.memory_space<hbm>>) target(%arg10 : memref<64x128xf32, #tpu.memory_space<vmem>>) target_semaphore(%arg13 : memref<!tpu.dma_semaphore, #tpu.memory_space<semaphore_mem>>)
      } else {
      }
    }
    %while3A_112 = arith.constant 1 : i32
    scf.for %while3A_132 = %while3A_110 to %while3A_106 step %while3A_112  : i32 {
      %mul3A_133 = arith.constant 2 : i32
      %mul3A_134 = arith.muli %mul3A_133, %while3A_132 : i32
      %add3A_135 = arith.constant 0 : i32
      %add3A_136 = arith.addi %mul3A_134, %add3A_135 : i32
      %ge3A = arith.constant 1 : i32
      %ge3A_137 = arith.cmpi sge, %add3A_136, %ge3A : i32
      %convert_element_type3A = arith.extui %ge3A_137 : i1 to i32
      %cond3A = arith.constant 0 : i32
      %cond3A_138 = arith.cmpi ne, %convert_element_type3A, %cond3A : i32
      scf.if %cond3A_138 {
        %dma_wait3A_246 = arith.constant 1 : i32
        %dma_wait3A_247 = arith.constant 0 : i32
        %dma_wait3A_248 = arith.constant 1 : i32
        %dma_wait3A_249 = arith.constant 0 : i32
        %dma_wait3A_250 = arith.constant 0 : i32
        %dma_wait3A_251 = tpu.memref_slice %arg9[%dma_wait3A_246, %dma_wait3A_249, %dma_wait3A_250] : memref<2x64x128xf32, #tpu.memory_space<vmem>> -> memref<1x64x128xf32, #tpu.memory_space<vmem>>
        %dma_wait3A_252 = tpu.memref_squeeze %dma_wait3A_251 : memref<1x64x128xf32, #tpu.memory_space<vmem>> -> memref<64x128xf32, #tpu.memory_space<vmem>>
        %dma_wait3A_253 = arith.constant 0 : i32
        %dma_wait3A_254 = tpu.memref_slice %arg8[%dma_wait3A_247, %dma_wait3A_253] : memref<96x64xi32, #tpu.memory_space<vmem>> -> memref<1x64xi32, #tpu.memory_space<vmem>>
        %dma_wait3A_255 = tpu.memref_squeeze %dma_wait3A_254 : memref<1x64xi32, #tpu.memory_space<vmem>> -> memref<64xi32, #tpu.memory_space<vmem>>
        %dma_wait3A_256 = arith.constant 0 : i32
        %dma_wait3A_257 = arith.constant 0 : i32
        %dma_wait3A_258 = tpu.memref_slice %arg11[%dma_wait3A_256, %dma_wait3A_257] : memref<10112x128xf32, #tpu.memory_space<vmem_shared>> -> memref<10112x128xf32, #tpu.memory_space<vmem_shared>>
        %dma_wait3A_259 = tpu.memref_slice %arg14[%dma_wait3A_248] : memref<2x!tpu.dma_semaphore, #tpu.memory_space<semaphore_mem>> -> memref<1x!tpu.dma_semaphore, #tpu.memory_space<semaphore_mem>>
        %dma_wait3A_260 = tpu.memref_squeeze %dma_wait3A_259 : memref<1x!tpu.dma_semaphore, #tpu.memory_space<semaphore_mem>> -> memref<!tpu.dma_semaphore, #tpu.memory_space<semaphore_mem>>
        tpu.wait_indirect_dma semaphore(%dma_wait3A_260 : memref<!tpu.dma_semaphore, #tpu.memory_space<semaphore_mem>>) src(%dma_wait3A_252 : memref<64x128xf32, #tpu.memory_space<vmem>>) dst(%dma_wait3A_258 : memref<10112x128xf32, #tpu.memory_space<vmem_shared>>)
      } else {
      }
      %add3A_139 = arith.constant 1 : i32
      %add3A_140 = arith.addi %add3A_136, %add3A_139 : i32
      %lt3A = arith.cmpi slt, %add3A_140, %select_n3A : i32
      %convert_element_type3A_141 = arith.extui %lt3A : i1 to i32
      %cond3A_142 = arith.constant 0 : i32
      %cond3A_143 = arith.cmpi ne, %convert_element_type3A_141, %cond3A_142 : i32
      scf.if %cond3A_143 {
        %add3A_246 = arith.constant 1 : i32
        %add3A_247 = arith.addi %add3A_136, %add3A_246 : i32
        %dma_start3A_248 = arith.constant 1 : i32
        %dma_start3A_249 = arith.constant 1 : i32
        %dma_start3A_250 = arith.constant 0 : i32
        %dma_start3A_251 = arith.constant 0 : i32
        %dma_start3A_252 = tpu.memref_slice %arg9[%dma_start3A_248, %dma_start3A_250, %dma_start3A_251] : memref<2x64x128xf32, #tpu.memory_space<vmem>> -> memref<1x64x128xf32, #tpu.memory_space<vmem>>
        %dma_start3A_253 = tpu.memref_squeeze %dma_start3A_252 : memref<1x64x128xf32, #tpu.memory_space<vmem>> -> memref<64x128xf32, #tpu.memory_space<vmem>>
        %dma_start3A_254 = arith.constant 0 : i32
        %dma_start3A_255 = tpu.memref_slice %arg7[%add3A_247, %dma_start3A_254] : memref<96x64xi32, #tpu.memory_space<vmem>> -> memref<1x64xi32, #tpu.memory_space<vmem>>
        %dma_start3A_256 = tpu.memref_squeeze %dma_start3A_255 : memref<1x64xi32, #tpu.memory_space<vmem>> -> memref<64xi32, #tpu.memory_space<vmem>>
        %dma_start3A_257 = arith.constant 0 : i32
        %dma_start3A_258 = arith.constant 0 : i32
        %dma_start3A_259 = tpu.memref_slice %arg2[%dma_start3A_257, %dma_start3A_258] : memref<10000x128xf32, #tpu.memory_space<hbm>> -> memref<10000x128xf32, #tpu.memory_space<hbm>>
        %dma_start3A_260 = tpu.memref_slice %arg12[%dma_start3A_249] : memref<2x!tpu.dma_semaphore, #tpu.memory_space<semaphore_mem>> -> memref<1x!tpu.dma_semaphore, #tpu.memory_space<semaphore_mem>>
        %dma_start3A_261 = tpu.memref_squeeze %dma_start3A_260 : memref<1x!tpu.dma_semaphore, #tpu.memory_space<semaphore_mem>> -> memref<!tpu.dma_semaphore, #tpu.memory_space<semaphore_mem>>
        tpu.enqueue_indirect_dma source(%dma_start3A_259 : memref<10000x128xf32, #tpu.memory_space<hbm>>) target(%dma_start3A_253 : memref<64x128xf32, #tpu.memory_space<vmem>>) offsets(%dma_start3A_256 : memref<64xi32, #tpu.memory_space<vmem>>) semaphore(%dma_start3A_261 : memref<!tpu.dma_semaphore, #tpu.memory_space<semaphore_mem>>)
      } else {
      }
      %dma_wait3A_144 = arith.constant 0 : i32
      %dma_wait3A_145 = arith.constant 0 : i32
      %dma_wait3A_146 = arith.constant 0 : i32
      %dma_wait3A_147 = arith.constant 0 : i32
      %dma_wait3A_148 = arith.constant 0 : i32
      %dma_wait3A_149 = tpu.memref_slice %arg9[%dma_wait3A_145, %dma_wait3A_147, %dma_wait3A_148] : memref<2x64x128xf32, #tpu.memory_space<vmem>> -> memref<1x64x128xf32, #tpu.memory_space<vmem>>
      %dma_wait3A_150 = tpu.memref_squeeze %dma_wait3A_149 : memref<1x64x128xf32, #tpu.memory_space<vmem>> -> memref<64x128xf32, #tpu.memory_space<vmem>>
      %dma_wait3A_151 = arith.constant 0 : i32
      %dma_wait3A_152 = tpu.memref_slice %arg7[%dma_wait3A_144, %dma_wait3A_151] : memref<96x64xi32, #tpu.memory_space<vmem>> -> memref<1x64xi32, #tpu.memory_space<vmem>>
      %dma_wait3A_153 = tpu.memref_squeeze %dma_wait3A_152 : memref<1x64xi32, #tpu.memory_space<vmem>> -> memref<64xi32, #tpu.memory_space<vmem>>
      %dma_wait3A_154 = arith.constant 0 : i32
      %dma_wait3A_155 = arith.constant 0 : i32
      %dma_wait3A_156 = tpu.memref_slice %arg2[%dma_wait3A_154, %dma_wait3A_155] : memref<10000x128xf32, #tpu.memory_space<hbm>> -> memref<10000x128xf32, #tpu.memory_space<hbm>>
      %dma_wait3A_157 = tpu.memref_slice %arg12[%dma_wait3A_146] : memref<2x!tpu.dma_semaphore, #tpu.memory_space<semaphore_mem>> -> memref<1x!tpu.dma_semaphore, #tpu.memory_space<semaphore_mem>>
      %dma_wait3A_158 = tpu.memref_squeeze %dma_wait3A_157 : memref<1x!tpu.dma_semaphore, #tpu.memory_space<semaphore_mem>> -> memref<!tpu.dma_semaphore, #tpu.memory_space<semaphore_mem>>
      tpu.wait_indirect_dma semaphore(%dma_wait3A_158 : memref<!tpu.dma_semaphore, #tpu.memory_space<semaphore_mem>>) src(%dma_wait3A_156 : memref<10000x128xf32, #tpu.memory_space<hbm>>) dst(%dma_wait3A_150 : memref<64x128xf32, #tpu.memory_space<vmem>>)
      %dma_wait3A_159 = arith.constant 0 : i32
      %dma_wait3A_160 = arith.constant 0 : i32
      %dma_wait3A_161 = tpu.memref_slice %arg3[%dma_wait3A_159, %dma_wait3A_160] : memref<163840x128xf32, #tpu.memory_space<hbm>> -> memref<64x128xf32, #tpu.memory_space<hbm>>
      %dma_wait3A_162 = arith.constant 0 : i32
      %dma_wait3A_163 = arith.constant 0 : i32
      %dma_wait3A_164 = tpu.memref_slice %arg3[%dma_wait3A_162, %dma_wait3A_163] : memref<163840x128xf32, #tpu.memory_space<hbm>> -> memref<64x128xf32, #tpu.memory_space<hbm>>
      tpu.wait_dma2 semaphore(%arg13 : memref<!tpu.dma_semaphore, #tpu.memory_space<semaphore_mem>>) src(%dma_wait3A_164 : memref<64x128xf32, #tpu.memory_space<hbm>>) dst(%arg10 : memref<64x128xf32, #tpu.memory_space<vmem>>)
      %parallel_loop3A = arith.constant 0 : i32
      %parallel_loop3A_165 = arith.constant 64 : i32
      %parallel_loop3A_166 = arith.constant 1 : i32
      scf.for %parallel_loop3A_246 = %parallel_loop3A to %parallel_loop3A_165 step %parallel_loop3A_166  : i32 {
        %parallel_loop3A_247 = arith.constant 0 : i32
        %parallel_loop3A_248 = arith.index_cast %parallel_loop3A_247 : i32 to index
        %parallel_loop3A_249 = arith.index_cast %parallel_loop3A_246 : i32 to index
        %parallel_loop3A_250 = arith.constant 0 : index
        %parallel_loop3A_251 = tpu.vector_load %arg9[%parallel_loop3A_248, %parallel_loop3A_249, %parallel_loop3A_250] {strides = array<i32>} : memref<2x64x128xf32, #tpu.memory_space<vmem>>, vector<1x1x16xf32>,
        %parallel_loop3A_252 = vector.shape_cast %parallel_loop3A_251 : vector<1x1x16xf32> to vector<16xf32>
        %parallel_loop3A_253 = arith.index_cast %parallel_loop3A_246 : i32 to index
        %parallel_loop3A_254 = arith.constant 0 : index
        %parallel_loop3A_255 = tpu.vector_load %arg10[%parallel_loop3A_253, %parallel_loop3A_254] {strides = array<i32>} : memref<64x128xf32, #tpu.memory_space<vmem>>, vector<1x16xf32>,
        %parallel_loop3A_256 = vector.shape_cast %parallel_loop3A_255 : vector<1x16xf32> to vector<16xf32>
        %parallel_loop3A_257 = arith.mulf %parallel_loop3A_252, %parallel_loop3A_256 : vector<16xf32>
        %parallel_loop3A_258 = arith.constant 0 : i32
        %parallel_loop3A_259 = arith.index_cast %parallel_loop3A_258 : i32 to index
        %parallel_loop3A_260 = arith.index_cast %parallel_loop3A_246 : i32 to index
        %parallel_loop3A_261 = arith.constant 0 : index
        %parallel_loop3A_262 = tpu.vector_load %arg9[%parallel_loop3A_259, %parallel_loop3A_260, %parallel_loop3A_261] {strides = array<i32>} : memref<2x64x128xf32, #tpu.memory_space<vmem>>, vector<1x1x16xf32>,
        %parallel_loop3A_263 = vector.shape_cast %parallel_loop3A_262 : vector<1x1x16xf32> to vector<16xf32>
        %parallel_loop3A_264 = vector.shape_cast %parallel_loop3A_257 : vector<16xf32> to vector<1x1x16xf32>
        tpu.vector_store %arg9[%parallel_loop3A_259, %parallel_loop3A_260, %parallel_loop3A_261], %parallel_loop3A_264 {strides = array<i32>} : memref<2x64x128xf32, #tpu.memory_space<vmem>>, vector<1x1x16xf32>,
        %parallel_loop3A_265 = arith.constant 0 : i32
        %parallel_loop3A_266 = arith.index_cast %parallel_loop3A_265 : i32 to index
        %parallel_loop3A_267 = arith.index_cast %parallel_loop3A_246 : i32 to index
        %parallel_loop3A_268 = arith.constant 16 : index
        %parallel_loop3A_269 = tpu.vector_load %arg9[%parallel_loop3A_266, %parallel_loop3A_267, %parallel_loop3A_268] {strides = array<i32>} : memref<2x64x128xf32, #tpu.memory_space<vmem>>, vector<1x1x16xf32>,
        %parallel_loop3A_270 = vector.shape_cast %parallel_loop3A_269 : vector<1x1x16xf32> to vector<16xf32>
        %parallel_loop3A_271 = arith.index_cast %parallel_loop3A_246 : i32 to index
        %parallel_loop3A_272 = arith.constant 16 : index
        %parallel_loop3A_273 = tpu.vector_load %arg10[%parallel_loop3A_271, %parallel_loop3A_272] {strides = array<i32>} : memref<64x128xf32, #tpu.memory_space<vmem>>, vector<1x16xf32>,
        %parallel_loop3A_274 = vector.shape_cast %parallel_loop3A_273 : vector<1x16xf32> to vector<16xf32>
        %parallel_loop3A_275 = arith.mulf %parallel_loop3A_270, %parallel_loop3A_274 : vector<16xf32>
        %parallel_loop3A_276 = arith.constant 0 : i32
        %parallel_loop3A_277 = arith.index_cast %parallel_loop3A_276 : i32 to index
        %parallel_loop3A_278 = arith.index_cast %parallel_loop3A_246 : i32 to index
        %parallel_loop3A_279 = arith.constant 16 : index
        %parallel_loop3A_280 = tpu.vector_load %arg9[%parallel_loop3A_277, %parallel_loop3A_278, %parallel_loop3A_279] {strides = array<i32>} : memref<2x64x128xf32, #tpu.memory_space<vmem>>, vector<1x1x16xf32>,
        %parallel_loop3A_281 = vector.shape_cast %parallel_loop3A_280 : vector<1x1x16xf32> to vector<16xf32>
        %parallel_loop3A_282 = vector.shape_cast %parallel_loop3A_275 : vector<16xf32> to vector<1x1x16xf32>
        tpu.vector_store %arg9[%parallel_loop3A_277, %parallel_loop3A_278, %parallel_loop3A_279], %parallel_loop3A_282 {strides = array<i32>} : memref<2x64x128xf32, #tpu.memory_space<vmem>>, vector<1x1x16xf32>,
        %parallel_loop3A_283 = arith.constant 0 : i32
        %parallel_loop3A_284 = arith.index_cast %parallel_loop3A_283 : i32 to index
        %parallel_loop3A_285 = arith.index_cast %parallel_loop3A_246 : i32 to index
        %parallel_loop3A_286 = arith.constant 32 : index
        %parallel_loop3A_287 = tpu.vector_load %arg9[%parallel_loop3A_284, %parallel_loop3A_285, %parallel_loop3A_286] {strides = array<i32>} : memref<2x64x128xf32, #tpu.memory_space<vmem>>, vector<1x1x16xf32>,
        %parallel_loop3A_288 = vector.shape_cast %parallel_loop3A_287 : vector<1x1x16xf32> to vector<16xf32>
        %parallel_loop3A_289 = arith.index_cast %parallel_loop3A_246 : i32 to index
        %parallel_loop3A_290 = arith.constant 32 : index
        %parallel_loop3A_291 = tpu.vector_load %arg10[%parallel_loop3A_289, %parallel_loop3A_290] {strides = array<i32>} : memref<64x128xf32, #tpu.memory_space<vmem>>, vector<1x16xf32>,
        %parallel_loop3A_292 = vector.shape_cast %parallel_loop3A_291 : vector<1x16xf32> to vector<16xf32>
        %parallel_loop3A_293 = arith.mulf %parallel_loop3A_288, %parallel_loop3A_292 : vector<16xf32>
        %parallel_loop3A_294 = arith.constant 0 : i32
        %parallel_loop3A_295 = arith.index_cast %parallel_loop3A_294 : i32 to index
        %parallel_loop3A_296 = arith.index_cast %parallel_loop3A_246 : i32 to index
        %parallel_loop3A_297 = arith.constant 32 : index
        %parallel_loop3A_298 = tpu.vector_load %arg9[%parallel_loop3A_295, %parallel_loop3A_296, %parallel_loop3A_297] {strides = array<i32>} : memref<2x64x128xf32, #tpu.memory_space<vmem>>, vector<1x1x16xf32>,
        %parallel_loop3A_299 = vector.shape_cast %parallel_loop3A_298 : vector<1x1x16xf32> to vector<16xf32>
        %parallel_loop3A_300 = vector.shape_cast %parallel_loop3A_293 : vector<16xf32> to vector<1x1x16xf32>
        tpu.vector_store %arg9[%parallel_loop3A_295, %parallel_loop3A_296, %parallel_loop3A_297], %parallel_loop3A_300 {strides = array<i32>} : memref<2x64x128xf32, #tpu.memory_space<vmem>>, vector<1x1x16xf32>,
        %parallel_loop3A_301 = arith.constant 0 : i32
        %parallel_loop3A_302 = arith.index_cast %parallel_loop3A_301 : i32 to index
        %parallel_loop3A_303 = arith.index_cast %parallel_loop3A_246 : i32 to index
        %parallel_loop3A_304 = arith.constant 48 : index
        %parallel_loop3A_305 = tpu.vector_load %arg9[%parallel_loop3A_302, %parallel_loop3A_303, %parallel_loop3A_304] {strides = array<i32>} : memref<2x64x128xf32, #tpu.memory_space<vmem>>, vector<1x1x16xf32>,
        %parallel_loop3A_306 = vector.shape_cast %parallel_loop3A_305 : vector<1x1x16xf32> to vector<16xf32>
        %parallel_loop3A_307 = arith.index_cast %parallel_loop3A_246 : i32 to index
        %parallel_loop3A_308 = arith.constant 48 : index
        %parallel_loop3A_309 = tpu.vector_load %arg10[%parallel_loop3A_307, %parallel_loop3A_308] {strides = array<i32>} : memref<64x128xf32, #tpu.memory_space<vmem>>, vector<1x16xf32>,
        %parallel_loop3A_310 = vector.shape_cast %parallel_loop3A_309 : vector<1x16xf32> to vector<16xf32>
        %parallel_loop3A_311 = arith.mulf %parallel_loop3A_306, %parallel_loop3A_310 : vector<16xf32>
        %parallel_loop3A_312 = arith.constant 0 : i32
        %parallel_loop3A_313 = arith.index_cast %parallel_loop3A_312 : i32 to index
        %parallel_loop3A_314 = arith.index_cast %parallel_loop3A_246 : i32 to index
        %parallel_loop3A_315 = arith.constant 48 : index
        %parallel_loop3A_316 = tpu.vector_load %arg9[%parallel_loop3A_313, %parallel_loop3A_314, %parallel_loop3A_315] {strides = array<i32>} : memref<2x64x128xf32, #tpu.memory_space<vmem>>, vector<1x1x16xf32>,
        %parallel_loop3A_317 = vector.shape_cast %parallel_loop3A_316 : vector<1x1x16xf32> to vector<16xf32>
        %parallel_loop3A_318 = vector.shape_cast %parallel_loop3A_311 : vector<16xf32> to vector<1x1x16xf32>
        tpu.vector_store %arg9[%parallel_loop3A_313, %parallel_loop3A_314, %parallel_loop3A_315], %parallel_loop3A_318 {strides = array<i32>} : memref<2x64x128xf32, #tpu.memory_space<vmem>>, vector<1x1x16xf32>,
        %parallel_loop3A_319 = arith.constant 0 : i32
        %parallel_loop3A_320 = arith.index_cast %parallel_loop3A_319 : i32 to index
        %parallel_loop3A_321 = arith.index_cast %parallel_loop3A_246 : i32 to index
        %parallel_loop3A_322 = arith.constant 64 : index
        %parallel_loop3A_323 = tpu.vector_load %arg9[%parallel_loop3A_320, %parallel_loop3A_321, %parallel_loop3A_322] {strides = array<i32>} : memref<2x64x128xf32, #tpu.memory_space<vmem>>, vector<1x1x16xf32>,
        %parallel_loop3A_324 = vector.shape_cast %parallel_loop3A_323 : vector<1x1x16xf32> to vector<16xf32>
        %parallel_loop3A_325 = arith.index_cast %parallel_loop3A_246 : i32 to index
        %parallel_loop3A_326 = arith.constant 64 : index
        %parallel_loop3A_327 = tpu.vector_load %arg10[%parallel_loop3A_325, %parallel_loop3A_326] {strides = array<i32>} : memref<64x128xf32, #tpu.memory_space<vmem>>, vector<1x16xf32>,
        %parallel_loop3A_328 = vector.shape_cast %parallel_loop3A_327 : vector<1x16xf32> to vector<16xf32>
        %parallel_loop3A_329 = arith.mulf %parallel_loop3A_324, %parallel_loop3A_328 : vector<16xf32>
        %parallel_loop3A_330 = arith.constant 0 : i32
        %parallel_loop3A_331 = arith.index_cast %parallel_loop3A_330 : i32 to index
        %parallel_loop3A_332 = arith.index_cast %parallel_loop3A_246 : i32 to index
        %parallel_loop3A_333 = arith.constant 64 : index
        %parallel_loop3A_334 = tpu.vector_load %arg9[%parallel_loop3A_331, %parallel_loop3A_332, %parallel_loop3A_333] {strides = array<i32>} : memref<2x64x128xf32, #tpu.memory_space<vmem>>, vector<1x1x16xf32>,
        %parallel_loop3A_335 = vector.shape_cast %parallel_loop3A_334 : vector<1x1x16xf32> to vector<16xf32>
        %parallel_loop3A_336 = vector.shape_cast %parallel_loop3A_329 : vector<16xf32> to vector<1x1x16xf32>
        tpu.vector_store %arg9[%parallel_loop3A_331, %parallel_loop3A_332, %parallel_loop3A_333], %parallel_loop3A_336 {strides = array<i32>} : memref<2x64x128xf32, #tpu.memory_space<vmem>>, vector<1x1x16xf32>,
        %parallel_loop3A_337 = arith.constant 0 : i32
        %parallel_loop3A_338 = arith.index_cast %parallel_loop3A_337 : i32 to index
        %parallel_loop3A_339 = arith.index_cast %parallel_loop3A_246 : i32 to index
        %parallel_loop3A_340 = arith.constant 80 : index
        %parallel_loop3A_341 = tpu.vector_load %arg9[%parallel_loop3A_338, %parallel_loop3A_339, %parallel_loop3A_340] {strides = array<i32>} : memref<2x64x128xf32, #tpu.memory_space<vmem>>, vector<1x1x16xf32>,
        %parallel_loop3A_342 = vector.shape_cast %parallel_loop3A_341 : vector<1x1x16xf32> to vector<16xf32>
        %parallel_loop3A_343 = arith.index_cast %parallel_loop3A_246 : i32 to index
        %parallel_loop3A_344 = arith.constant 80 : index
        %parallel_loop3A_345 = tpu.vector_load %arg10[%parallel_loop3A_343, %parallel_loop3A_344] {strides = array<i32>} : memref<64x128xf32, #tpu.memory_space<vmem>>, vector<1x16xf32>,
        %parallel_loop3A_346 = vector.shape_cast %parallel_loop3A_345 : vector<1x16xf32> to vector<16xf32>
        %parallel_loop3A_347 = arith.mulf %parallel_loop3A_342, %parallel_loop3A_346 : vector<16xf32>
        %parallel_loop3A_348 = arith.constant 0 : i32
        %parallel_loop3A_349 = arith.index_cast %parallel_loop3A_348 : i32 to index
        %parallel_loop3A_350 = arith.index_cast %parallel_loop3A_246 : i32 to index
        %parallel_loop3A_351 = arith.constant 80 : index
        %parallel_loop3A_352 = tpu.vector_load %arg9[%parallel_loop3A_349, %parallel_loop3A_350, %parallel_loop3A_351] {strides = array<i32>} : memref<2x64x128xf32, #tpu.memory_space<vmem>>, vector<1x1x16xf32>,
        %parallel_loop3A_353 = vector.shape_cast %parallel_loop3A_352 : vector<1x1x16xf32> to vector<16xf32>
        %parallel_loop3A_354 = vector.shape_cast %parallel_loop3A_347 : vector<16xf32> to vector<1x1x16xf32>
        tpu.vector_store %arg9[%parallel_loop3A_349, %parallel_loop3A_350, %parallel_loop3A_351], %parallel_loop3A_354 {strides = array<i32>} : memref<2x64x128xf32, #tpu.memory_space<vmem>>, vector<1x1x16xf32>,
        %parallel_loop3A_355 = arith.constant 0 : i32
        %parallel_loop3A_356 = arith.index_cast %parallel_loop3A_355 : i32 to index
        %parallel_loop3A_357 = arith.index_cast %parallel_loop3A_246 : i32 to index
        %parallel_loop3A_358 = arith.constant 96 : index
        %parallel_loop3A_359 = tpu.vector_load %arg9[%parallel_loop3A_356, %parallel_loop3A_357, %parallel_loop3A_358] {strides = array<i32>} : memref<2x64x128xf32, #tpu.memory_space<vmem>>, vector<1x1x16xf32>,
        %parallel_loop3A_360 = vector.shape_cast %parallel_loop3A_359 : vector<1x1x16xf32> to vector<16xf32>
        %parallel_loop3A_361 = arith.index_cast %parallel_loop3A_246 : i32 to index
        %parallel_loop3A_362 = arith.constant 96 : index
        %parallel_loop3A_363 = tpu.vector_load %arg10[%parallel_loop3A_361, %parallel_loop3A_362] {strides = array<i32>} : memref<64x128xf32, #tpu.memory_space<vmem>>, vector<1x16xf32>,
        %parallel_loop3A_364 = vector.shape_cast %parallel_loop3A_363 : vector<1x16xf32> to vector<16xf32>
        %parallel_loop3A_365 = arith.mulf %parallel_loop3A_360, %parallel_loop3A_364 : vector<16xf32>
        %parallel_loop3A_366 = arith.constant 0 : i32
        %parallel_loop3A_367 = arith.index_cast %parallel_loop3A_366 : i32 to index
        %parallel_loop3A_368 = arith.index_cast %parallel_loop3A_246 : i32 to index
        %parallel_loop3A_369 = arith.constant 96 : index
        %parallel_loop3A_370 = tpu.vector_load %arg9[%parallel_loop3A_367, %parallel_loop3A_368, %parallel_loop3A_369] {strides = array<i32>} : memref<2x64x128xf32, #tpu.memory_space<vmem>>, vector<1x1x16xf32>,
        %parallel_loop3A_371 = vector.shape_cast %parallel_loop3A_370 : vector<1x1x16xf32> to vector<16xf32>
        %parallel_loop3A_372 = vector.shape_cast %parallel_loop3A_365 : vector<16xf32> to vector<1x1x16xf32>
        tpu.vector_store %arg9[%parallel_loop3A_367, %parallel_loop3A_368, %parallel_loop3A_369], %parallel_loop3A_372 {strides = array<i32>} : memref<2x64x128xf32, #tpu.memory_space<vmem>>, vector<1x1x16xf32>,
        %parallel_loop3A_373 = arith.constant 0 : i32
        %parallel_loop3A_374 = arith.index_cast %parallel_loop3A_373 : i32 to index
        %parallel_loop3A_375 = arith.index_cast %parallel_loop3A_246 : i32 to index
        %parallel_loop3A_376 = arith.constant 112 : index
        %parallel_loop3A_377 = tpu.vector_load %arg9[%parallel_loop3A_374, %parallel_loop3A_375, %parallel_loop3A_376] {strides = array<i32>} : memref<2x64x128xf32, #tpu.memory_space<vmem>>, vector<1x1x16xf32>,
        %parallel_loop3A_378 = vector.shape_cast %parallel_loop3A_377 : vector<1x1x16xf32> to vector<16xf32>
        %parallel_loop3A_379 = arith.index_cast %parallel_loop3A_246 : i32 to index
        %parallel_loop3A_380 = arith.constant 112 : index
        %parallel_loop3A_381 = tpu.vector_load %arg10[%parallel_loop3A_379, %parallel_loop3A_380] {strides = array<i32>} : memref<64x128xf32, #tpu.memory_space<vmem>>, vector<1x16xf32>,
        %parallel_loop3A_382 = vector.shape_cast %parallel_loop3A_381 : vector<1x16xf32> to vector<16xf32>
        %parallel_loop3A_383 = arith.mulf %parallel_loop3A_378, %parallel_loop3A_382 : vector<16xf32>
        %parallel_loop3A_384 = arith.constant 0 : i32
        %parallel_loop3A_385 = arith.index_cast %parallel_loop3A_384 : i32 to index
        %parallel_loop3A_386 = arith.index_cast %parallel_loop3A_246 : i32 to index
        %parallel_loop3A_387 = arith.constant 112 : index
        %parallel_loop3A_388 = tpu.vector_load %arg9[%parallel_loop3A_385, %parallel_loop3A_386, %parallel_loop3A_387] {strides = array<i32>} : memref<2x64x128xf32, #tpu.memory_space<vmem>>, vector<1x1x16xf32>,
        %parallel_loop3A_389 = vector.shape_cast %parallel_loop3A_388 : vector<1x1x16xf32> to vector<16xf32>
        %parallel_loop3A_390 = vector.shape_cast %parallel_loop3A_383 : vector<16xf32> to vector<1x1x16xf32>
        tpu.vector_store %arg9[%parallel_loop3A_385, %parallel_loop3A_386, %parallel_loop3A_387], %parallel_loop3A_390 {strides = array<i32>} : memref<2x64x128xf32, #tpu.memory_space<vmem>>, vector<1x1x16xf32>,
      } {sc.loop_unroll_factor = 4 : i64, sc.parallel_access}
      %dma_start3A_167 = arith.constant 0 : i32
      %dma_start3A_168 = arith.constant 0 : i32
      %dma_start3A_169 = arith.constant 0 : i32
      %dma_start3A_170 = arith.constant 0 : i32
      %dma_start3A_171 = tpu.memref_slice %arg9[%dma_start3A_167, %dma_start3A_169, %dma_start3A_170] : memref<2x64x128xf32, #tpu.memory_space<vmem>> -> memref<1x64x128xf32, #tpu.memory_space<vmem>>
      %dma_start3A_172 = tpu.memref_squeeze %dma_start3A_171 : memref<1x64x128xf32, #tpu.memory_space<vmem>> -> memref<64x128xf32, #tpu.memory_space<vmem>>
      %dma_start3A_173 = arith.constant 0 : i32
      %dma_start3A_174 = tpu.memref_slice %arg8[%add3A_136, %dma_start3A_173] : memref<96x64xi32, #tpu.memory_space<vmem>> -> memref<1x64xi32, #tpu.memory_space<vmem>>
      %dma_start3A_175 = tpu.memref_squeeze %dma_start3A_174 : memref<1x64xi32, #tpu.memory_space<vmem>> -> memref<64xi32, #tpu.memory_space<vmem>>
      %dma_start3A_176 = arith.constant 0 : i32
      %dma_start3A_177 = arith.constant 0 : i32
      %dma_start3A_178 = tpu.memref_slice %arg11[%dma_start3A_176, %dma_start3A_177] : memref<10112x128xf32, #tpu.memory_space<vmem_shared>> -> memref<10112x128xf32, #tpu.memory_space<vmem_shared>>
      %dma_start3A_179 = tpu.memref_slice %arg14[%dma_start3A_168] : memref<2x!tpu.dma_semaphore, #tpu.memory_space<semaphore_mem>> -> memref<1x!tpu.dma_semaphore, #tpu.memory_space<semaphore_mem>>
      %dma_start3A_180 = tpu.memref_squeeze %dma_start3A_179 : memref<1x!tpu.dma_semaphore, #tpu.memory_space<semaphore_mem>> -> memref<!tpu.dma_semaphore, #tpu.memory_space<semaphore_mem>>
      tpu.enqueue_indirect_dma source(%dma_start3A_172 : memref<64x128xf32, #tpu.memory_space<vmem>>) target(%dma_start3A_178 : memref<10112x128xf32, #tpu.memory_space<vmem_shared>>) offsets(%dma_start3A_175 : memref<64xi32, #tpu.memory_space<vmem>>) semaphore(%dma_start3A_180 : memref<!tpu.dma_semaphore, #tpu.memory_space<semaphore_mem>>) {add = true}
      %add3A_181 = arith.constant 1 : i32
      %add3A_182 = arith.addi %add3A_136, %add3A_181 : i32
      %lt3A_183 = arith.cmpi slt, %add3A_182, %select_n3A : i32
      %convert_element_type3A_184 = arith.extui %lt3A_183 : i1 to i32
      %cond3A_185 = arith.constant 0 : i32
      %cond3A_186 = arith.cmpi ne, %convert_element_type3A_184, %cond3A_185 : i32
      scf.if %cond3A_186 {
        %add3A_246 = arith.constant 1 : i32
        %add3A_247 = arith.addi %add3A_136, %add3A_246 : i32
        %add3A_248 = arith.addi %select_n3A_8, %add3A_247 : i32
        %mul3A_249 = arith.constant 64 : i32
        %mul3A_250 = arith.muli %add3A_248, %mul3A_249 : i32
        %dma_start3A_251 = arith.constant 0 : i32
        %dma_start3A_252 = tpu.memref_slice %arg3[%mul3A_250, %dma_start3A_251] : memref<163840x128xf32, #tpu.memory_space<hbm>> -> memref<64x128xf32, #tpu.memory_space<hbm>>
        %dma_start3A_253 = arith.constant 0 : i32
        %dma_start3A_254 = tpu.memref_slice %arg3[%mul3A_250, %dma_start3A_253] : memref<163840x128xf32, #tpu.memory_space<hbm>> -> memref<64x128xf32, #tpu.memory_space<hbm>>
        tpu.enqueue_dma source(%dma_start3A_254 : memref<64x128xf32, #tpu.memory_space<hbm>>) target(%arg10 : memref<64x128xf32, #tpu.memory_space<vmem>>) target_semaphore(%arg13 : memref<!tpu.dma_semaphore, #tpu.memory_space<semaphore_mem>>)
      } else {
      }
      %mul3A_187 = arith.constant 2 : i32
      %mul3A_188 = arith.muli %mul3A_187, %while3A_132 : i32
      %add3A_189 = arith.constant 1 : i32
      %add3A_190 = arith.addi %mul3A_188, %add3A_189 : i32
      %ge3A_191 = arith.constant 1 : i32
      %ge3A_192 = arith.cmpi sge, %add3A_190, %ge3A_191 : i32
      %convert_element_type3A_193 = arith.extui %ge3A_192 : i1 to i32
      %cond3A_194 = arith.constant 0 : i32
      %cond3A_195 = arith.cmpi ne, %convert_element_type3A_193, %cond3A_194 : i32
      scf.if %cond3A_195 {
        %dma_wait3A_246 = arith.constant 0 : i32
        %dma_wait3A_247 = arith.constant 0 : i32
        %dma_wait3A_248 = arith.constant 0 : i32
        %dma_wait3A_249 = arith.constant 0 : i32
        %dma_wait3A_250 = arith.constant 0 : i32
        %dma_wait3A_251 = tpu.memref_slice %arg9[%dma_wait3A_246, %dma_wait3A_249, %dma_wait3A_250] : memref<2x64x128xf32, #tpu.memory_space<vmem>> -> memref<1x64x128xf32, #tpu.memory_space<vmem>>
        %dma_wait3A_252 = tpu.memref_squeeze %dma_wait3A_251 : memref<1x64x128xf32, #tpu.memory_space<vmem>> -> memref<64x128xf32, #tpu.memory_space<vmem>>
        %dma_wait3A_253 = arith.constant 0 : i32
        %dma_wait3A_254 = tpu.memref_slice %arg8[%dma_wait3A_247, %dma_wait3A_253] : memref<96x64xi32, #tpu.memory_space<vmem>> -> memref<1x64xi32, #tpu.memory_space<vmem>>
        %dma_wait3A_255 = tpu.memref_squeeze %dma_wait3A_254 : memref<1x64xi32, #tpu.memory_space<vmem>> -> memref<64xi32, #tpu.memory_space<vmem>>
        %dma_wait3A_256 = arith.constant 0 : i32
        %dma_wait3A_257 = arith.constant 0 : i32
        %dma_wait3A_258 = tpu.memref_slice %arg11[%dma_wait3A_256, %dma_wait3A_257] : memref<10112x128xf32, #tpu.memory_space<vmem_shared>> -> memref<10112x128xf32, #tpu.memory_space<vmem_shared>>
        %dma_wait3A_259 = tpu.memref_slice %arg14[%dma_wait3A_248] : memref<2x!tpu.dma_semaphore, #tpu.memory_space<semaphore_mem>> -> memref<1x!tpu.dma_semaphore, #tpu.memory_space<semaphore_mem>>
        %dma_wait3A_260 = tpu.memref_squeeze %dma_wait3A_259 : memref<1x!tpu.dma_semaphore, #tpu.memory_space<semaphore_mem>> -> memref<!tpu.dma_semaphore, #tpu.memory_space<semaphore_mem>>
        tpu.wait_indirect_dma semaphore(%dma_wait3A_260 : memref<!tpu.dma_semaphore, #tpu.memory_space<semaphore_mem>>) src(%dma_wait3A_252 : memref<64x128xf32, #tpu.memory_space<vmem>>) dst(%dma_wait3A_258 : memref<10112x128xf32, #tpu.memory_space<vmem_shared>>)
      } else {
      }
      %add3A_196 = arith.constant 1 : i32
      %add3A_197 = arith.addi %add3A_190, %add3A_196 : i32
      %lt3A_198 = arith.cmpi slt, %add3A_197, %select_n3A : i32
      %convert_element_type3A_199 = arith.extui %lt3A_198 : i1 to i32
      %cond3A_200 = arith.constant 0 : i32
      %cond3A_201 = arith.cmpi ne, %convert_element_type3A_199, %cond3A_200 : i32
      scf.if %cond3A_201 {
        %add3A_246 = arith.constant 1 : i32
        %add3A_247 = arith.addi %add3A_190, %add3A_246 : i32
        %dma_start3A_248 = arith.constant 0 : i32
        %dma_start3A_249 = arith.constant 0 : i32
        %dma_start3A_250 = arith.constant 0 : i32
        %dma_start3A_251 = arith.constant 0 : i32
        %dma_start3A_252 = tpu.memref_slice %arg9[%dma_start3A_248, %dma_start3A_250, %dma_start3A_251] : memref<2x64x128xf32, #tpu.memory_space<vmem>> -> memref<1x64x128xf32, #tpu.memory_space<vmem>>
        %dma_start3A_253 = tpu.memref_squeeze %dma_start3A_252 : memref<1x64x128xf32, #tpu.memory_space<vmem>> -> memref<64x128xf32, #tpu.memory_space<vmem>>
        %dma_start3A_254 = arith.constant 0 : i32
        %dma_start3A_255 = tpu.memref_slice %arg7[%add3A_247, %dma_start3A_254] : memref<96x64xi32, #tpu.memory_space<vmem>> -> memref<1x64xi32, #tpu.memory_space<vmem>>
        %dma_start3A_256 = tpu.memref_squeeze %dma_start3A_255 : memref<1x64xi32, #tpu.memory_space<vmem>> -> memref<64xi32, #tpu.memory_space<vmem>>
        %dma_start3A_257 = arith.constant 0 : i32
        %dma_start3A_258 = arith.constant 0 : i32
        %dma_start3A_259 = tpu.memref_slice %arg2[%dma_start3A_257, %dma_start3A_258] : memref<10000x128xf32, #tpu.memory_space<hbm>> -> memref<10000x128xf32, #tpu.memory_space<hbm>>
        %dma_start3A_260 = tpu.memref_slice %arg12[%dma_start3A_249] : memref<2x!tpu.dma_semaphore, #tpu.memory_space<semaphore_mem>> -> memref<1x!tpu.dma_semaphore, #tpu.memory_space<semaphore_mem>>
        %dma_start3A_261 = tpu.memref_squeeze %dma_start3A_260 : memref<1x!tpu.dma_semaphore, #tpu.memory_space<semaphore_mem>> -> memref<!tpu.dma_semaphore, #tpu.memory_space<semaphore_mem>>
        tpu.enqueue_indirect_dma source(%dma_start3A_259 : memref<10000x128xf32, #tpu.memory_space<hbm>>) target(%dma_start3A_253 : memref<64x128xf32, #tpu.memory_space<vmem>>) offsets(%dma_start3A_256 : memref<64xi32, #tpu.memory_space<vmem>>) semaphore(%dma_start3A_261 : memref<!tpu.dma_semaphore, #tpu.memory_space<semaphore_mem>>)
      } else {
      }
      %dma_wait3A_202 = arith.constant 0 : i32
      %dma_wait3A_203 = arith.constant 1 : i32
      %dma_wait3A_204 = arith.constant 1 : i32
      %dma_wait3A_205 = arith.constant 0 : i32
      %dma_wait3A_206 = arith.constant 0 : i32
      %dma_wait3A_207 = tpu.memref_slice %arg9[%dma_wait3A_203, %dma_wait3A_205, %dma_wait3A_206] : memref<2x64x128xf32, #tpu.memory_space<vmem>> -> memref<1x64x128xf32, #tpu.memory_space<vmem>>
      %dma_wait3A_208 = tpu.memref_squeeze %dma_wait3A_207 : memref<1x64x128xf32, #tpu.memory_space<vmem>> -> memref<64x128xf32, #tpu.memory_space<vmem>>
      %dma_wait3A_209 = arith.constant 0 : i32
      %dma_wait3A_210 = tpu.memref_slice %arg7[%dma_wait3A_202, %dma_wait3A_209] : memref<96x64xi32, #tpu.memory_space<vmem>> -> memref<1x64xi32, #tpu.memory_space<vmem>>
      %dma_wait3A_211 = tpu.memref_squeeze %dma_wait3A_210 : memref<1x64xi32, #tpu.memory_space<vmem>> -> memref<64xi32, #tpu.memory_space<vmem>>
      %dma_wait3A_212 = arith.constant 0 : i32
      %dma_wait3A_213 = arith.constant 0 : i32
      %dma_wait3A_214 = tpu.memref_slice %arg2[%dma_wait3A_212, %dma_wait3A_213] : memref<10000x128xf32, #tpu.memory_space<hbm>> -> memref<10000x128xf32, #tpu.memory_space<hbm>>
      %dma_wait3A_215 = tpu.memref_slice %arg12[%dma_wait3A_204] : memref<2x!tpu.dma_semaphore, #tpu.memory_space<semaphore_mem>> -> memref<1x!tpu.dma_semaphore, #tpu.memory_space<semaphore_mem>>
      %dma_wait3A_216 = tpu.memref_squeeze %dma_wait3A_215 : memref<1x!tpu.dma_semaphore, #tpu.memory_space<semaphore_mem>> -> memref<!tpu.dma_semaphore, #tpu.memory_space<semaphore_mem>>
      tpu.wait_indirect_dma semaphore(%dma_wait3A_216 : memref<!tpu.dma_semaphore, #tpu.memory_space<semaphore_mem>>) src(%dma_wait3A_214 : memref<10000x128xf32, #tpu.memory_space<hbm>>) dst(%dma_wait3A_208 : memref<64x128xf32, #tpu.memory_space<vmem>>)
      %dma_wait3A_217 = arith.constant 0 : i32
      %dma_wait3A_218 = arith.constant 0 : i32
      %dma_wait3A_219 = tpu.memref_slice %arg3[%dma_wait3A_217, %dma_wait3A_218] : memref<163840x128xf32, #tpu.memory_space<hbm>> -> memref<64x128xf32, #tpu.memory_space<hbm>>
      %dma_wait3A_220 = arith.constant 0 : i32
      %dma_wait3A_221 = arith.constant 0 : i32
      %dma_wait3A_222 = tpu.memref_slice %arg3[%dma_wait3A_220, %dma_wait3A_221] : memref<163840x128xf32, #tpu.memory_space<hbm>> -> memref<64x128xf32, #tpu.memory_space<hbm>>
      tpu.wait_dma2 semaphore(%arg13 : memref<!tpu.dma_semaphore, #tpu.memory_space<semaphore_mem>>) src(%dma_wait3A_222 : memref<64x128xf32, #tpu.memory_space<hbm>>) dst(%arg10 : memref<64x128xf32, #tpu.memory_space<vmem>>)
      %parallel_loop3A_223 = arith.constant 0 : i32
      %parallel_loop3A_224 = arith.constant 64 : i32
      %parallel_loop3A_225 = arith.constant 1 : i32
      scf.for %parallel_loop3A_246 = %parallel_loop3A_223 to %parallel_loop3A_224 step %parallel_loop3A_225  : i32 {
        %parallel_loop3A_247 = arith.constant 1 : i32
        %parallel_loop3A_248 = arith.index_cast %parallel_loop3A_247 : i32 to index
        %parallel_loop3A_249 = arith.index_cast %parallel_loop3A_246 : i32 to index
        %parallel_loop3A_250 = arith.constant 0 : index
        %parallel_loop3A_251 = tpu.vector_load %arg9[%parallel_loop3A_248, %parallel_loop3A_249, %parallel_loop3A_250] {strides = array<i32>} : memref<2x64x128xf32, #tpu.memory_space<vmem>>, vector<1x1x16xf32>,
        %parallel_loop3A_252 = vector.shape_cast %parallel_loop3A_251 : vector<1x1x16xf32> to vector<16xf32>
        %parallel_loop3A_253 = arith.index_cast %parallel_loop3A_246 : i32 to index
        %parallel_loop3A_254 = arith.constant 0 : index
        %parallel_loop3A_255 = tpu.vector_load %arg10[%parallel_loop3A_253, %parallel_loop3A_254] {strides = array<i32>} : memref<64x128xf32, #tpu.memory_space<vmem>>, vector<1x16xf32>,
        %parallel_loop3A_256 = vector.shape_cast %parallel_loop3A_255 : vector<1x16xf32> to vector<16xf32>
        %parallel_loop3A_257 = arith.mulf %parallel_loop3A_252, %parallel_loop3A_256 : vector<16xf32>
        %parallel_loop3A_258 = arith.constant 1 : i32
        %parallel_loop3A_259 = arith.index_cast %parallel_loop3A_258 : i32 to index
        %parallel_loop3A_260 = arith.index_cast %parallel_loop3A_246 : i32 to index
        %parallel_loop3A_261 = arith.constant 0 : index
        %parallel_loop3A_262 = tpu.vector_load %arg9[%parallel_loop3A_259, %parallel_loop3A_260, %parallel_loop3A_261] {strides = array<i32>} : memref<2x64x128xf32, #tpu.memory_space<vmem>>, vector<1x1x16xf32>,
        %parallel_loop3A_263 = vector.shape_cast %parallel_loop3A_262 : vector<1x1x16xf32> to vector<16xf32>
        %parallel_loop3A_264 = vector.shape_cast %parallel_loop3A_257 : vector<16xf32> to vector<1x1x16xf32>
        tpu.vector_store %arg9[%parallel_loop3A_259, %parallel_loop3A_260, %parallel_loop3A_261], %parallel_loop3A_264 {strides = array<i32>} : memref<2x64x128xf32, #tpu.memory_space<vmem>>, vector<1x1x16xf32>,
        %parallel_loop3A_265 = arith.constant 1 : i32
        %parallel_loop3A_266 = arith.index_cast %parallel_loop3A_265 : i32 to index
        %parallel_loop3A_267 = arith.index_cast %parallel_loop3A_246 : i32 to index
        %parallel_loop3A_268 = arith.constant 16 : index
        %parallel_loop3A_269 = tpu.vector_load %arg9[%parallel_loop3A_266, %parallel_loop3A_267, %parallel_loop3A_268] {strides = array<i32>} : memref<2x64x128xf32, #tpu.memory_space<vmem>>, vector<1x1x16xf32>,
        %parallel_loop3A_270 = vector.shape_cast %parallel_loop3A_269 : vector<1x1x16xf32> to vector<16xf32>
        %parallel_loop3A_271 = arith.index_cast %parallel_loop3A_246 : i32 to index
        %parallel_loop3A_272 = arith.constant 16 : index
        %parallel_loop3A_273 = tpu.vector_load %arg10[%parallel_loop3A_271, %parallel_loop3A_272] {strides = array<i32>} : memref<64x128xf32, #tpu.memory_space<vmem>>, vector<1x16xf32>,
        %parallel_loop3A_274 = vector.shape_cast %parallel_loop3A_273 : vector<1x16xf32> to vector<16xf32>
        %parallel_loop3A_275 = arith.mulf %parallel_loop3A_270, %parallel_loop3A_274 : vector<16xf32>
        %parallel_loop3A_276 = arith.constant 1 : i32
        %parallel_loop3A_277 = arith.index_cast %parallel_loop3A_276 : i32 to index
        %parallel_loop3A_278 = arith.index_cast %parallel_loop3A_246 : i32 to index
        %parallel_loop3A_279 = arith.constant 16 : index
        %parallel_loop3A_280 = tpu.vector_load %arg9[%parallel_loop3A_277, %parallel_loop3A_278, %parallel_loop3A_279] {strides = array<i32>} : memref<2x64x128xf32, #tpu.memory_space<vmem>>, vector<1x1x16xf32>,
        %parallel_loop3A_281 = vector.shape_cast %parallel_loop3A_280 : vector<1x1x16xf32> to vector<16xf32>
        %parallel_loop3A_282 = vector.shape_cast %parallel_loop3A_275 : vector<16xf32> to vector<1x1x16xf32>
        tpu.vector_store %arg9[%parallel_loop3A_277, %parallel_loop3A_278, %parallel_loop3A_279], %parallel_loop3A_282 {strides = array<i32>} : memref<2x64x128xf32, #tpu.memory_space<vmem>>, vector<1x1x16xf32>,
        %parallel_loop3A_283 = arith.constant 1 : i32
        %parallel_loop3A_284 = arith.index_cast %parallel_loop3A_283 : i32 to index
        %parallel_loop3A_285 = arith.index_cast %parallel_loop3A_246 : i32 to index
        %parallel_loop3A_286 = arith.constant 32 : index
        %parallel_loop3A_287 = tpu.vector_load %arg9[%parallel_loop3A_284, %parallel_loop3A_285, %parallel_loop3A_286] {strides = array<i32>} : memref<2x64x128xf32, #tpu.memory_space<vmem>>, vector<1x1x16xf32>,
        %parallel_loop3A_288 = vector.shape_cast %parallel_loop3A_287 : vector<1x1x16xf32> to vector<16xf32>
        %parallel_loop3A_289 = arith.index_cast %parallel_loop3A_246 : i32 to index
        %parallel_loop3A_290 = arith.constant 32 : index
        %parallel_loop3A_291 = tpu.vector_load %arg10[%parallel_loop3A_289, %parallel_loop3A_290] {strides = array<i32>} : memref<64x128xf32, #tpu.memory_space<vmem>>, vector<1x16xf32>,
        %parallel_loop3A_292 = vector.shape_cast %parallel_loop3A_291 : vector<1x16xf32> to vector<16xf32>
        %parallel_loop3A_293 = arith.mulf %parallel_loop3A_288, %parallel_loop3A_292 : vector<16xf32>
        %parallel_loop3A_294 = arith.constant 1 : i32
        %parallel_loop3A_295 = arith.index_cast %parallel_loop3A_294 : i32 to index
        %parallel_loop3A_296 = arith.index_cast %parallel_loop3A_246 : i32 to index
        %parallel_loop3A_297 = arith.constant 32 : index
        %parallel_loop3A_298 = tpu.vector_load %arg9[%parallel_loop3A_295, %parallel_loop3A_296, %parallel_loop3A_297] {strides = array<i32>} : memref<2x64x128xf32, #tpu.memory_space<vmem>>, vector<1x1x16xf32>,
        %parallel_loop3A_299 = vector.shape_cast %parallel_loop3A_298 : vector<1x1x16xf32> to vector<16xf32>
        %parallel_loop3A_300 = vector.shape_cast %parallel_loop3A_293 : vector<16xf32> to vector<1x1x16xf32>
        tpu.vector_store %arg9[%parallel_loop3A_295, %parallel_loop3A_296, %parallel_loop3A_297], %parallel_loop3A_300 {strides = array<i32>} : memref<2x64x128xf32, #tpu.memory_space<vmem>>, vector<1x1x16xf32>,
        %parallel_loop3A_301 = arith.constant 1 : i32
        %parallel_loop3A_302 = arith.index_cast %parallel_loop3A_301 : i32 to index
        %parallel_loop3A_303 = arith.index_cast %parallel_loop3A_246 : i32 to index
        %parallel_loop3A_304 = arith.constant 48 : index
        %parallel_loop3A_305 = tpu.vector_load %arg9[%parallel_loop3A_302, %parallel_loop3A_303, %parallel_loop3A_304] {strides = array<i32>} : memref<2x64x128xf32, #tpu.memory_space<vmem>>, vector<1x1x16xf32>,
        %parallel_loop3A_306 = vector.shape_cast %parallel_loop3A_305 : vector<1x1x16xf32> to vector<16xf32>
        %parallel_loop3A_307 = arith.index_cast %parallel_loop3A_246 : i32 to index
        %parallel_loop3A_308 = arith.constant 48 : index
        %parallel_loop3A_309 = tpu.vector_load %arg10[%parallel_loop3A_307, %parallel_loop3A_308] {strides = array<i32>} : memref<64x128xf32, #tpu.memory_space<vmem>>, vector<1x16xf32>,
        %parallel_loop3A_310 = vector.shape_cast %parallel_loop3A_309 : vector<1x16xf32> to vector<16xf32>
        %parallel_loop3A_311 = arith.mulf %parallel_loop3A_306, %parallel_loop3A_310 : vector<16xf32>
        %parallel_loop3A_312 = arith.constant 1 : i32
        %parallel_loop3A_313 = arith.index_cast %parallel_loop3A_312 : i32 to index
        %parallel_loop3A_314 = arith.index_cast %parallel_loop3A_246 : i32 to index
        %parallel_loop3A_315 = arith.constant 48 : index
        %parallel_loop3A_316 = tpu.vector_load %arg9[%parallel_loop3A_313, %parallel_loop3A_314, %parallel_loop3A_315] {strides = array<i32>} : memref<2x64x128xf32, #tpu.memory_space<vmem>>, vector<1x1x16xf32>,
        %parallel_loop3A_317 = vector.shape_cast %parallel_loop3A_316 : vector<1x1x16xf32> to vector<16xf32>
        %parallel_loop3A_318 = vector.shape_cast %parallel_loop3A_311 : vector<16xf32> to vector<1x1x16xf32>
        tpu.vector_store %arg9[%parallel_loop3A_313, %parallel_loop3A_314, %parallel_loop3A_315], %parallel_loop3A_318 {strides = array<i32>} : memref<2x64x128xf32, #tpu.memory_space<vmem>>, vector<1x1x16xf32>,
        %parallel_loop3A_319 = arith.constant 1 : i32
        %parallel_loop3A_320 = arith.index_cast %parallel_loop3A_319 : i32 to index
        %parallel_loop3A_321 = arith.index_cast %parallel_loop3A_246 : i32 to index
        %parallel_loop3A_322 = arith.constant 64 : index
        %parallel_loop3A_323 = tpu.vector_load %arg9[%parallel_loop3A_320, %parallel_loop3A_321, %parallel_loop3A_322] {strides = array<i32>} : memref<2x64x128xf32, #tpu.memory_space<vmem>>, vector<1x1x16xf32>,
        %parallel_loop3A_324 = vector.shape_cast %parallel_loop3A_323 : vector<1x1x16xf32> to vector<16xf32>
        %parallel_loop3A_325 = arith.index_cast %parallel_loop3A_246 : i32 to index
        %parallel_loop3A_326 = arith.constant 64 : index
        %parallel_loop3A_327 = tpu.vector_load %arg10[%parallel_loop3A_325, %parallel_loop3A_326] {strides = array<i32>} : memref<64x128xf32, #tpu.memory_space<vmem>>, vector<1x16xf32>,
        %parallel_loop3A_328 = vector.shape_cast %parallel_loop3A_327 : vector<1x16xf32> to vector<16xf32>
        %parallel_loop3A_329 = arith.mulf %parallel_loop3A_324, %parallel_loop3A_328 : vector<16xf32>
        %parallel_loop3A_330 = arith.constant 1 : i32
        %parallel_loop3A_331 = arith.index_cast %parallel_loop3A_330 : i32 to index
        %parallel_loop3A_332 = arith.index_cast %parallel_loop3A_246 : i32 to index
        %parallel_loop3A_333 = arith.constant 64 : index
        %parallel_loop3A_334 = tpu.vector_load %arg9[%parallel_loop3A_331, %parallel_loop3A_332, %parallel_loop3A_333] {strides = array<i32>} : memref<2x64x128xf32, #tpu.memory_space<vmem>>, vector<1x1x16xf32>,
        %parallel_loop3A_335 = vector.shape_cast %parallel_loop3A_334 : vector<1x1x16xf32> to vector<16xf32>
        %parallel_loop3A_336 = vector.shape_cast %parallel_loop3A_329 : vector<16xf32> to vector<1x1x16xf32>
        tpu.vector_store %arg9[%parallel_loop3A_331, %parallel_loop3A_332, %parallel_loop3A_333], %parallel_loop3A_336 {strides = array<i32>} : memref<2x64x128xf32, #tpu.memory_space<vmem>>, vector<1x1x16xf32>,
        %parallel_loop3A_337 = arith.constant 1 : i32
        %parallel_loop3A_338 = arith.index_cast %parallel_loop3A_337 : i32 to index
        %parallel_loop3A_339 = arith.index_cast %parallel_loop3A_246 : i32 to index
        %parallel_loop3A_340 = arith.constant 80 : index
        %parallel_loop3A_341 = tpu.vector_load %arg9[%parallel_loop3A_338, %parallel_loop3A_339, %parallel_loop3A_340] {strides = array<i32>} : memref<2x64x128xf32, #tpu.memory_space<vmem>>, vector<1x1x16xf32>,
        %parallel_loop3A_342 = vector.shape_cast %parallel_loop3A_341 : vector<1x1x16xf32> to vector<16xf32>
        %parallel_loop3A_343 = arith.index_cast %parallel_loop3A_246 : i32 to index
        %parallel_loop3A_344 = arith.constant 80 : index
        %parallel_loop3A_345 = tpu.vector_load %arg10[%parallel_loop3A_343, %parallel_loop3A_344] {strides = array<i32>} : memref<64x128xf32, #tpu.memory_space<vmem>>, vector<1x16xf32>,
        %parallel_loop3A_346 = vector.shape_cast %parallel_loop3A_345 : vector<1x16xf32> to vector<16xf32>
        %parallel_loop3A_347 = arith.mulf %parallel_loop3A_342, %parallel_loop3A_346 : vector<16xf32>
        %parallel_loop3A_348 = arith.constant 1 : i32
        %parallel_loop3A_349 = arith.index_cast %parallel_loop3A_348 : i32 to index
        %parallel_loop3A_350 = arith.index_cast %parallel_loop3A_246 : i32 to index
        %parallel_loop3A_351 = arith.constant 80 : index
        %parallel_loop3A_352 = tpu.vector_load %arg9[%parallel_loop3A_349, %parallel_loop3A_350, %parallel_loop3A_351] {strides = array<i32>} : memref<2x64x128xf32, #tpu.memory_space<vmem>>, vector<1x1x16xf32>,
        %parallel_loop3A_353 = vector.shape_cast %parallel_loop3A_352 : vector<1x1x16xf32> to vector<16xf32>
        %parallel_loop3A_354 = vector.shape_cast %parallel_loop3A_347 : vector<16xf32> to vector<1x1x16xf32>
        tpu.vector_store %arg9[%parallel_loop3A_349, %parallel_loop3A_350, %parallel_loop3A_351], %parallel_loop3A_354 {strides = array<i32>} : memref<2x64x128xf32, #tpu.memory_space<vmem>>, vector<1x1x16xf32>,
        %parallel_loop3A_355 = arith.constant 1 : i32
        %parallel_loop3A_356 = arith.index_cast %parallel_loop3A_355 : i32 to index
        %parallel_loop3A_357 = arith.index_cast %parallel_loop3A_246 : i32 to index
        %parallel_loop3A_358 = arith.constant 96 : index
        %parallel_loop3A_359 = tpu.vector_load %arg9[%parallel_loop3A_356, %parallel_loop3A_357, %parallel_loop3A_358] {strides = array<i32>} : memref<2x64x128xf32, #tpu.memory_space<vmem>>, vector<1x1x16xf32>,
        %parallel_loop3A_360 = vector.shape_cast %parallel_loop3A_359 : vector<1x1x16xf32> to vector<16xf32>
        %parallel_loop3A_361 = arith.index_cast %parallel_loop3A_246 : i32 to index
        %parallel_loop3A_362 = arith.constant 96 : index
        %parallel_loop3A_363 = tpu.vector_load %arg10[%parallel_loop3A_361, %parallel_loop3A_362] {strides = array<i32>} : memref<64x128xf32, #tpu.memory_space<vmem>>, vector<1x16xf32>,
        %parallel_loop3A_364 = vector.shape_cast %parallel_loop3A_363 : vector<1x16xf32> to vector<16xf32>
        %parallel_loop3A_365 = arith.mulf %parallel_loop3A_360, %parallel_loop3A_364 : vector<16xf32>
        %parallel_loop3A_366 = arith.constant 1 : i32
        %parallel_loop3A_367 = arith.index_cast %parallel_loop3A_366 : i32 to index
        %parallel_loop3A_368 = arith.index_cast %parallel_loop3A_246 : i32 to index
        %parallel_loop3A_369 = arith.constant 96 : index
        %parallel_loop3A_370 = tpu.vector_load %arg9[%parallel_loop3A_367, %parallel_loop3A_368, %parallel_loop3A_369] {strides = array<i32>} : memref<2x64x128xf32, #tpu.memory_space<vmem>>, vector<1x1x16xf32>,
        %parallel_loop3A_371 = vector.shape_cast %parallel_loop3A_370 : vector<1x1x16xf32> to vector<16xf32>
        %parallel_loop3A_372 = vector.shape_cast %parallel_loop3A_365 : vector<16xf32> to vector<1x1x16xf32>
        tpu.vector_store %arg9[%parallel_loop3A_367, %parallel_loop3A_368, %parallel_loop3A_369], %parallel_loop3A_372 {strides = array<i32>} : memref<2x64x128xf32, #tpu.memory_space<vmem>>, vector<1x1x16xf32>,
        %parallel_loop3A_373 = arith.constant 1 : i32
        %parallel_loop3A_374 = arith.index_cast %parallel_loop3A_373 : i32 to index
        %parallel_loop3A_375 = arith.index_cast %parallel_loop3A_246 : i32 to index
        %parallel_loop3A_376 = arith.constant 112 : index
        %parallel_loop3A_377 = tpu.vector_load %arg9[%parallel_loop3A_374, %parallel_loop3A_375, %parallel_loop3A_376] {strides = array<i32>} : memref<2x64x128xf32, #tpu.memory_space<vmem>>, vector<1x1x16xf32>,
        %parallel_loop3A_378 = vector.shape_cast %parallel_loop3A_377 : vector<1x1x16xf32> to vector<16xf32>
        %parallel_loop3A_379 = arith.index_cast %parallel_loop3A_246 : i32 to index
        %parallel_loop3A_380 = arith.constant 112 : index
        %parallel_loop3A_381 = tpu.vector_load %arg10[%parallel_loop3A_379, %parallel_loop3A_380] {strides = array<i32>} : memref<64x128xf32, #tpu.memory_space<vmem>>, vector<1x16xf32>,
        %parallel_loop3A_382 = vector.shape_cast %parallel_loop3A_381 : vector<1x16xf32> to vector<16xf32>
        %parallel_loop3A_383 = arith.mulf %parallel_loop3A_378, %parallel_loop3A_382 : vector<16xf32>
        %parallel_loop3A_384 = arith.constant 1 : i32
        %parallel_loop3A_385 = arith.index_cast %parallel_loop3A_384 : i32 to index
        %parallel_loop3A_386 = arith.index_cast %parallel_loop3A_246 : i32 to index
        %parallel_loop3A_387 = arith.constant 112 : index
        %parallel_loop3A_388 = tpu.vector_load %arg9[%parallel_loop3A_385, %parallel_loop3A_386, %parallel_loop3A_387] {strides = array<i32>} : memref<2x64x128xf32, #tpu.memory_space<vmem>>, vector<1x1x16xf32>,
        %parallel_loop3A_389 = vector.shape_cast %parallel_loop3A_388 : vector<1x1x16xf32> to vector<16xf32>
        %parallel_loop3A_390 = vector.shape_cast %parallel_loop3A_383 : vector<16xf32> to vector<1x1x16xf32>
        tpu.vector_store %arg9[%parallel_loop3A_385, %parallel_loop3A_386, %parallel_loop3A_387], %parallel_loop3A_390 {strides = array<i32>} : memref<2x64x128xf32, #tpu.memory_space<vmem>>, vector<1x1x16xf32>,
      } {sc.loop_unroll_factor = 4 : i64, sc.parallel_access}
      %dma_start3A_226 = arith.constant 1 : i32
      %dma_start3A_227 = arith.constant 1 : i32
      %dma_start3A_228 = arith.constant 0 : i32
      %dma_start3A_229 = arith.constant 0 : i32
      %dma_start3A_230 = tpu.memref_slice %arg9[%dma_start3A_226, %dma_start3A_228, %dma_start3A_229] : memref<2x64x128xf32, #tpu.memory_space<vmem>> -> memref<1x64x128xf32, #tpu.memory_space<vmem>>
      %dma_start3A_231 = tpu.memref_squeeze %dma_start3A_230 : memref<1x64x128xf32, #tpu.memory_space<vmem>> -> memref<64x128xf32, #tpu.memory_space<vmem>>
      %dma_start3A_232 = arith.constant 0 : i32
      %dma_start3A_233 = tpu.memref_slice %arg8[%add3A_190, %dma_start3A_232] : memref<96x64xi32, #tpu.memory_space<vmem>> -> memref<1x64xi32, #tpu.memory_space<vmem>>
      %dma_start3A_234 = tpu.memref_squeeze %dma_start3A_233 : memref<1x64xi32, #tpu.memory_space<vmem>> -> memref<64xi32, #tpu.memory_space<vmem>>
      %dma_start3A_235 = arith.constant 0 : i32
      %dma_start3A_236 = arith.constant 0 : i32
      %dma_start3A_237 = tpu.memref_slice %arg11[%dma_start3A_235, %dma_start3A_236] : memref<10112x128xf32, #tpu.memory_space<vmem_shared>> -> memref<10112x128xf32, #tpu.memory_space<vmem_shared>>
      %dma_start3A_238 = tpu.memref_slice %arg14[%dma_start3A_227] : memref<2x!tpu.dma_semaphore, #tpu.memory_space<semaphore_mem>> -> memref<1x!tpu.dma_semaphore, #tpu.memory_space<semaphore_mem>>
      %dma_start3A_239 = tpu.memref_squeeze %dma_start3A_238 : memref<1x!tpu.dma_semaphore, #tpu.memory_space<semaphore_mem>> -> memref<!tpu.dma_semaphore, #tpu.memory_space<semaphore_mem>>
      tpu.enqueue_indirect_dma source(%dma_start3A_231 : memref<64x128xf32, #tpu.memory_space<vmem>>) target(%dma_start3A_237 : memref<10112x128xf32, #tpu.memory_space<vmem_shared>>) offsets(%dma_start3A_234 : memref<64xi32, #tpu.memory_space<vmem>>) semaphore(%dma_start3A_239 : memref<!tpu.dma_semaphore, #tpu.memory_space<semaphore_mem>>) {add = true}
      %add3A_240 = arith.constant 1 : i32
      %add3A_241 = arith.addi %add3A_190, %add3A_240 : i32
      %lt3A_242 = arith.cmpi slt, %add3A_241, %select_n3A : i32
      %convert_element_type3A_243 = arith.extui %lt3A_242 : i1 to i32
      %cond3A_244 = arith.constant 0 : i32
      %cond3A_245 = arith.cmpi ne, %convert_element_type3A_243, %cond3A_244 : i32
      scf.if %cond3A_245 {
        %add3A_246 = arith.constant 1 : i32
        %add3A_247 = arith.addi %add3A_190, %add3A_246 : i32
        %add3A_248 = arith.addi %select_n3A_8, %add3A_247 : i32
        %mul3A_249 = arith.constant 64 : i32
        %mul3A_250 = arith.muli %add3A_248, %mul3A_249 : i32
        %dma_start3A_251 = arith.constant 0 : i32
        %dma_start3A_252 = tpu.memref_slice %arg3[%mul3A_250, %dma_start3A_251] : memref<163840x128xf32, #tpu.memory_space<hbm>> -> memref<64x128xf32, #tpu.memory_space<hbm>>
        %dma_start3A_253 = arith.constant 0 : i32
        %dma_start3A_254 = tpu.memref_slice %arg3[%mul3A_250, %dma_start3A_253] : memref<163840x128xf32, #tpu.memory_space<hbm>> -> memref<64x128xf32, #tpu.memory_space<hbm>>
        tpu.enqueue_dma source(%dma_start3A_254 : memref<64x128xf32, #tpu.memory_space<hbm>>) target(%arg10 : memref<64x128xf32, #tpu.memory_space<vmem>>) target_semaphore(%arg13 : memref<!tpu.dma_semaphore, #tpu.memory_space<semaphore_mem>>)
      } else {
      }
    }
    %dma_wait3A = arith.constant 1 : i32
    %dma_wait3A_113 = arith.constant 0 : i32
    %dma_wait3A_114 = arith.constant 1 : i32
    %dma_wait3A_115 = arith.constant 0 : i32
    %dma_wait3A_116 = arith.constant 0 : i32
    %dma_wait3A_117 = tpu.memref_slice %arg9[%dma_wait3A, %dma_wait3A_115, %dma_wait3A_116] : memref<2x64x128xf32, #tpu.memory_space<vmem>> -> memref<1x64x128xf32, #tpu.memory_space<vmem>>
    %dma_wait3A_118 = tpu.memref_squeeze %dma_wait3A_117 : memref<1x64x128xf32, #tpu.memory_space<vmem>> -> memref<64x128xf32, #tpu.memory_space<vmem>>
    %dma_wait3A_119 = arith.constant 0 : i32
    %dma_wait3A_120 = tpu.memref_slice %arg8[%dma_wait3A_113, %dma_wait3A_119] : memref<96x64xi32, #tpu.memory_space<vmem>> -> memref<1x64xi32, #tpu.memory_space<vmem>>
    %dma_wait3A_121 = tpu.memref_squeeze %dma_wait3A_120 : memref<1x64xi32, #tpu.memory_space<vmem>> -> memref<64xi32, #tpu.memory_space<vmem>>
    %dma_wait3A_122 = arith.constant 0 : i32
    %dma_wait3A_123 = arith.constant 0 : i32
    %dma_wait3A_124 = tpu.memref_slice %arg11[%dma_wait3A_122, %dma_wait3A_123] : memref<10112x128xf32, #tpu.memory_space<vmem_shared>> -> memref<10112x128xf32, #tpu.memory_space<vmem_shared>>
    %dma_wait3A_125 = tpu.memref_slice %arg14[%dma_wait3A_114] : memref<2x!tpu.dma_semaphore, #tpu.memory_space<semaphore_mem>> -> memref<1x!tpu.dma_semaphore, #tpu.memory_space<semaphore_mem>>
    %dma_wait3A_126 = tpu.memref_squeeze %dma_wait3A_125 : memref<1x!tpu.dma_semaphore, #tpu.memory_space<semaphore_mem>> -> memref<!tpu.dma_semaphore, #tpu.memory_space<semaphore_mem>>
    tpu.wait_indirect_dma semaphore(%dma_wait3A_126 : memref<!tpu.dma_semaphore, #tpu.memory_space<semaphore_mem>>) src(%dma_wait3A_118 : memref<64x128xf32, #tpu.memory_space<vmem>>) dst(%dma_wait3A_124 : memref<10112x128xf32, #tpu.memory_space<vmem_shared>>)
    %barrier3A_127 = arith.constant 0 : index
    tpu.barrier barrier_id(%barrier3A_127)
    %mul3A_128 = arith.constant 632 : i32
    %mul3A_129 = arith.muli %arg1, %mul3A_128 : i32
    %mul3A_130 = arith.constant 632 : i32
    %mul3A_131 = arith.muli %arg1, %mul3A_130 : i32
    "tpu.region"() ({
      %run_scoped3A_132 = tpu.sem_alloc : memref<!tpu.dma_semaphore, #tpu.memory_space<semaphore_mem>>
      %dma_start3A_133 = arith.constant 0 : i32
      %dma_start3A_134 = tpu.memref_slice %arg6[%arg0, %mul3A_131, %dma_start3A_133] : memref<2x10112x128xf32, #tpu.memory_space<hbm>> -> memref<1x632x128xf32, #tpu.memory_space<hbm>>
      %dma_start3A_135 = tpu.memref_squeeze %dma_start3A_134 : memref<1x632x128xf32, #tpu.memory_space<hbm>> -> memref<632x128xf32, #tpu.memory_space<hbm>>
      %dma_start3A_136 = arith.constant 0 : i32
      %dma_start3A_137 = tpu.memref_slice %arg11[%mul3A_129, %dma_start3A_136] : memref<10112x128xf32, #tpu.memory_space<vmem_shared>> -> memref<632x128xf32, #tpu.memory_space<vmem_shared>>
      tpu.enqueue_dma source(%dma_start3A_137 : memref<632x128xf32, #tpu.memory_space<vmem_shared>>) target(%dma_start3A_135 : memref<632x128xf32, #tpu.memory_space<hbm>>) target_semaphore(%run_scoped3A_132 : memref<!tpu.dma_semaphore, #tpu.memory_space<semaphore_mem>>)
      %dma_wait3A_138 = arith.constant 0 : i32
      %dma_wait3A_139 = tpu.memref_slice %arg6[%arg0, %mul3A_131, %dma_wait3A_138] : memref<2x10112x128xf32, #tpu.memory_space<hbm>> -> memref<1x632x128xf32, #tpu.memory_space<hbm>>
      %dma_wait3A_140 = tpu.memref_squeeze %dma_wait3A_139 : memref<1x632x128xf32, #tpu.memory_space<hbm>> -> memref<632x128xf32, #tpu.memory_space<hbm>>
      %dma_wait3A_141 = arith.constant 0 : i32
      %dma_wait3A_142 = tpu.memref_slice %arg11[%mul3A_129, %dma_wait3A_141] : memref<10112x128xf32, #tpu.memory_space<vmem_shared>> -> memref<632x128xf32, #tpu.memory_space<vmem_shared>>
      tpu.wait_dma2 semaphore(%run_scoped3A_132 : memref<!tpu.dma_semaphore, #tpu.memory_space<semaphore_mem>>) src(%dma_wait3A_142 : memref<632x128xf32, #tpu.memory_space<vmem_shared>>) dst(%dma_wait3A_140 : memref<632x128xf32, #tpu.memory_space<hbm>>)
      tpu.yield
    }) : () -> ()
    return
  }
}

module attributes {stable_mosaic.version = 14 : i64} {
  func.func @body(%arg0: i32, %arg1: memref<16x4096xf32, #tpu.memory_space<vmem>>, %arg2: memref<4x4096xf32, #tpu.memory_space<vmem>>, %arg3: memref<16x8xf32, #tpu.memory_space<vmem>>, %arg4: memref<8x1xf32, #tpu.memory_space<vmem>>, %arg5: memref<32x128xf32, #tpu.memory_space<vmem>>, %arg6: memref<4096x128xf32, #tpu.memory_space<vmem>>) attributes {dimension_semantics = [#tpu.dimension_semantics<arbitrary>], iteration_bounds = array<i64: 40>, scalar_prefetch = 0 : i64, scratch_operands = 0 : i64, tpu.core_type = #tpu.core_type<tc>, window_params = [{transform_indices = @transform_0, window_bounds = array<i64: 16, 4096>}, {transform_indices = @transform_1, window_bounds = array<i64: 4, 4096>}, {pipeline_mode = #tpu.pipeline_mode<synchronous>, transform_indices = @transform_2, window_bounds = array<i64: 16, 8>}, {pipeline_mode = #tpu.pipeline_mode<synchronous>, transform_indices = @transform_3, window_bounds = array<i64: 8, 1>}, {pipeline_mode = #tpu.pipeline_mode<synchronous>, transform_indices = @transform_4, window_bounds = array<i64: 32, 128>}, {transform_indices = @transform_5, window_bounds = array<i64: 4096, 128>}]} {
    %get3A = arith.constant 0 : index
    %get3A_0 = arith.constant 0 : index
    %get3A_1 = vector.load %arg3[%get3A, %get3A_0] : memref<16x8xf32, #tpu.memory_space<vmem>>, vector<16x8xf32>
    %get3A_2 = arith.constant 0 : index
    %get3A_3 = arith.constant 0 : index
    %get3A_4 = vector.load %arg1[%get3A_2, %get3A_3] : memref<16x4096xf32, #tpu.memory_space<vmem>>, vector<16x4096xf32>
    %dot_general3A = arith.constant dense<0.000000e+00> : vector<8x4096xf32>
    %dot_general3A_5 = tpu.matmul %get3A_1, %get3A_4, %dot_general3A {dimension_numbers = #tpu.dot_dimension_numbers<[0], [0], [1], [1], [0, 1, 1, 1], [], []>, transpose_lhs_hint = false} : vector<16x8xf32>, vector<16x4096xf32>, vector<8x4096xf32> -> vector<8x4096xf32>
    %get3A_6 = arith.constant 0 : index
    %get3A_7 = arith.constant 0 : index
    %get3A_8 = vector.load %arg4[%get3A_6, %get3A_7] : memref<8x1xf32, #tpu.memory_space<vmem>>, vector<8x1xf32>
    %add3A = vector.broadcast %get3A_8 : vector<8x1xf32> to vector<8x4096xf32>
    %add3A_9 = arith.addf %dot_general3A_5, %add3A : vector<8x4096xf32>
    %neg3A = arith.constant 0.000000e+00 : f32
    %neg3A_10 = vector.broadcast %neg3A : f32 to vector<8x4096xf32>
    %neg3A_11 = arith.subf %neg3A_10, %add3A_9 : vector<8x4096xf32>
    %exp3A = math.exp %neg3A_11 : vector<8x4096xf32>
    %add3A_12 = arith.constant 1.000000e+00 : f32
    %add3A_13 = vector.broadcast %add3A_12 : f32 to vector<8x4096xf32>
    %add3A_14 = arith.addf %add3A_13, %exp3A : vector<8x4096xf32>
    %div3A = arith.constant 1.000000e+00 : f32
    %div3A_15 = vector.broadcast %div3A : f32 to vector<8x4096xf32>
    %div3A_16 = arith.divf %div3A_15, %add3A_14 : vector<8x4096xf32>
    %mul3A = arith.mulf %add3A_9, %div3A_16 : vector<8x4096xf32>
    %broadcast_in_dim3A = vector.shape_cast %mul3A : vector<8x4096xf32> to vector<8x1x4096xf32>
    %get3A_17 = arith.constant 0 : index
    %get3A_18 = arith.constant 0 : index
    %get3A_19 = vector.load %arg2[%get3A_17, %get3A_18] : memref<4x4096xf32, #tpu.memory_space<vmem>>, vector<4x4096xf32>
    %broadcast_in_dim3A_20 = vector.shape_cast %get3A_19 : vector<4x4096xf32> to vector<1x4x4096xf32>
    %mul3A_21 = vector.broadcast %broadcast_in_dim3A : vector<8x1x4096xf32> to vector<8x4x4096xf32>
    %mul3A_22 = vector.broadcast %broadcast_in_dim3A_20 : vector<1x4x4096xf32> to vector<8x4x4096xf32>
    %mul3A_23 = arith.mulf %mul3A_21, %mul3A_22 : vector<8x4x4096xf32>
    %reshape3A = vector.shape_cast %mul3A_23 : vector<8x4x4096xf32> to vector<32x4096xf32>
    %get3A_24 = arith.constant 0 : index
    %get3A_25 = arith.constant 0 : index
    %get3A_26 = vector.load %arg5[%get3A_24, %get3A_25] : memref<32x128xf32, #tpu.memory_space<vmem>>, vector<32x128xf32>
    %dot_general3A_27 = arith.constant dense<0.000000e+00> : vector<4096x128xf32>
    %dot_general3A_28 = tpu.matmul %reshape3A, %get3A_26, %dot_general3A_27 {dimension_numbers = #tpu.dot_dimension_numbers<[0], [0], [1], [1], [0, 1, 1, 1], [], []>, transpose_lhs_hint = false} : vector<32x4096xf32>, vector<32x128xf32>, vector<4096x128xf32> -> vector<4096x128xf32>
    %mul3A_29 = arith.constant 4096 : i32
    %mul3A_30 = arith.muli %arg0, %mul3A_29 : i32
    %iota3A = tpu.iota {dimensions = array<i32: 0>} : vector<4096x128xi32>
    %add3A_31 = vector.broadcast %mul3A_30 : i32 to vector<4096x128xi32>
    %add3A_32 = arith.addi %add3A_31, %iota3A : vector<4096x128xi32>
    %lt3A = arith.constant 160000 : i32
    %lt3A_33 = vector.broadcast %lt3A : i32 to vector<4096x128xi32>
    %lt3A_34 = arith.cmpi slt, %add3A_32, %lt3A_33 : vector<4096x128xi32>
    %jit3A = arith.constant 0.000000e+00 : f32
    %broadcast_in_dim3A_35 = vector.broadcast %jit3A : f32 to vector<4096x128xf32>
    %select_n3A = arith.select %lt3A_34, %dot_general3A_28, %broadcast_in_dim3A_35 : vector<4096x128xi1>, vector<4096x128xf32>
    %swap3A = arith.constant 0 : index
    %swap3A_36 = arith.constant 0 : index
    %swap3A_37 = vector.load %arg6[%swap3A, %swap3A_36] : memref<4096x128xf32, #tpu.memory_space<vmem>>, vector<4096x128xf32>
    tpu.vector_store %arg6[%swap3A, %swap3A_36], %select_n3A {strides = array<i32>} : memref<4096x128xf32, #tpu.memory_space<vmem>>, vector<4096x128xf32>,
    return
  }
  func.func @transform_0(%arg0: i32) -> (i32, i32) {
    %c0_i32 = arith.constant 0 : i32
    %c0_i32_0 = arith.constant 0 : i32
    return %c0_i32, %arg0 : i32, i32
  }
  func.func @transform_1(%arg0: i32) -> (i32, i32) {
    %c0_i32 = arith.constant 0 : i32
    %c0_i32_0 = arith.constant 0 : i32
    return %c0_i32, %arg0 : i32, i32
  }
  func.func @transform_2(%arg0: i32) -> (i32, i32) {
    %c0_i32 = arith.constant 0 : i32
    %c0_i32_0 = arith.constant 0 : i32
    %c0_i32_1 = arith.constant 0 : i32
    return %c0_i32, %c0_i32_0 : i32, i32
  }
  func.func @transform_3(%arg0: i32) -> (i32, i32) {
    %c0_i32 = arith.constant 0 : i32
    %c0_i32_0 = arith.constant 0 : i32
    %c0_i32_1 = arith.constant 0 : i32
    return %c0_i32, %c0_i32_0 : i32, i32
  }
  func.func @transform_4(%arg0: i32) -> (i32, i32) {
    %c0_i32 = arith.constant 0 : i32
    %c0_i32_0 = arith.constant 0 : i32
    %c0_i32_1 = arith.constant 0 : i32
    return %c0_i32, %c0_i32_0 : i32, i32
  }
  func.func @transform_5(%arg0: i32) -> (i32, i32) {
    %c0_i32 = arith.constant 0 : i32
    %c0_i32_0 = arith.constant 0 : i32
    return %arg0, %c0_i32 : i32, i32
  }
}

module attributes {stable_mosaic.version = 14 : i64} {
  func.func @_mm_body(%arg0: i32, %arg1: memref<2000x128xf32, #tpu.memory_space<vmem>>, %arg2: memref<128x128xf32, #tpu.memory_space<vmem>>, %arg3: memref<2000x128xf32, #tpu.memory_space<vmem>>) attributes {dimension_semantics = [#tpu.dimension_semantics<arbitrary>], iteration_bounds = array<i64: 5>, scalar_prefetch = 0 : i64, scratch_operands = 0 : i64, tpu.core_type = #tpu.core_type<tc>, window_params = [{transform_indices = @transform_0, window_bounds = array<i64: 2000, 128>}, {pipeline_mode = #tpu.pipeline_mode<synchronous>, transform_indices = @transform_1, window_bounds = array<i64: 128, 128>}, {transform_indices = @transform_2, window_bounds = array<i64: 2000, 128>}]} {
    %get3A = arith.constant 0 : index
    %get3A_0 = arith.constant 0 : index
    %get3A_1 = vector.load %arg1[%get3A, %get3A_0] : memref<2000x128xf32, #tpu.memory_space<vmem>>, vector<2000x128xf32>
    %get3A_2 = arith.constant 0 : index
    %get3A_3 = arith.constant 0 : index
    %get3A_4 = vector.load %arg2[%get3A_2, %get3A_3] : memref<128x128xf32, #tpu.memory_space<vmem>>, vector<128x128xf32>
    %dot_general3A = arith.constant dense<0.000000e+00> : vector<2000x128xf32>
    %dot_general3A_5 = tpu.matmul %get3A_1, %get3A_4, %dot_general3A {dimension_numbers = #tpu.dot_dimension_numbers<[1], [0], [0], [1], [0, 0, 1, 1], [], []>, transpose_lhs_hint = false} : vector<2000x128xf32>, vector<128x128xf32>, vector<2000x128xf32> -> vector<2000x128xf32>
    %swap3A = arith.constant 0 : index
    %swap3A_6 = arith.constant 0 : index
    %swap3A_7 = vector.load %arg3[%swap3A, %swap3A_6] : memref<2000x128xf32, #tpu.memory_space<vmem>>, vector<2000x128xf32>
    tpu.vector_store %arg3[%swap3A, %swap3A_6], %dot_general3A_5 {strides = array<i32>} : memref<2000x128xf32, #tpu.memory_space<vmem>>, vector<2000x128xf32>,
    return
  }
  func.func @transform_0(%arg0: i32) -> (i32, i32) {
    %c0_i32 = arith.constant 0 : i32
    %c0_i32_0 = arith.constant 0 : i32
    return %arg0, %c0_i32 : i32, i32
  }
  func.func @transform_1(%arg0: i32) -> (i32, i32) {
    %c0_i32 = arith.constant 0 : i32
    %c0_i32_0 = arith.constant 0 : i32
    %c0_i32_1 = arith.constant 0 : i32
    return %c0_i32, %c0_i32_0 : i32, i32
  }
  func.func @transform_2(%arg0: i32) -> (i32, i32) {
    %c0_i32 = arith.constant 0 : i32
    %c0_i32_0 = arith.constant 0 : i32
    return %arg0, %c0_i32 : i32, i32
  }
}

module attributes {stable_mosaic.version = 14 : i64} {
  func.func @_selfconn_body(%arg0: i32, %arg1: memref<2000x16xf32, #tpu.memory_space<vmem>>, %arg2: memref<2000x128xf32, #tpu.memory_space<vmem>>, %arg3: memref<16x128x128xf32, #tpu.memory_space<vmem>>, %arg4: memref<2000x128xf32, #tpu.memory_space<vmem>>) attributes {dimension_semantics = [#tpu.dimension_semantics<arbitrary>], iteration_bounds = array<i64: 5>, scalar_prefetch = 0 : i64, scratch_operands = 0 : i64, tpu.core_type = #tpu.core_type<tc>, window_params = [{transform_indices = @transform_0, window_bounds = array<i64: 2000, 16>}, {transform_indices = @transform_1, window_bounds = array<i64: 2000, 128>}, {pipeline_mode = #tpu.pipeline_mode<synchronous>, transform_indices = @transform_2, window_bounds = array<i64: 16, 128, 128>}, {transform_indices = @transform_3, window_bounds = array<i64: 2000, 128>}]} {
    %get3A = arith.constant 0 : index
    %get3A_0 = arith.constant 0 : index
    %get3A_1 = vector.load %arg2[%get3A, %get3A_0] : memref<2000x128xf32, #tpu.memory_space<vmem>>, vector<2000x128xf32>
    %get3A_2 = arith.constant 0 : index
    %get3A_3 = arith.constant 0 : index
    %get3A_4 = arith.constant 0 : index
    %get3A_5 = vector.load %arg3[%get3A_2, %get3A_3, %get3A_4] : memref<16x128x128xf32, #tpu.memory_space<vmem>>, vector<1x128x128xf32>
    %get3A_6 = vector.shape_cast %get3A_5 : vector<1x128x128xf32> to vector<128x128xf32>
    %dot_general3A = arith.constant dense<0.000000e+00> : vector<2000x128xf32>
    %dot_general3A_7 = tpu.matmul %get3A_1, %get3A_6, %dot_general3A {dimension_numbers = #tpu.dot_dimension_numbers<[1], [0], [0], [1], [0, 0, 1, 1], [], []>, transpose_lhs_hint = false} : vector<2000x128xf32>, vector<128x128xf32>, vector<2000x128xf32> -> vector<2000x128xf32>
    %get3A_8 = arith.constant 0 : index
    %get3A_9 = arith.constant 0 : index
    %get3A_10 = vector.load %arg1[%get3A_8, %get3A_9] : memref<2000x16xf32, #tpu.memory_space<vmem>>, vector<2000x1xf32>
    %mul3A = vector.broadcast %get3A_10 : vector<2000x1xf32> to vector<2000x128xf32>
    %mul3A_11 = arith.mulf %dot_general3A_7, %mul3A : vector<2000x128xf32>
    %get3A_12 = arith.constant 0 : index
    %get3A_13 = arith.constant 0 : index
    %get3A_14 = vector.load %arg2[%get3A_12, %get3A_13] : memref<2000x128xf32, #tpu.memory_space<vmem>>, vector<2000x128xf32>
    %get3A_15 = arith.constant 1 : index
    %get3A_16 = arith.constant 0 : index
    %get3A_17 = arith.constant 0 : index
    %get3A_18 = vector.load %arg3[%get3A_15, %get3A_16, %get3A_17] : memref<16x128x128xf32, #tpu.memory_space<vmem>>, vector<1x128x128xf32>
    %get3A_19 = vector.shape_cast %get3A_18 : vector<1x128x128xf32> to vector<128x128xf32>
    %dot_general3A_20 = arith.constant dense<0.000000e+00> : vector<2000x128xf32>
    %dot_general3A_21 = tpu.matmul %get3A_14, %get3A_19, %dot_general3A_20 {dimension_numbers = #tpu.dot_dimension_numbers<[1], [0], [0], [1], [0, 0, 1, 1], [], []>, transpose_lhs_hint = false} : vector<2000x128xf32>, vector<128x128xf32>, vector<2000x128xf32> -> vector<2000x128xf32>
    %get3A_22 = arith.constant 0 : index
    %get3A_23 = arith.constant 1 : index
    %get3A_24 = vector.load %arg1[%get3A_22, %get3A_23] : memref<2000x16xf32, #tpu.memory_space<vmem>>, vector<2000x1xf32>
    %mul3A_25 = vector.broadcast %get3A_24 : vector<2000x1xf32> to vector<2000x128xf32>
    %mul3A_26 = arith.mulf %dot_general3A_21, %mul3A_25 : vector<2000x128xf32>
    %add3A = arith.addf %mul3A_11, %mul3A_26 : vector<2000x128xf32>
    %get3A_27 = arith.constant 0 : index
    %get3A_28 = arith.constant 0 : index
    %get3A_29 = vector.load %arg2[%get3A_27, %get3A_28] : memref<2000x128xf32, #tpu.memory_space<vmem>>, vector<2000x128xf32>
    %get3A_30 = arith.constant 2 : index
    %get3A_31 = arith.constant 0 : index
    %get3A_32 = arith.constant 0 : index
    %get3A_33 = vector.load %arg3[%get3A_30, %get3A_31, %get3A_32] : memref<16x128x128xf32, #tpu.memory_space<vmem>>, vector<1x128x128xf32>
    %get3A_34 = vector.shape_cast %get3A_33 : vector<1x128x128xf32> to vector<128x128xf32>
    %dot_general3A_35 = arith.constant dense<0.000000e+00> : vector<2000x128xf32>
    %dot_general3A_36 = tpu.matmul %get3A_29, %get3A_34, %dot_general3A_35 {dimension_numbers = #tpu.dot_dimension_numbers<[1], [0], [0], [1], [0, 0, 1, 1], [], []>, transpose_lhs_hint = false} : vector<2000x128xf32>, vector<128x128xf32>, vector<2000x128xf32> -> vector<2000x128xf32>
    %get3A_37 = arith.constant 0 : index
    %get3A_38 = arith.constant 2 : index
    %get3A_39 = vector.load %arg1[%get3A_37, %get3A_38] : memref<2000x16xf32, #tpu.memory_space<vmem>>, vector<2000x1xf32>
    %mul3A_40 = vector.broadcast %get3A_39 : vector<2000x1xf32> to vector<2000x128xf32>
    %mul3A_41 = arith.mulf %dot_general3A_36, %mul3A_40 : vector<2000x128xf32>
    %add3A_42 = arith.addf %add3A, %mul3A_41 : vector<2000x128xf32>
    %get3A_43 = arith.constant 0 : index
    %get3A_44 = arith.constant 0 : index
    %get3A_45 = vector.load %arg2[%get3A_43, %get3A_44] : memref<2000x128xf32, #tpu.memory_space<vmem>>, vector<2000x128xf32>
    %get3A_46 = arith.constant 3 : index
    %get3A_47 = arith.constant 0 : index
    %get3A_48 = arith.constant 0 : index
    %get3A_49 = vector.load %arg3[%get3A_46, %get3A_47, %get3A_48] : memref<16x128x128xf32, #tpu.memory_space<vmem>>, vector<1x128x128xf32>
    %get3A_50 = vector.shape_cast %get3A_49 : vector<1x128x128xf32> to vector<128x128xf32>
    %dot_general3A_51 = arith.constant dense<0.000000e+00> : vector<2000x128xf32>
    %dot_general3A_52 = tpu.matmul %get3A_45, %get3A_50, %dot_general3A_51 {dimension_numbers = #tpu.dot_dimension_numbers<[1], [0], [0], [1], [0, 0, 1, 1], [], []>, transpose_lhs_hint = false} : vector<2000x128xf32>, vector<128x128xf32>, vector<2000x128xf32> -> vector<2000x128xf32>
    %get3A_53 = arith.constant 0 : index
    %get3A_54 = arith.constant 3 : index
    %get3A_55 = vector.load %arg1[%get3A_53, %get3A_54] : memref<2000x16xf32, #tpu.memory_space<vmem>>, vector<2000x1xf32>
    %mul3A_56 = vector.broadcast %get3A_55 : vector<2000x1xf32> to vector<2000x128xf32>
    %mul3A_57 = arith.mulf %dot_general3A_52, %mul3A_56 : vector<2000x128xf32>
    %add3A_58 = arith.addf %add3A_42, %mul3A_57 : vector<2000x128xf32>
    %get3A_59 = arith.constant 0 : index
    %get3A_60 = arith.constant 0 : index
    %get3A_61 = vector.load %arg2[%get3A_59, %get3A_60] : memref<2000x128xf32, #tpu.memory_space<vmem>>, vector<2000x128xf32>
    %get3A_62 = arith.constant 4 : index
    %get3A_63 = arith.constant 0 : index
    %get3A_64 = arith.constant 0 : index
    %get3A_65 = vector.load %arg3[%get3A_62, %get3A_63, %get3A_64] : memref<16x128x128xf32, #tpu.memory_space<vmem>>, vector<1x128x128xf32>
    %get3A_66 = vector.shape_cast %get3A_65 : vector<1x128x128xf32> to vector<128x128xf32>
    %dot_general3A_67 = arith.constant dense<0.000000e+00> : vector<2000x128xf32>
    %dot_general3A_68 = tpu.matmul %get3A_61, %get3A_66, %dot_general3A_67 {dimension_numbers = #tpu.dot_dimension_numbers<[1], [0], [0], [1], [0, 0, 1, 1], [], []>, transpose_lhs_hint = false} : vector<2000x128xf32>, vector<128x128xf32>, vector<2000x128xf32> -> vector<2000x128xf32>
    %get3A_69 = arith.constant 0 : index
    %get3A_70 = arith.constant 4 : index
    %get3A_71 = vector.load %arg1[%get3A_69, %get3A_70] : memref<2000x16xf32, #tpu.memory_space<vmem>>, vector<2000x1xf32>
    %mul3A_72 = vector.broadcast %get3A_71 : vector<2000x1xf32> to vector<2000x128xf32>
    %mul3A_73 = arith.mulf %dot_general3A_68, %mul3A_72 : vector<2000x128xf32>
    %add3A_74 = arith.addf %add3A_58, %mul3A_73 : vector<2000x128xf32>
    %get3A_75 = arith.constant 0 : index
    %get3A_76 = arith.constant 0 : index
    %get3A_77 = vector.load %arg2[%get3A_75, %get3A_76] : memref<2000x128xf32, #tpu.memory_space<vmem>>, vector<2000x128xf32>
    %get3A_78 = arith.constant 5 : index
    %get3A_79 = arith.constant 0 : index
    %get3A_80 = arith.constant 0 : index
    %get3A_81 = vector.load %arg3[%get3A_78, %get3A_79, %get3A_80] : memref<16x128x128xf32, #tpu.memory_space<vmem>>, vector<1x128x128xf32>
    %get3A_82 = vector.shape_cast %get3A_81 : vector<1x128x128xf32> to vector<128x128xf32>
    %dot_general3A_83 = arith.constant dense<0.000000e+00> : vector<2000x128xf32>
    %dot_general3A_84 = tpu.matmul %get3A_77, %get3A_82, %dot_general3A_83 {dimension_numbers = #tpu.dot_dimension_numbers<[1], [0], [0], [1], [0, 0, 1, 1], [], []>, transpose_lhs_hint = false} : vector<2000x128xf32>, vector<128x128xf32>, vector<2000x128xf32> -> vector<2000x128xf32>
    %get3A_85 = arith.constant 0 : index
    %get3A_86 = arith.constant 5 : index
    %get3A_87 = vector.load %arg1[%get3A_85, %get3A_86] : memref<2000x16xf32, #tpu.memory_space<vmem>>, vector<2000x1xf32>
    %mul3A_88 = vector.broadcast %get3A_87 : vector<2000x1xf32> to vector<2000x128xf32>
    %mul3A_89 = arith.mulf %dot_general3A_84, %mul3A_88 : vector<2000x128xf32>
    %add3A_90 = arith.addf %add3A_74, %mul3A_89 : vector<2000x128xf32>
    %get3A_91 = arith.constant 0 : index
    %get3A_92 = arith.constant 0 : index
    %get3A_93 = vector.load %arg2[%get3A_91, %get3A_92] : memref<2000x128xf32, #tpu.memory_space<vmem>>, vector<2000x128xf32>
    %get3A_94 = arith.constant 6 : index
    %get3A_95 = arith.constant 0 : index
    %get3A_96 = arith.constant 0 : index
    %get3A_97 = vector.load %arg3[%get3A_94, %get3A_95, %get3A_96] : memref<16x128x128xf32, #tpu.memory_space<vmem>>, vector<1x128x128xf32>
    %get3A_98 = vector.shape_cast %get3A_97 : vector<1x128x128xf32> to vector<128x128xf32>
    %dot_general3A_99 = arith.constant dense<0.000000e+00> : vector<2000x128xf32>
    %dot_general3A_100 = tpu.matmul %get3A_93, %get3A_98, %dot_general3A_99 {dimension_numbers = #tpu.dot_dimension_numbers<[1], [0], [0], [1], [0, 0, 1, 1], [], []>, transpose_lhs_hint = false} : vector<2000x128xf32>, vector<128x128xf32>, vector<2000x128xf32> -> vector<2000x128xf32>
    %get3A_101 = arith.constant 0 : index
    %get3A_102 = arith.constant 6 : index
    %get3A_103 = vector.load %arg1[%get3A_101, %get3A_102] : memref<2000x16xf32, #tpu.memory_space<vmem>>, vector<2000x1xf32>
    %mul3A_104 = vector.broadcast %get3A_103 : vector<2000x1xf32> to vector<2000x128xf32>
    %mul3A_105 = arith.mulf %dot_general3A_100, %mul3A_104 : vector<2000x128xf32>
    %add3A_106 = arith.addf %add3A_90, %mul3A_105 : vector<2000x128xf32>
    %get3A_107 = arith.constant 0 : index
    %get3A_108 = arith.constant 0 : index
    %get3A_109 = vector.load %arg2[%get3A_107, %get3A_108] : memref<2000x128xf32, #tpu.memory_space<vmem>>, vector<2000x128xf32>
    %get3A_110 = arith.constant 7 : index
    %get3A_111 = arith.constant 0 : index
    %get3A_112 = arith.constant 0 : index
    %get3A_113 = vector.load %arg3[%get3A_110, %get3A_111, %get3A_112] : memref<16x128x128xf32, #tpu.memory_space<vmem>>, vector<1x128x128xf32>
    %get3A_114 = vector.shape_cast %get3A_113 : vector<1x128x128xf32> to vector<128x128xf32>
    %dot_general3A_115 = arith.constant dense<0.000000e+00> : vector<2000x128xf32>
    %dot_general3A_116 = tpu.matmul %get3A_109, %get3A_114, %dot_general3A_115 {dimension_numbers = #tpu.dot_dimension_numbers<[1], [0], [0], [1], [0, 0, 1, 1], [], []>, transpose_lhs_hint = false} : vector<2000x128xf32>, vector<128x128xf32>, vector<2000x128xf32> -> vector<2000x128xf32>
    %get3A_117 = arith.constant 0 : index
    %get3A_118 = arith.constant 7 : index
    %get3A_119 = vector.load %arg1[%get3A_117, %get3A_118] : memref<2000x16xf32, #tpu.memory_space<vmem>>, vector<2000x1xf32>
    %mul3A_120 = vector.broadcast %get3A_119 : vector<2000x1xf32> to vector<2000x128xf32>
    %mul3A_121 = arith.mulf %dot_general3A_116, %mul3A_120 : vector<2000x128xf32>
    %add3A_122 = arith.addf %add3A_106, %mul3A_121 : vector<2000x128xf32>
    %get3A_123 = arith.constant 0 : index
    %get3A_124 = arith.constant 0 : index
    %get3A_125 = vector.load %arg2[%get3A_123, %get3A_124] : memref<2000x128xf32, #tpu.memory_space<vmem>>, vector<2000x128xf32>
    %get3A_126 = arith.constant 8 : index
    %get3A_127 = arith.constant 0 : index
    %get3A_128 = arith.constant 0 : index
    %get3A_129 = vector.load %arg3[%get3A_126, %get3A_127, %get3A_128] : memref<16x128x128xf32, #tpu.memory_space<vmem>>, vector<1x128x128xf32>
    %get3A_130 = vector.shape_cast %get3A_129 : vector<1x128x128xf32> to vector<128x128xf32>
    %dot_general3A_131 = arith.constant dense<0.000000e+00> : vector<2000x128xf32>
    %dot_general3A_132 = tpu.matmul %get3A_125, %get3A_130, %dot_general3A_131 {dimension_numbers = #tpu.dot_dimension_numbers<[1], [0], [0], [1], [0, 0, 1, 1], [], []>, transpose_lhs_hint = false} : vector<2000x128xf32>, vector<128x128xf32>, vector<2000x128xf32> -> vector<2000x128xf32>
    %get3A_133 = arith.constant 0 : index
    %get3A_134 = arith.constant 8 : index
    %get3A_135 = vector.load %arg1[%get3A_133, %get3A_134] : memref<2000x16xf32, #tpu.memory_space<vmem>>, vector<2000x1xf32>
    %mul3A_136 = vector.broadcast %get3A_135 : vector<2000x1xf32> to vector<2000x128xf32>
    %mul3A_137 = arith.mulf %dot_general3A_132, %mul3A_136 : vector<2000x128xf32>
    %add3A_138 = arith.addf %add3A_122, %mul3A_137 : vector<2000x128xf32>
    %get3A_139 = arith.constant 0 : index
    %get3A_140 = arith.constant 0 : index
    %get3A_141 = vector.load %arg2[%get3A_139, %get3A_140] : memref<2000x128xf32, #tpu.memory_space<vmem>>, vector<2000x128xf32>
    %get3A_142 = arith.constant 9 : index
    %get3A_143 = arith.constant 0 : index
    %get3A_144 = arith.constant 0 : index
    %get3A_145 = vector.load %arg3[%get3A_142, %get3A_143, %get3A_144] : memref<16x128x128xf32, #tpu.memory_space<vmem>>, vector<1x128x128xf32>
    %get3A_146 = vector.shape_cast %get3A_145 : vector<1x128x128xf32> to vector<128x128xf32>
    %dot_general3A_147 = arith.constant dense<0.000000e+00> : vector<2000x128xf32>
    %dot_general3A_148 = tpu.matmul %get3A_141, %get3A_146, %dot_general3A_147 {dimension_numbers = #tpu.dot_dimension_numbers<[1], [0], [0], [1], [0, 0, 1, 1], [], []>, transpose_lhs_hint = false} : vector<2000x128xf32>, vector<128x128xf32>, vector<2000x128xf32> -> vector<2000x128xf32>
    %get3A_149 = arith.constant 0 : index
    %get3A_150 = arith.constant 9 : index
    %get3A_151 = vector.load %arg1[%get3A_149, %get3A_150] : memref<2000x16xf32, #tpu.memory_space<vmem>>, vector<2000x1xf32>
    %mul3A_152 = vector.broadcast %get3A_151 : vector<2000x1xf32> to vector<2000x128xf32>
    %mul3A_153 = arith.mulf %dot_general3A_148, %mul3A_152 : vector<2000x128xf32>
    %add3A_154 = arith.addf %add3A_138, %mul3A_153 : vector<2000x128xf32>
    %get3A_155 = arith.constant 0 : index
    %get3A_156 = arith.constant 0 : index
    %get3A_157 = vector.load %arg2[%get3A_155, %get3A_156] : memref<2000x128xf32, #tpu.memory_space<vmem>>, vector<2000x128xf32>
    %get3A_158 = arith.constant 10 : index
    %get3A_159 = arith.constant 0 : index
    %get3A_160 = arith.constant 0 : index
    %get3A_161 = vector.load %arg3[%get3A_158, %get3A_159, %get3A_160] : memref<16x128x128xf32, #tpu.memory_space<vmem>>, vector<1x128x128xf32>
    %get3A_162 = vector.shape_cast %get3A_161 : vector<1x128x128xf32> to vector<128x128xf32>
    %dot_general3A_163 = arith.constant dense<0.000000e+00> : vector<2000x128xf32>
    %dot_general3A_164 = tpu.matmul %get3A_157, %get3A_162, %dot_general3A_163 {dimension_numbers = #tpu.dot_dimension_numbers<[1], [0], [0], [1], [0, 0, 1, 1], [], []>, transpose_lhs_hint = false} : vector<2000x128xf32>, vector<128x128xf32>, vector<2000x128xf32> -> vector<2000x128xf32>
    %get3A_165 = arith.constant 0 : index
    %get3A_166 = arith.constant 10 : index
    %get3A_167 = vector.load %arg1[%get3A_165, %get3A_166] : memref<2000x16xf32, #tpu.memory_space<vmem>>, vector<2000x1xf32>
    %mul3A_168 = vector.broadcast %get3A_167 : vector<2000x1xf32> to vector<2000x128xf32>
    %mul3A_169 = arith.mulf %dot_general3A_164, %mul3A_168 : vector<2000x128xf32>
    %add3A_170 = arith.addf %add3A_154, %mul3A_169 : vector<2000x128xf32>
    %get3A_171 = arith.constant 0 : index
    %get3A_172 = arith.constant 0 : index
    %get3A_173 = vector.load %arg2[%get3A_171, %get3A_172] : memref<2000x128xf32, #tpu.memory_space<vmem>>, vector<2000x128xf32>
    %get3A_174 = arith.constant 11 : index
    %get3A_175 = arith.constant 0 : index
    %get3A_176 = arith.constant 0 : index
    %get3A_177 = vector.load %arg3[%get3A_174, %get3A_175, %get3A_176] : memref<16x128x128xf32, #tpu.memory_space<vmem>>, vector<1x128x128xf32>
    %get3A_178 = vector.shape_cast %get3A_177 : vector<1x128x128xf32> to vector<128x128xf32>
    %dot_general3A_179 = arith.constant dense<0.000000e+00> : vector<2000x128xf32>
    %dot_general3A_180 = tpu.matmul %get3A_173, %get3A_178, %dot_general3A_179 {dimension_numbers = #tpu.dot_dimension_numbers<[1], [0], [0], [1], [0, 0, 1, 1], [], []>, transpose_lhs_hint = false} : vector<2000x128xf32>, vector<128x128xf32>, vector<2000x128xf32> -> vector<2000x128xf32>
    %get3A_181 = arith.constant 0 : index
    %get3A_182 = arith.constant 11 : index
    %get3A_183 = vector.load %arg1[%get3A_181, %get3A_182] : memref<2000x16xf32, #tpu.memory_space<vmem>>, vector<2000x1xf32>
    %mul3A_184 = vector.broadcast %get3A_183 : vector<2000x1xf32> to vector<2000x128xf32>
    %mul3A_185 = arith.mulf %dot_general3A_180, %mul3A_184 : vector<2000x128xf32>
    %add3A_186 = arith.addf %add3A_170, %mul3A_185 : vector<2000x128xf32>
    %get3A_187 = arith.constant 0 : index
    %get3A_188 = arith.constant 0 : index
    %get3A_189 = vector.load %arg2[%get3A_187, %get3A_188] : memref<2000x128xf32, #tpu.memory_space<vmem>>, vector<2000x128xf32>
    %get3A_190 = arith.constant 12 : index
    %get3A_191 = arith.constant 0 : index
    %get3A_192 = arith.constant 0 : index
    %get3A_193 = vector.load %arg3[%get3A_190, %get3A_191, %get3A_192] : memref<16x128x128xf32, #tpu.memory_space<vmem>>, vector<1x128x128xf32>
    %get3A_194 = vector.shape_cast %get3A_193 : vector<1x128x128xf32> to vector<128x128xf32>
    %dot_general3A_195 = arith.constant dense<0.000000e+00> : vector<2000x128xf32>
    %dot_general3A_196 = tpu.matmul %get3A_189, %get3A_194, %dot_general3A_195 {dimension_numbers = #tpu.dot_dimension_numbers<[1], [0], [0], [1], [0, 0, 1, 1], [], []>, transpose_lhs_hint = false} : vector<2000x128xf32>, vector<128x128xf32>, vector<2000x128xf32> -> vector<2000x128xf32>
    %get3A_197 = arith.constant 0 : index
    %get3A_198 = arith.constant 12 : index
    %get3A_199 = vector.load %arg1[%get3A_197, %get3A_198] : memref<2000x16xf32, #tpu.memory_space<vmem>>, vector<2000x1xf32>
    %mul3A_200 = vector.broadcast %get3A_199 : vector<2000x1xf32> to vector<2000x128xf32>
    %mul3A_201 = arith.mulf %dot_general3A_196, %mul3A_200 : vector<2000x128xf32>
    %add3A_202 = arith.addf %add3A_186, %mul3A_201 : vector<2000x128xf32>
    %get3A_203 = arith.constant 0 : index
    %get3A_204 = arith.constant 0 : index
    %get3A_205 = vector.load %arg2[%get3A_203, %get3A_204] : memref<2000x128xf32, #tpu.memory_space<vmem>>, vector<2000x128xf32>
    %get3A_206 = arith.constant 13 : index
    %get3A_207 = arith.constant 0 : index
    %get3A_208 = arith.constant 0 : index
    %get3A_209 = vector.load %arg3[%get3A_206, %get3A_207, %get3A_208] : memref<16x128x128xf32, #tpu.memory_space<vmem>>, vector<1x128x128xf32>
    %get3A_210 = vector.shape_cast %get3A_209 : vector<1x128x128xf32> to vector<128x128xf32>
    %dot_general3A_211 = arith.constant dense<0.000000e+00> : vector<2000x128xf32>
    %dot_general3A_212 = tpu.matmul %get3A_205, %get3A_210, %dot_general3A_211 {dimension_numbers = #tpu.dot_dimension_numbers<[1], [0], [0], [1], [0, 0, 1, 1], [], []>, transpose_lhs_hint = false} : vector<2000x128xf32>, vector<128x128xf32>, vector<2000x128xf32> -> vector<2000x128xf32>
    %get3A_213 = arith.constant 0 : index
    %get3A_214 = arith.constant 13 : index
    %get3A_215 = vector.load %arg1[%get3A_213, %get3A_214] : memref<2000x16xf32, #tpu.memory_space<vmem>>, vector<2000x1xf32>
    %mul3A_216 = vector.broadcast %get3A_215 : vector<2000x1xf32> to vector<2000x128xf32>
    %mul3A_217 = arith.mulf %dot_general3A_212, %mul3A_216 : vector<2000x128xf32>
    %add3A_218 = arith.addf %add3A_202, %mul3A_217 : vector<2000x128xf32>
    %get3A_219 = arith.constant 0 : index
    %get3A_220 = arith.constant 0 : index
    %get3A_221 = vector.load %arg2[%get3A_219, %get3A_220] : memref<2000x128xf32, #tpu.memory_space<vmem>>, vector<2000x128xf32>
    %get3A_222 = arith.constant 14 : index
    %get3A_223 = arith.constant 0 : index
    %get3A_224 = arith.constant 0 : index
    %get3A_225 = vector.load %arg3[%get3A_222, %get3A_223, %get3A_224] : memref<16x128x128xf32, #tpu.memory_space<vmem>>, vector<1x128x128xf32>
    %get3A_226 = vector.shape_cast %get3A_225 : vector<1x128x128xf32> to vector<128x128xf32>
    %dot_general3A_227 = arith.constant dense<0.000000e+00> : vector<2000x128xf32>
    %dot_general3A_228 = tpu.matmul %get3A_221, %get3A_226, %dot_general3A_227 {dimension_numbers = #tpu.dot_dimension_numbers<[1], [0], [0], [1], [0, 0, 1, 1], [], []>, transpose_lhs_hint = false} : vector<2000x128xf32>, vector<128x128xf32>, vector<2000x128xf32> -> vector<2000x128xf32>
    %get3A_229 = arith.constant 0 : index
    %get3A_230 = arith.constant 14 : index
    %get3A_231 = vector.load %arg1[%get3A_229, %get3A_230] : memref<2000x16xf32, #tpu.memory_space<vmem>>, vector<2000x1xf32>
    %mul3A_232 = vector.broadcast %get3A_231 : vector<2000x1xf32> to vector<2000x128xf32>
    %mul3A_233 = arith.mulf %dot_general3A_228, %mul3A_232 : vector<2000x128xf32>
    %add3A_234 = arith.addf %add3A_218, %mul3A_233 : vector<2000x128xf32>
    %get3A_235 = arith.constant 0 : index
    %get3A_236 = arith.constant 0 : index
    %get3A_237 = vector.load %arg2[%get3A_235, %get3A_236] : memref<2000x128xf32, #tpu.memory_space<vmem>>, vector<2000x128xf32>
    %get3A_238 = arith.constant 15 : index
    %get3A_239 = arith.constant 0 : index
    %get3A_240 = arith.constant 0 : index
    %get3A_241 = vector.load %arg3[%get3A_238, %get3A_239, %get3A_240] : memref<16x128x128xf32, #tpu.memory_space<vmem>>, vector<1x128x128xf32>
    %get3A_242 = vector.shape_cast %get3A_241 : vector<1x128x128xf32> to vector<128x128xf32>
    %dot_general3A_243 = arith.constant dense<0.000000e+00> : vector<2000x128xf32>
    %dot_general3A_244 = tpu.matmul %get3A_237, %get3A_242, %dot_general3A_243 {dimension_numbers = #tpu.dot_dimension_numbers<[1], [0], [0], [1], [0, 0, 1, 1], [], []>, transpose_lhs_hint = false} : vector<2000x128xf32>, vector<128x128xf32>, vector<2000x128xf32> -> vector<2000x128xf32>
    %get3A_245 = arith.constant 0 : index
    %get3A_246 = arith.constant 15 : index
    %get3A_247 = vector.load %arg1[%get3A_245, %get3A_246] : memref<2000x16xf32, #tpu.memory_space<vmem>>, vector<2000x1xf32>
    %mul3A_248 = vector.broadcast %get3A_247 : vector<2000x1xf32> to vector<2000x128xf32>
    %mul3A_249 = arith.mulf %dot_general3A_244, %mul3A_248 : vector<2000x128xf32>
    %add3A_250 = arith.addf %add3A_234, %mul3A_249 : vector<2000x128xf32>
    %swap3A = arith.constant 0 : index
    %swap3A_251 = arith.constant 0 : index
    %swap3A_252 = vector.load %arg4[%swap3A, %swap3A_251] : memref<2000x128xf32, #tpu.memory_space<vmem>>, vector<2000x128xf32>
    tpu.vector_store %arg4[%swap3A, %swap3A_251], %add3A_250 {strides = array<i32>} : memref<2000x128xf32, #tpu.memory_space<vmem>>, vector<2000x128xf32>,
    return
  }
  func.func @transform_0(%arg0: i32) -> (i32, i32) {
    %c0_i32 = arith.constant 0 : i32
    %c0_i32_0 = arith.constant 0 : i32
    return %arg0, %c0_i32 : i32, i32
  }
  func.func @transform_1(%arg0: i32) -> (i32, i32) {
    %c0_i32 = arith.constant 0 : i32
    %c0_i32_0 = arith.constant 0 : i32
    return %arg0, %c0_i32 : i32, i32
  }
  func.func @transform_2(%arg0: i32) -> (i32, i32, i32) {
    %c0_i32 = arith.constant 0 : i32
    %c0_i32_0 = arith.constant 0 : i32
    %c0_i32_1 = arith.constant 0 : i32
    %c0_i32_2 = arith.constant 0 : i32
    return %c0_i32, %c0_i32_0, %c0_i32_1 : i32, i32, i32
  }
  func.func @transform_3(%arg0: i32) -> (i32, i32) {
    %c0_i32 = arith.constant 0 : i32
    %c0_i32_0 = arith.constant 0 : i32
    return %arg0, %c0_i32 : i32, i32
  }
}

module attributes {stable_mosaic.version = 14 : i64} {
  func.func @_post_body(%arg0: i32, %arg1: memref<2x2000x128xf32, #tpu.memory_space<vmem>>, %arg2: memref<2000x16xf32, #tpu.memory_space<vmem>>, %arg3: memref<2000x128xf32, #tpu.memory_space<vmem>>, %arg4: memref<128x128xf32, #tpu.memory_space<vmem>>, %arg5: memref<16x128xf32, #tpu.memory_space<vmem>>, %arg6: memref<128x128xf32, #tpu.memory_space<vmem>>, %arg7: memref<2000x128xf32, #tpu.memory_space<vmem>>) attributes {dimension_semantics = [#tpu.dimension_semantics<arbitrary>], iteration_bounds = array<i64: 5>, scalar_prefetch = 0 : i64, scratch_operands = 0 : i64, tpu.core_type = #tpu.core_type<tc>, window_params = [{transform_indices = @transform_0, window_bounds = array<i64: 2, 2000, 128>}, {transform_indices = @transform_1, window_bounds = array<i64: 2000, 16>}, {transform_indices = @transform_2, window_bounds = array<i64: 2000, 128>}, {pipeline_mode = #tpu.pipeline_mode<synchronous>, transform_indices = @transform_3, window_bounds = array<i64: 128, 128>}, {pipeline_mode = #tpu.pipeline_mode<synchronous>, transform_indices = @transform_4, window_bounds = array<i64: 16, 128>}, {pipeline_mode = #tpu.pipeline_mode<synchronous>, transform_indices = @transform_5, window_bounds = array<i64: 128, 128>}, {transform_indices = @transform_6, window_bounds = array<i64: 2000, 128>}]} {
    %get3A = arith.constant 0 : index
    %get3A_0 = arith.constant 0 : index
    %get3A_1 = arith.constant 0 : index
    %get3A_2 = vector.load %arg1[%get3A, %get3A_0, %get3A_1] : memref<2x2000x128xf32, #tpu.memory_space<vmem>>, vector<1x2000x128xf32>
    %get3A_3 = vector.shape_cast %get3A_2 : vector<1x2000x128xf32> to vector<2000x128xf32>
    %get3A_4 = arith.constant 1 : index
    %get3A_5 = arith.constant 0 : index
    %get3A_6 = arith.constant 0 : index
    %get3A_7 = vector.load %arg1[%get3A_4, %get3A_5, %get3A_6] : memref<2x2000x128xf32, #tpu.memory_space<vmem>>, vector<1x2000x128xf32>
    %get3A_8 = vector.shape_cast %get3A_7 : vector<1x2000x128xf32> to vector<2000x128xf32>
    %add3A = arith.addf %get3A_3, %get3A_8 : vector<2000x128xf32>
    %mul3A = arith.constant 2.500000e-01 : f32
    %mul3A_9 = vector.broadcast %mul3A : f32 to vector<2000x128xf32>
    %mul3A_10 = arith.mulf %add3A, %mul3A_9 : vector<2000x128xf32>
    %get3A_11 = arith.constant 0 : index
    %get3A_12 = arith.constant 0 : index
    %get3A_13 = vector.load %arg4[%get3A_11, %get3A_12] : memref<128x128xf32, #tpu.memory_space<vmem>>, vector<128x128xf32>
    %dot_general3A = arith.constant dense<0.000000e+00> : vector<2000x128xf32>
    %dot_general3A_14 = tpu.matmul %mul3A_10, %get3A_13, %dot_general3A {dimension_numbers = #tpu.dot_dimension_numbers<[1], [0], [0], [1], [0, 0, 1, 1], [], []>, transpose_lhs_hint = false} : vector<2000x128xf32>, vector<128x128xf32>, vector<2000x128xf32> -> vector<2000x128xf32>
    %get3A_15 = arith.constant 0 : index
    %get3A_16 = arith.constant 0 : index
    %get3A_17 = vector.load %arg2[%get3A_15, %get3A_16] : memref<2000x16xf32, #tpu.memory_space<vmem>>, vector<2000x16xf32>
    %get3A_18 = arith.constant 0 : index
    %get3A_19 = arith.constant 0 : index
    %get3A_20 = vector.load %arg5[%get3A_18, %get3A_19] : memref<16x128xf32, #tpu.memory_space<vmem>>, vector<16x128xf32>
    %dot_general3A_21 = arith.constant dense<0.000000e+00> : vector<2000x128xf32>
    %dot_general3A_22 = tpu.matmul %get3A_17, %get3A_20, %dot_general3A_21 {dimension_numbers = #tpu.dot_dimension_numbers<[1], [0], [0], [1], [0, 0, 1, 1], [], []>, transpose_lhs_hint = false} : vector<2000x16xf32>, vector<16x128xf32>, vector<2000x128xf32> -> vector<2000x128xf32>
    %mul3A_23 = arith.mulf %dot_general3A_14, %dot_general3A_22 : vector<2000x128xf32>
    %get3A_24 = arith.constant 0 : index
    %get3A_25 = arith.constant 0 : index
    %get3A_26 = vector.load %arg6[%get3A_24, %get3A_25] : memref<128x128xf32, #tpu.memory_space<vmem>>, vector<128x128xf32>
    %dot_general3A_27 = arith.constant dense<0.000000e+00> : vector<2000x128xf32>
    %dot_general3A_28 = tpu.matmul %mul3A_23, %get3A_26, %dot_general3A_27 {dimension_numbers = #tpu.dot_dimension_numbers<[1], [0], [0], [1], [0, 0, 1, 1], [], []>, transpose_lhs_hint = false} : vector<2000x128xf32>, vector<128x128xf32>, vector<2000x128xf32> -> vector<2000x128xf32>
    %get3A_29 = arith.constant 0 : index
    %get3A_30 = arith.constant 0 : index
    %get3A_31 = vector.load %arg3[%get3A_29, %get3A_30] : memref<2000x128xf32, #tpu.memory_space<vmem>>, vector<2000x128xf32>
    %add3A_32 = arith.addf %dot_general3A_28, %get3A_31 : vector<2000x128xf32>
    %swap3A = arith.constant 0 : index
    %swap3A_33 = arith.constant 0 : index
    %swap3A_34 = vector.load %arg7[%swap3A, %swap3A_33] : memref<2000x128xf32, #tpu.memory_space<vmem>>, vector<2000x128xf32>
    tpu.vector_store %arg7[%swap3A, %swap3A_33], %add3A_32 {strides = array<i32>} : memref<2000x128xf32, #tpu.memory_space<vmem>>, vector<2000x128xf32>,
    return
  }
  func.func @transform_0(%arg0: i32) -> (i32, i32, i32) {
    %c0_i32 = arith.constant 0 : i32
    %c0_i32_0 = arith.constant 0 : i32
    %c0_i32_1 = arith.constant 0 : i32
    return %c0_i32, %arg0, %c0_i32_0 : i32, i32, i32
  }
  func.func @transform_1(%arg0: i32) -> (i32, i32) {
    %c0_i32 = arith.constant 0 : i32
    %c0_i32_0 = arith.constant 0 : i32
    return %arg0, %c0_i32 : i32, i32
  }
  func.func @transform_2(%arg0: i32) -> (i32, i32) {
    %c0_i32 = arith.constant 0 : i32
    %c0_i32_0 = arith.constant 0 : i32
    return %arg0, %c0_i32 : i32, i32
  }
  func.func @transform_3(%arg0: i32) -> (i32, i32) {
    %c0_i32 = arith.constant 0 : i32
    %c0_i32_0 = arith.constant 0 : i32
    %c0_i32_1 = arith.constant 0 : i32
    return %c0_i32, %c0_i32_0 : i32, i32
  }
  func.func @transform_4(%arg0: i32) -> (i32, i32) {
    %c0_i32 = arith.constant 0 : i32
    %c0_i32_0 = arith.constant 0 : i32
    %c0_i32_1 = arith.constant 0 : i32
    return %c0_i32, %c0_i32_0 : i32, i32
  }
  func.func @transform_5(%arg0: i32) -> (i32, i32) {
    %c0_i32 = arith.constant 0 : i32
    %c0_i32_0 = arith.constant 0 : i32
    %c0_i32_1 = arith.constant 0 : i32
    return %c0_i32, %c0_i32_0 : i32, i32
  }
  func.func @transform_6(%arg0: i32) -> (i32, i32) {
    %c0_i32 = arith.constant 0 : i32
    %c0_i32_0 = arith.constant 0 : i32
    return %arg0, %c0_i32 : i32, i32
  }
}

</mosaic_0001>

<sc_bundles>
// kernel: kernel.7.cloned.1.call-start
scs
__scs_entry_jumppad:
0x0: {  	(pc) =	sbr.rel $0x88, $3  }
0x1: {  	(tag) =	ssettag $0x0;
	lr =	simm.s32 $0x1  }
0x2: {  	[smem:$0x3F94] =	sst lr;
	_ =	strace $0xD0000000  }
0x3: {  	_ = 	snop  }
0x4: {  	_ = 	snop  }
0x5: {  	_ = 	snop  }
0x6: {  	_ = 	snop  }
0x7: {  	_ = 	snop  }
__scs_overlays_trampoline_lowered:
0x8: {  	[smem:$0x3FA3] =	sst s0  }
0x9: {  	[smem:$0x3FA4] =	sst s1  }
0xa: {  	[smem:$0x3FA5] =	sst s2  }
0xb: {  	[smem:$0x3FA6] =	sst s3  }
0xc: {  	[smem:$0x3FA7] =	sst s4  }
0xd: {  	[smem:$0x3FA8] =	sst s5  }
0xe: {  	[smem:$0x3FA9] =	sst s6  }
0xf: {  	[smem:$0x3FAA] =	sst s7  }
0x10: {  	[smem:$0x3FAB] =	sst s8  }
0x11: {  	[smem:$0x3FAC] =	sst s9;
	s0 =	simm.s32 @!p0 $0x0  }
0x12: {  	s1 =	sld [smem:$0x3F92];
	s0 =	simm.s32 @p0 $0x1  }
0x13: {  	[smem:$0x3FAD] =	sst s0;
	s0 =	simm.s32 @!p1 $0x0  }
0x14: {  	s2 =	sld [smem:$0x3F91];
	s0 =	simm.s32 @p1 $0x1  }
0x15: {  	[smem:$0x3FAE] =	sst s0;
	s0 =	simm.s32 @!p2 $0x0  }
0x16: {  	s3 =	sld [smem:$0x3FDB];
	s0 =	simm.s32 @p2 $0x1  }
0x17: {  	s4 =	simm.s32 $0x1BF5;
	[smem:$0x3FB0] =	sst s0  }
0x18: {  	s0 =	sld [smem:$0x3F93];
	_ =	swait.ge [sflag:s4], $0x0  }
0x19: {  	s7 =	sld [smem:$0x3F94]  }
0x1a: {  	s8 =	sadd.s32 $0xFFFFE003, lr  }
0x1b: {  	s9 =	sadd.s32 $0xFFFFFEF7, lr;
	s5 =	simm.s32 $0xFFFFFFFF;
	p2 =	slt.u32 s8, $0xFFFFF086  }
0x1c: {  	p1 =	slt.u32 s9, $0xF7A;
	s5 =	simm.s32 @!p2 $0x0  }
0x1d: {  	s5 =	simm.s32 @p1 $0x1;
	p0 =	seq.s32 s7, s2  }
0x1e: {  	s7 =	smul.u32 @!p0 $0xF7A, s2;
	p2 =	seq.s32 @!p0 s5, $0x0  }
0x1f: {  	s9 =	smul.u32 $0xF7A, s1;
	s8 =	simm.s32 @!p0 $0x1BF5;
	p2 =	por !p2, p0  }
0x20: {  	[sflag:s8] =	ssyncset.s32 @!p0 $0xFFFFF086;
	s6 =	sadd.s32 @!p0 s3, s7;
	s7 =	simm.s32 @!p0 $0x108  }
0x21: {  	s3 =	sadd.s32 s3, s9;
	s6 =	sadd.s32 @!p0 $0x88, s6;
	s7 =	simm.s32 @p2 $0x1082  }
0x22: {  	[simem:s7], [sflag:s8] =	dma.local @!p0 [hbm:s6], $0xF7A  }
0x23: {  	s9 =	sor.u32 $0xD0000000, s2;
	s6 =	simm.s32 $0x108;
	_ =	swait.ge @!p0 [sflag:s8], $0x0  }
0x24: {  	s3 =	sadd.s32 $0x88, s3;
	s6 =	simm.s32 @!p1 $0x1082;
	[sflag:s4] =	ssyncset.s32 $0xFFFFF086  }
0x25: {  	[simem:s6], [sflag:s4] =	dma.local [hbm:s3], $0xF7A  }
0x26: {  	[smem:$0x3F94] =	sst s1;
	(tag) =	ssettag s2;
	_ =	strace s9  }
0x27: {  	s1 =	sld [smem:$0x3FA4]  }
0x28: {  	s2 =	sld [smem:$0x3FA5]  }
0x29: {  	s4 =	sld [smem:$0x3FA7]  }
0x2a: {  	p0 =	seq.s32 s5, $0x0;
	s5 =	sld [smem:$0x3FA8]  }
0x2b: {  	s6 =	sld [smem:$0x3FA9]  }
0x2c: {  	s7 =	sld [smem:$0x3FAA]  }
0x2d: {  	s3 =	simm.s32 $0x108;
	s8 =	sld [smem:$0x3FAB]  }
0x2e: {  	s3 =	simm.s32 @!p0 $0x1082;
	s9 =	sld [smem:$0x3FAC]  }
0x2f: {  	lr =	sadd.s32 s0, s3;
	s0 =	sld [smem:$0x3FA3]  }
0x30: {  	s3 =	sld [smem:$0x3FA6]  }
0x31: {  	[smem:$0x3FAF] =	sst s10  }
0x32: {  	s10 =	sld [smem:$0x3FAD];
	_ =	sdelay $0x3  }
0x33: {  	p0 =	seq.s32 s10, $0x1;
	s10 =	sld [smem:$0x3FAF];
	_ =	sdelay $0x3  }
0x34: {  	[smem:$0x3FAF] =	sst s10  }
0x35: {  	s10 =	sld [smem:$0x3FAE];
	_ =	sdelay $0x3  }
0x36: {  	p1 =	seq.s32 s10, $0x1;
	s10 =	sld [smem:$0x3FAF];
	_ =	sdelay $0x3  }
0x37: {  	[smem:$0x3FAF] =	sst s10  }
0x38: {  	s10 =	sld [smem:$0x3FB0]  }
0x39: {  	_ = 	snop;
	(pc) =	sbr.ind lr, $3  }
0x3a: {  	_ = 	snop  }
0x3b: {  	_ = 	snop  }
0x3c: {  	p2 =	seq.s32 s10, $0x1;
	s10 =	sld [smem:$0x3FAF]  }
0x3d: {  	_ =	shalt  }
0x3e: {  	_ =	shalt  }
0x3f: {  	_ =	shalt  }
0x40: {  	_ =	shalt  }
0x41: {  	_ =	shalt  }
0x42: {  	_ =	shalt  }
0x43: {  	_ =	shalt  }
0x44: {  	_ =	shalt  }
0x45: {  	_ =	shalt  }
0x46: {  	_ =	shalt  }
0x47: {  	_ =	shalt  }
0x48: {  	_ =	shalt  }
0x49: {  	_ =	shalt  }
0x4a: {  	_ =	shalt  }
0x4b: {  	_ =	shalt  }
0x4c: {  	_ =	shalt  }
0x4d: {  	_ =	shalt  }
0x4e: {  	_ =	shalt  }
0x4f: {  	_ =	shalt  }
0x50: {  	_ =	shalt  }
0x51: {  	_ =	shalt  }
0x52: {  	_ =	shalt  }
0x53: {  	_ =	shalt  }
0x54: {  	_ =	shalt  }
0x55: {  	_ =	shalt  }
0x56: {  	_ =	shalt  }
0x57: {  	_ =	shalt  }
0x58: {  	_ =	shalt  }
0x59: {  	_ =	shalt  }
0x5a: {  	_ =	shalt  }
0x5b: {  	_ =	shalt  }
0x5c: {  	_ =	shalt  }
0x5d: {  	_ =	shalt  }
0x5e: {  	_ =	shalt  }
0x5f: {  	_ =	shalt  }
0x60: {  	_ =	shalt  }
0x61: {  	_ =	shalt  }
0x62: {  	_ =	shalt  }
0x63: {  	_ =	shalt  }
0x64: {  	_ =	shalt  }
0x65: {  	_ =	shalt  }
0x66: {  	_ =	shalt  }
0x67: {  	_ =	shalt  }
0x68: {  	_ =	shalt  }
0x69: {  	_ =	shalt  }
0x6a: {  	_ =	shalt  }
0x6b: {  	_ =	shalt  }
0x6c: {  	_ =	shalt  }
0x6d: {  	_ =	shalt  }
0x6e: {  	_ =	shalt  }
0x6f: {  	_ =	shalt  }
0x70: {  	_ =	shalt  }
0x71: {  	_ =	shalt  }
0x72: {  	_ =	shalt  }
0x73: {  	_ =	shalt  }
0x74: {  	_ =	shalt  }
0x75: {  	_ =	shalt  }
0x76: {  	_ =	shalt  }
0x77: {  	_ =	shalt  }
0x78: {  	_ =	shalt  }
0x79: {  	_ =	shalt  }
0x7a: {  	_ =	shalt  }
0x7b: {  	_ =	shalt  }
0x7c: {  	_ =	shalt  }
0x7d: {  	_ =	shalt  }
0x7e: {  	_ =	shalt  }
0x7f: {  	_ =	shalt  }
0x80: {  	_ =	shalt  }
0x81: {  	_ =	shalt  }
0x82: {  	_ =	shalt  }
0x83: {  	_ =	shalt  }
0x84: {  	_ =	shalt  }
0x85: {  	_ =	shalt  }
0x86: {  	_ =	shalt  }
0x87: {  	_ =	shalt  }
.Lfunc_end0:
.L_simem_size_0:
called_computation_lowered:
.L_overlay_start_0:
0x88: {  	s2 =	sld [smem:$0x3FD9]  }
0x89: {  	s3 =	sld [smem:$0x3FFE];
	_ =	sdelay $0x1  }
0x8a: {  	s1 =	srdreg.scid  }
0x8b: {  	s0 =	sand.u32 $0x1, s1  }
0x8c: {  	s17 =	sshll.u32 s0, $0xA;
	s2 =	sadd.s32 s3, s2  }
0x8d: {  	s2 =	sadd.s32 s2, s17  }
0x8e: {  	[smem:$0x3FBB] =	sst s2  }
0x8f: {  	_ = 	snop  }
0x90: {  	s2 =	sld [smem:$0x3FD0];
	(tm) =	ssettm $0x1  }
0x91: {  	s18 =	sld [smem:$0x3FFB];
	_ =	sdelay $0x3  }
0x92: {  	_ =	strace s18  }
0x93: {  	s3 =	sld [smem:$0x3FFC];
	_ =	sdelay $0x3  }
0x94: {  	_ =	strace s3  }
0x95: {  	s3 =	sld [smem:$0x3FFD];
	_ =	sdelay $0x3  }
0x96: {  	_ =	strace s3  }
0x97: {  	_ =	strace $0x8FFFFFFF  }
0x98: {  	s19 =	sld [smem:$0x3FDB];
	_ =	sdelay $0x1  }
0x99: {  	s4 =	simm.s32 $_scs_section_size  }
0x9a: {  	s5 =	simm.s32 $_size__tile_overlayer_lowered;
	s6 =	simm.s32 $_tile_overlayer_lowered  }
0x9b: {  	s22 =	simm.s32 $0x1BFF;
	s21 =	sshll.u32 s6, $0x1;
	s3 =	sadd.s32 s4, s19  }
0x9c: {  	s7 =	simm.s32 $0x0;
	s20 =	sshll.u32 s5, $0x1;
	s5 =	sadd.s32 s21, s3  }
0x9d: {  	[timem:s7], [sflag:s22] =	dma.local [hbm:s5], s20  }
0x9e: {  	_ =	swait.ge [sflag:s22], s20  }
0x9f: {  	s4 =	ssub.s32 $0x0, s20;
	[sflag:s22] =	ssyncset.done $0x0  }
0xa0: {  	[sflag:s22] =	ssyncadd.s32 s4;
	_ =	sdelay $0x1  }
0xa1: {  	s23 =	simm.s32 $0x1B8B  }
0xa2: {  	_ =	swait.ge [sflag:s23], $0x1  }
0xa3: {  	[sflag:s23] =	ssyncset.done $0x0  }
0xa4: {  	s25 =	simm.s32 $0x1B8E;
	s24 =	sld [smem:$0x3FFE];
	[sflag:s23] =	ssyncadd.s32 $0xFFFFFFFF  }
0xa5: {  	s26 =	simm.s32 $execute0_lowered;
	[smem:$0x3FD2] =	sst s25  }
0xa6: {  	s5 =	sshll.u32 s26, $0x1;
	_ =	strace $0x80000046;
	[dreg:$0x1] =	wrdreg $0xFFFFFFFF  }
0xa7: {  	s28 =	simm.s32 $_size_execute0_lowered;
	s3 =	sadd.s32 s3, s5;
	[dreg:$0x0] =	wrdreg $0x0  }
0xa8: {  	s5 =	sshll.u32 s28, $0x1;
	[dreg:$0x2] =	wrdreg s3  }
0xa9: {  	[dreg:$0x3] =	wrdreg s5  }
0xaa: {  	[dreg:$0x4] =	wrdreg $0xC0  }
0xab: {  	_ =	task [dreg:s7], $0x5FFFF  }
0xac: {  	[dreg:$0x1] =	wrdreg $0xFFFFFFFF  }
0xad: {  	[dreg:$0x0] =	wrdreg $0x60  }
0xae: {  	[dreg:$0x2] =	wrdreg s2  }
0xaf: {  	[dreg:$0x3] =	wrdreg s24  }
0xb0: {  	[dreg:$0x4] =	wrdreg $0xC0000  }
0xb1: {  	[dreg:$0x5] =	wrdreg $0x9  }
0xb2: {  	_ =	task.clear_ibuf [dreg:s7], $0x6FFFF;
	_ =	strace $0x90000046  }
0xb3: {  	s29 =	simm.s32 $0x9;
	_ =	strace $0x80000048  }
0xb4: {  	_ =	swait.ge [sflag:s29], $0x1  }
0xb5: {  	[sflag:s29] =	ssyncadd.s32 $0xFFFFFFFF  }
0xb6: {  	_ =	strace $0x90000048  }
0xb7: {  	_ =	sfence  }
0xb8: {  	s30 =	sld [smem:$0x0];
	_ =	sdelay $0x2  }
0xb9: {  	s31 =	sshll.u32 s1, $0xD;
	s1 =	sshrl.u32 s1, $0x2  }
0xba: {  	s3 =	sand.u32 $0x4000, s31;
	s1 =	sadd.s32 s1, s30  }
0xbb: {  	s0 =	sor.u32 s3, s0;
	s1 =	sshll.u32 s1, $0x11  }
0xbc: {  	s0 =	sor.u32 s1, s0  }
0xbd: {  	s0 =	sadd.s32 $0x8F2B, s0  }
0xbe: {  	[sflag:s0] =	ssyncadd.remote.s32 $0x1  }
0xbf: {  	_ =	sfence.sel $0xFFFF  }
0xc0: {  	[dreg:$0x0] =	wrdreg $0xFFFFFFFF;
	(pc) =	sbr.abs _section_cstart, $3  }
0xc1: {  	[dreg:$0x1] =	wrdreg $0xFFFFFFFF  }
0xc2: {  	_ =	task.clear_ibuf [dreg:s7], $0x2FFFF;
	_ =	strace $0x9FFFFFFF  }
0xc3: {  	(tm) =	ssettm $0x7FFFFFFF  }
tec
execute0_lowered:
.L_overlay_start_1:
0x0: {  	(tag) =	ssettag $0x1  }
0x1: {  	s1 =	rddreg [dreg:$0x0]  }
0x2: {  	s0 =	rddreg [dreg:$0x1]  }
0x3: {  	s3 =	rddreg [dreg:$0x2];
	s2 =	srdreg.scid  }
0x4: {  	s9 =	stileid.u32;
	s5 =	simm.s32 $0x0;
	s28 =	simm.s32 $0x6000  }
0x5: {  	s29 =	simm.s32 $0x40;
	s31 =	simm.s32 $0x1;
	s4 =	smul.u32 $0x60, s9  }
0x6: {  	s30 =	simm.s32 $0x8000;
	s2 =	sand.u32 $0x1, s2;
	s8 =	smul.u32 $0x13C00, s9  }
0x7: {  	[smem:$0x7FF] =	sst s5;
	s6 =	sshll.u32 s9, $0x6;
	s9 =	smul.u32 $0x4F000, s9  }
0x8: {  	s7 =	sadd.s32 $0x16C00, s0;
	s17 =	smul.u32 $0x13C000, s2;
	p0 =	seq.s32 s2, $0x0  }
0x9: {  	[dreg:$0x4] =	wrdreg s6;
	s6 =	sadd.s32 $0x600, s6;
	s2 =	ssub.s32 $0x2, s2  }
0xa: {  	_ =	strace $0x80000047;
	s6 =	smov.u32 @p0 s4;
	s18 =	sshrl.u32 s2, $0x1  }
0xb: {  	s19 =	sshrl.u32 s9, $0x2;
	s9 =	simm.s32 $0x0;
	s4 =	sshll.u32 s6, $0x4  }
0xc: {  	s5 =	sadd.s32 s8, s17;
	s2 =	ssub.s32 s2, s18;
	s8 =	simm.s32 $0x60  }
0xd: {  	s10 =	sadd.s32 s19, s3;
	s26 =	sshll.u32 s6, $0xA;
	s5 =	sshrl.u32 s5, $0x3  }
0xe: {  	s4 =	sadd.s32 s4, s0;
	s8 =	simm.s32 @!p0 $0x40;
	s21 =	sadd.s32 $0x2000, s10  }
0xf: {  	s22 =	sadd.s32 $0x4000, s10;
	s23 =	sadd.s32 $0x6000, s10;
	[dreg:$0x7] =	wrdreg s21  }
0x10: {  	s24 =	sadd.s32 $0x8000, s10;
	s25 =	sadd.s32 $0xA000, s10;
	[dreg:$0x8] =	wrdreg s22  }
0x11: {  	s17 =	sadd.s32 $0xC000, s10;
	s18 =	sadd.s32 $0xE000, s10;
	[dreg:$0x9] =	wrdreg s23  }
0x12: {  	s19 =	sadd.s32 $0x10000, s10;
	s0 =	sadd.s32 s5, s0;
	[dreg:$0xa] =	wrdreg s24  }
0x13: {  	s20 =	sadd.s32 $0x2800, s4;
	s4 =	sadd.s32 $0xCA00, s4;
	[dreg:$0xb] =	wrdreg s25  }
0x14: {  	s21 =	sadd.s32 s7, s26;
	s22 =	sshrl.u32 s8, $0x1;
	s24 =	smax.u32 s2, $0x1  }
0x15: {  	s25 =	simm.s32 $0x6;
	s2 =	simm.s32 $0x4;
	[dreg:$0x5] =	wrdreg s20  }
0x16: {  	s26 =	simm.s32 $0x2;
	[dreg:$0x6] =	wrdreg s4;
	s20 =	sadd.s32 $0x12000, s10  }
0x17: {  	v0 =	vimm.f32 $0.0e+00;
	s23 =	sadd.s32 $0x296C00, s0;
	s0 =	simm.s32 $0x3;
	s4 =	simm.s32 $0x5  }
.LBB2_1:
0x18: {  	s5 =	simm.s32 $0x0;
	s11 =	rddreg [dreg:$0x5]  }
0x19: {  	[tilespmem:s5], [sflag:$0x6] =	stream.linear.gather [hbm4b:s11+s5], $0x3000, $0x38;
	[tilespmem:$0x1FC00] =	vst v63  }
0x1a: {  	_ =	swait.ge [sflag:s25], $0x3000  }
0x1b: {  	[sflag:s25] =	ssyncset.done $0x0  }
0x1c: {  	s12 =	simm.s32 $0x3000;
	s16 =	rddreg [dreg:$0x6];
	[sflag:s25] =	ssyncadd.s32 $0xFFFFD000  }
0x1d: {  	[tilespmem:s12], [sflag:$0x6] =	stream.linear.gather [hbm4b:s16+s5], $0x3000, $0x38;
	[tilespmem:$0x1FC00] =	vst v63  }
0x1e: {  	_ =	swait.ge [sflag:s25], $0x3000  }
0x1f: {  	[sflag:s25] =	ssyncset.done $0x0  }
0x20: {  	s11 =	simm.s32 $0x200;
	s5 =	simm.s32 $0x0;
	[sflag:s25] =	ssyncadd.s32 $0xFFFFD000  }
.LBB2_2:
0x21: {  	p0 =	sne.s32 s11, $0x7E00;
	[tilespmem:s5+$0x6070] =	vst v0  }
0x22: {  	[tilespmem:s5+$0x6000] =	vst v0  }
0x23: {  	[tilespmem:s5+$0x6010] =	vst v0  }
.Ltmp0:
0x24: {  	[tilespmem:s5+$0x6020] =	vst v0;
	(pc) =	sbr.rel @p0 .LBB2_2-.Ltmp0, $4  }
0x25: {  	[tilespmem:s5+$0x6030] =	vst v0  }
0x26: {  	[tilespmem:s5+$0x6040] =	vst v0  }
0x27: {  	[tilespmem:s5+$0x6050] =	vst v0  }
0x28: {  	[tilespmem:s5+$0x6060] =	vst v0;
	s5 =	sshra.s32 s11, $0x2;
	s11 =	sadd.s32 $0x200, s11  }
0x29: {  	[tilespmem:s5+$0x6070] =	vst v0  }
0x2a: {  	[tilespmem:s5+$0x6000] =	vst v0  }
0x2b: {  	[tilespmem:s5+$0x6010] =	vst v0  }
0x2c: {  	[tilespmem:s5+$0x6020] =	vst v0  }
0x2d: {  	[tilespmem:s5+$0x6030] =	vst v0  }
0x2e: {  	[tilespmem:s5+$0x6040] =	vst v0  }
0x2f: {  	[tilespmem:s5+$0x6050] =	vst v0  }
0x30: {  	[tilespmem:s5+$0x6060] =	vst v0  }
0x31: {  	[spmem:s10] =	stream.linear.scatter [tilespmem:s28], [sflag:$0x6], $0x2000, $0x38;
	[tilespmem:$0x1FC00] =	vst v63  }
0x32: {  	_ =	swait.ge [sflag:s25], $0x2000  }
0x33: {  	[sflag:s25] =	ssyncset.done $0x0  }
0x34: {  	s11 =	rddreg [dreg:$0x7];
	[sflag:s25] =	ssyncadd.s32 $0xFFFFE000  }
0x35: {  	[spmem:s11] =	stream.linear.scatter [tilespmem:s28], [sflag:$0x6], $0x2000, $0x38;
	[tilespmem:$0x1FC00] =	vst v63  }
0x36: {  	_ =	swait.ge [sflag:s25], $0x2000  }
0x37: {  	[sflag:s25] =	ssyncset.done $0x0  }
0x38: {  	s12 =	rddreg [dreg:$0x8];
	[sflag:s25] =	ssyncadd.s32 $0xFFFFE000  }
0x39: {  	[spmem:s12] =	stream.linear.scatter [tilespmem:s28], [sflag:$0x6], $0x2000, $0x38;
	[tilespmem:$0x1FC00] =	vst v63  }
0x3a: {  	_ =	swait.ge [sflag:s25], $0x2000  }
0x3b: {  	[sflag:s25] =	ssyncset.done $0x0  }
0x3c: {  	s13 =	rddreg [dreg:$0x9];
	[sflag:s25] =	ssyncadd.s32 $0xFFFFE000  }
0x3d: {  	[spmem:s13] =	stream.linear.scatter [tilespmem:s28], [sflag:$0x6], $0x2000, $0x38;
	[tilespmem:$0x1FC00] =	vst v63  }
0x3e: {  	_ =	swait.ge [sflag:s25], $0x2000  }
0x3f: {  	[sflag:s25] =	ssyncset.done $0x0  }
0x40: {  	s14 =	rddreg [dreg:$0xa];
	[sflag:s25] =	ssyncadd.s32 $0xFFFFE000  }
0x41: {  	[spmem:s14] =	stream.linear.scatter [tilespmem:s28], [sflag:$0x6], $0x2000, $0x38;
	[tilespmem:$0x1FC00] =	vst v63  }
0x42: {  	_ =	swait.ge [sflag:s25], $0x2000  }
0x43: {  	[sflag:s25] =	ssyncset.done $0x0  }
0x44: {  	s15 =	rddreg [dreg:$0xb];
	[sflag:s25] =	ssyncadd.s32 $0xFFFFE000  }
0x45: {  	[spmem:s15] =	stream.linear.scatter [tilespmem:s28], [sflag:$0x6], $0x2000, $0x38;
	[tilespmem:$0x1FC00] =	vst v63  }
0x46: {  	_ =	swait.ge [sflag:s25], $0x2000  }
0x47: {  	[sflag:s25] =	ssyncset.done $0x0  }
0x48: {  	[sflag:s25] =	ssyncadd.s32 $0xFFFFE000  }
0x49: {  	[spmem:s17] =	stream.linear.scatter [tilespmem:s28], [sflag:$0x6], $0x2000, $0x38;
	[tilespmem:$0x1FC00] =	vst v63  }
0x4a: {  	_ =	swait.ge [sflag:s25], $0x2000  }
0x4b: {  	[sflag:s25] =	ssyncset.done $0x0  }
0x4c: {  	[sflag:s25] =	ssyncadd.s32 $0xFFFFE000  }
0x4d: {  	[spmem:s18] =	stream.linear.scatter [tilespmem:s28], [sflag:$0x6], $0x2000, $0x38;
	[tilespmem:$0x1FC00] =	vst v63  }
0x4e: {  	_ =	swait.ge [sflag:s25], $0x2000  }
0x4f: {  	[sflag:s25] =	ssyncset.done $0x0  }
0x50: {  	[sflag:s25] =	ssyncadd.s32 $0xFFFFE000  }
0x51: {  	[spmem:s19] =	stream.linear.scatter [tilespmem:s28], [sflag:$0x6], $0x2000, $0x38;
	[tilespmem:$0x1FC00] =	vst v63  }
0x52: {  	_ =	swait.ge [sflag:s25], $0x2000  }
0x53: {  	[sflag:s25] =	ssyncset.done $0x0  }
0x54: {  	[sflag:s25] =	ssyncadd.s32 $0xFFFFE000  }
0x55: {  	[spmem:s20] =	stream.linear.scatter [tilespmem:s28], [sflag:$0x6], $0x1C00, $0x38;
	[tilespmem:$0x1FC00] =	vst v63  }
0x56: {  	_ =	swait.ge [sflag:s25], $0x1C00  }
0x57: {  	[sflag:s25] =	ssyncset.done $0x0  }
0x58: {  	[sflag:s25] =	ssyncadd.s32 $0xFFFFE400  }
0x59: {  	s11 =	simm.s32 $0x0;
	[bflag:$0x0] =	sbarrier.arrive $0xFFFF  }
0x5a: {  	[tilespmem:s28], [sflag:$0x1] =	stream.indirect.gather [hbm4b:s1+s29], $0x80, s11, s29, $0xb8;
	[tilespmem:$0x1FC00] =	vst v63  }
0x5b: {  	s16 =	simm.s32 $0xA000  }
0x5c: {  	[tilespmem:s16], [sflag:$0x3] =	stream.linear.gather [hbm4b:s21+s11], $0x2000, $0x38;
	[tilespmem:$0x1FC00] =	vst v63  }
.LBB2_4:
0x5d: {  	p1 =	seq.s32 s11, $0x0  }
0x5e: {  	s13 =	sshll.u32 s11, $0x1;
	s5 =	simm.s32 @!p1 $0x5  }
0x5f: {  	s12 =	sor.u32 $0x1, s13;
	_ =	swait.ge @!p1 [sflag:s5], $0x2000  }
0x60: {  	p0 =	sge.u32 s12, s8;
	[sflag:s5] =	ssyncset.done @!p1 $0x0  }
0x61: {  	[sflag:s5] =	ssyncadd.s32 @!p1 $0xFFFFE000;
	s5 =	sshll.u32 @!p0 s12, $0x7  }
0x62: {  	s14 =	simm.s32 @!p0 $0x40;
	s15 =	simm.s32 @!p0 $0x8000;
	s5 =	sand.u32 @!p0 $0x3FFFFF80, s5  }
0x63: {  	[tilespmem:s15], [sflag:$0x2] =	stream.indirect.gather @!p0 [hbm4b:s1+s14], $0x80, s5, s14, $0xb8;
	[tilespmem:$0x1FC00] =	vst v63  }
0x64: {  	_ =	swait.ge [sflag:s31], $0x2000  }
0x65: {  	[sflag:s31] =	ssyncset.done $0x0  }
0x66: {  	[sflag:s31] =	ssyncadd.s32 $0xFFFFE000  }
0x67: {  	_ =	swait.ge [sflag:s0], $0x2000  }
0x68: {  	[sflag:s0] =	ssyncset.done $0x0  }
0x69: {  	s14 =	simm.s32 $0x6100;
	[sflag:s0] =	ssyncadd.s32 $0xFFFFE000  }
0x6a: {  	s15 =	simm.s32 $0xA100;
	v1 =	vld [tilespmem:s14+$0x80]  }
0x6b: {  	v2 =	vld [tilespmem:s15+$0x80]  }
0x6c: {  	v3 =	vld [tilespmem:s14+$0xFFFFFF80]  }
0x6d: {  	v4 =	vld [tilespmem:s15+$0xFFFFFF80]  }
0x6e: {  	v5 =	vld [tilespmem:s14+$0x0]  }
0x6f: {  	v6 =	vld [tilespmem:s15+$0x0]  }
0x70: {  	v7 =	vld [tilespmem:s14+$0xFFFFFF00];
	v1 =	vmul.f32 v2, v1  }
0x71: {  	v2 =	vld [tilespmem:s15+$0xFFFFFF00]  }
0x72: {  	[tilespmem:s14+$0x80] =	vst v1;
	v1 =	vld [tilespmem:s14+$0x90]  }
0x73: {  	v3 =	vmul.f32 v4, v3;
	v4 =	vld [tilespmem:s15+$0x90]  }
0x74: {  	v8 =	vld [tilespmem:s14+$0xFFFFFF10]  }
0x75: {  	[tilespmem:s14+$0xFFFFFF80] =	vst v3;
	v3 =	vmul.f32 v6, v5;
	v5 =	vld [tilespmem:s14+$0xFFFFFF90]  }
0x76: {  	v6 =	vld [tilespmem:s15+$0xFFFFFF90];
	v2 =	vmul.f32 v2, v7  }
0x77: {  	[tilespmem:s14+$0x0] =	vst v3;
	v3 =	vld [tilespmem:s14+$0x10]  }
0x78: {  	v7 =	vld [tilespmem:s15+$0x10];
	[tilespmem:s14+$0xFFFFFF00] =	vst v2;
	v1 =	vmul.f32 v4, v1  }
0x79: {  	v2 =	vld [tilespmem:s15+$0xFFFFFF10]  }
0x7a: {  	[tilespmem:s14+$0x90] =	vst v1;
	v1 =	vld [tilespmem:s14+$0xA0]  }
0x7b: {  	v4 =	vmul.f32 v6, v5;
	v5 =	vld [tilespmem:s15+$0xA0]  }
0x7c: {  	v6 =	vld [tilespmem:s14+$0xFFFFFF20]  }
0x7d: {  	[tilespmem:s14+$0xFFFFFF90] =	vst v4;
	v3 =	vmul.f32 v7, v3;
	v4 =	vld [tilespmem:s14+$0xFFFFFFA0]  }
0x7e: {  	v7 =	vld [tilespmem:s15+$0xFFFFFFA0];
	v2 =	vmul.f32 v2, v8  }
0x7f: {  	[tilespmem:s14+$0x10] =	vst v3;
	v3 =	vld [tilespmem:s14+$0x20]  }
0x80: {  	v8 =	vld [tilespmem:s15+$0x20];
	[tilespmem:s14+$0xFFFFFF10] =	vst v2;
	v1 =	vmul.f32 v5, v1  }
0x81: {  	v2 =	vld [tilespmem:s15+$0xFFFFFF20]  }
0x82: {  	[tilespmem:s14+$0xA0] =	vst v1;
	v1 =	vld [tilespmem:s14+$0xB0]  }
0x83: {  	v4 =	vmul.f32 v7, v4;
	v5 =	vld [tilespmem:s15+$0xB0]  }
0x84: {  	v7 =	vld [tilespmem:s14+$0xFFFFFF30]  }
0x85: {  	[tilespmem:s14+$0xFFFFFFA0] =	vst v4;
	v3 =	vmul.f32 v8, v3;
	v4 =	vld [tilespmem:s14+$0xFFFFFFB0]  }
0x86: {  	v8 =	vld [tilespmem:s15+$0xFFFFFFB0];
	v2 =	vmul.f32 v2, v6  }
0x87: {  	[tilespmem:s14+$0x20] =	vst v3;
	v3 =	vld [tilespmem:s14+$0x30]  }
0x88: {  	v6 =	vld [tilespmem:s15+$0x30];
	[tilespmem:s14+$0xFFFFFF20] =	vst v2;
	v1 =	vmul.f32 v5, v1  }
0x89: {  	v2 =	vld [tilespmem:s15+$0xFFFFFF30]  }
0x8a: {  	[tilespmem:s14+$0xB0] =	vst v1;
	v1 =	vld [tilespmem:s14+$0xC0]  }
0x8b: {  	v4 =	vmul.f32 v8, v4;
	v5 =	vld [tilespmem:s15+$0xC0]  }
0x8c: {  	v8 =	vld [tilespmem:s14+$0xFFFFFF40]  }
0x8d: {  	[tilespmem:s14+$0xFFFFFFB0] =	vst v4;
	v3 =	vmul.f32 v6, v3;
	v4 =	vld [tilespmem:s14+$0xFFFFFFC0]  }
0x8e: {  	v6 =	vld [tilespmem:s15+$0xFFFFFFC0];
	v2 =	vmul.f32 v2, v7  }
0x8f: {  	[tilespmem:s14+$0x30] =	vst v3;
	v3 =	vld [tilespmem:s14+$0x40]  }
0x90: {  	v7 =	vld [tilespmem:s15+$0x40];
	[tilespmem:s14+$0xFFFFFF30] =	vst v2;
	v1 =	vmul.f32 v5, v1  }
0x91: {  	v2 =	vld [tilespmem:s15+$0xFFFFFF40]  }
0x92: {  	[tilespmem:s14+$0xC0] =	vst v1;
	v1 =	vld [tilespmem:s14+$0xD0]  }
0x93: {  	v4 =	vmul.f32 v6, v4;
	v5 =	vld [tilespmem:s15+$0xD0]  }
0x94: {  	v6 =	vld [tilespmem:s14+$0xFFFFFF50]  }
0x95: {  	[tilespmem:s14+$0xFFFFFFC0] =	vst v4;
	v3 =	vmul.f32 v7, v3;
	v4 =	vld [tilespmem:s14+$0xFFFFFFD0]  }
0x96: {  	v7 =	vld [tilespmem:s15+$0xFFFFFFD0];
	v2 =	vmul.f32 v2, v8  }
0x97: {  	[tilespmem:s14+$0x40] =	vst v3;
	v3 =	vld [tilespmem:s14+$0x50]  }
0x98: {  	v8 =	vld [tilespmem:s15+$0x50];
	[tilespmem:s14+$0xFFFFFF40] =	vst v2;
	v1 =	vmul.f32 v5, v1  }
0x99: {  	v2 =	vld [tilespmem:s15+$0xFFFFFF50]  }
0x9a: {  	[tilespmem:s14+$0xD0] =	vst v1;
	v1 =	vld [tilespmem:s14+$0xE0]  }
0x9b: {  	v4 =	vmul.f32 v7, v4;
	v5 =	vld [tilespmem:s15+$0xE0]  }
0x9c: {  	v7 =	vld [tilespmem:s14+$0xFFFFFF60]  }
0x9d: {  	[tilespmem:s14+$0xFFFFFFD0] =	vst v4;
	v3 =	vmul.f32 v8, v3;
	v4 =	vld [tilespmem:s14+$0xFFFFFFE0]  }
0x9e: {  	v8 =	vld [tilespmem:s15+$0xFFFFFFE0];
	v2 =	vmul.f32 v2, v6  }
0x9f: {  	[tilespmem:s14+$0x50] =	vst v3;
	v3 =	vld [tilespmem:s14+$0x60]  }
0xa0: {  	v6 =	vld [tilespmem:s15+$0x60];
	[tilespmem:s14+$0xFFFFFF50] =	vst v2;
	v1 =	vmul.f32 v5, v1  }
0xa1: {  	v5 =	vld [tilespmem:s15+$0xFFFFFF60]  }
0xa2: {  	v9 =	vld [tilespmem:s14+$0xF0];
	[tilespmem:s14+$0xE0] =	vst v1  }
0xa3: {  	v2 =	vmul.f32 v8, v4;
	v8 =	vld [tilespmem:s15+$0xF0]  }
0xa4: {  	v1 =	vld [tilespmem:s14+$0xFFFFFF70]  }
0xa5: {  	[tilespmem:s14+$0xFFFFFFE0] =	vst v2;
	v3 =	vmul.f32 v6, v3;
	v2 =	vld [tilespmem:s14+$0xFFFFFFF0]  }
0xa6: {  	v4 =	vld [tilespmem:s15+$0xFFFFFFF0];
	v5 =	vmul.f32 v5, v7  }
0xa7: {  	[tilespmem:s14+$0x60] =	vst v3;
	v3 =	vld [tilespmem:s14+$0x70]  }
0xa8: {  	[tilespmem:s14+$0xFFFFFF60] =	vst v5;
	v5 =	vld [tilespmem:s15+$0x70];
	v7 =	vmul.f32 v8, v9  }
0xa9: {  	s16 =	simm.s32 $0x6300;
	s5 =	simm.s32 $0x0;
	v6 =	vld [tilespmem:s15+$0xFFFFFF70]  }
.LBB2_5:
0xaa: {  	v8 =	vld [tilespmem:s16+$0x80];
	[tilespmem:s14+$0xF0] =	vst v7;
	s15 =	sadd.s32 $0x200, s15  }
0xab: {  	s5 =	sadd.s32 $0x4, s5;
	v7 =	vld [tilespmem:s15+$0x80];
	v2 =	vmul.f32 v4, v2  }
0xac: {  	p1 =	slt.u32 s5, $0x3C;
	v4 =	vld [tilespmem:s15+$0xFFFFFF00]  }
0xad: {  	v9 =	vld [tilespmem:s16+$0xFFFFFF80];
	[tilespmem:s14+$0xFFFFFFF0] =	vst v2;
	v2 =	vmul.f32 v5, v3  }
0xae: {  	v3 =	vld [tilespmem:s15+$0xFFFFFF80];
	v1 =	vmul.f32 v6, v1  }
0xaf: {  	v5 =	vld [tilespmem:s16+$0x0];
	[tilespmem:s14+$0x70] =	vst v2  }
0xb0: {  	v2 =	vld [tilespmem:s15+$0x0];
	v6 =	vmul.f32 v7, v8;
	[tilespmem:s14+$0xFFFFFF70] =	vst v1;
	s14 =	smov.u32 s16  }
0xb1: {  	v1 =	vld [tilespmem:s16+$0xFFFFFF00]  }
0xb2: {  	[tilespmem:s16+$0x80] =	vst v6;
	v6 =	vld [tilespmem:s16+$0x90]  }
0xb3: {  	v3 =	vmul.f32 v3, v9;
	v7 =	vld [tilespmem:s15+$0x90]  }
0xb4: {  	v8 =	vld [tilespmem:s16+$0xFFFFFF10]  }
0xb5: {  	[tilespmem:s16+$0xFFFFFF80] =	vst v3;
	v3 =	vld [tilespmem:s16+$0xFFFFFF90];
	v2 =	vmul.f32 v2, v5  }
0xb6: {  	v1 =	vmul.f32 v4, v1;
	v4 =	vld [tilespmem:s15+$0xFFFFFF90]  }
0xb7: {  	[tilespmem:s16+$0x0] =	vst v2;
	v2 =	vld [tilespmem:s16+$0x10]  }
0xb8: {  	[tilespmem:s16+$0xFFFFFF00] =	vst v1;
	v1 =	vld [tilespmem:s15+$0x10];
	v5 =	vmul.f32 v7, v6  }
0xb9: {  	v6 =	vld [tilespmem:s15+$0xFFFFFF10]  }
0xba: {  	[tilespmem:s16+$0x90] =	vst v5;
	v5 =	vld [tilespmem:s16+$0xA0]  }
0xbb: {  	v3 =	vmul.f32 v4, v3;
	v4 =	vld [tilespmem:s15+$0xA0]  }
0xbc: {  	v7 =	vld [tilespmem:s16+$0xFFFFFF20]  }
0xbd: {  	[tilespmem:s16+$0xFFFFFF90] =	vst v3;
	v3 =	vld [tilespmem:s16+$0xFFFFFFA0];
	v1 =	vmul.f32 v1, v2  }
0xbe: {  	v2 =	vmul.f32 v6, v8;
	v6 =	vld [tilespmem:s15+$0xFFFFFFA0]  }
0xbf: {  	[tilespmem:s16+$0x10] =	vst v1;
	v1 =	vld [tilespmem:s16+$0x20]  }
0xc0: {  	[tilespmem:s16+$0xFFFFFF10] =	vst v2;
	v2 =	vld [tilespmem:s15+$0x20];
	v4 =	vmul.f32 v4, v5  }
0xc1: {  	v5 =	vld [tilespmem:s15+$0xFFFFFF20]  }
0xc2: {  	[tilespmem:s16+$0xA0] =	vst v4;
	v4 =	vld [tilespmem:s16+$0xB0]  }
0xc3: {  	v3 =	vmul.f32 v6, v3;
	v6 =	vld [tilespmem:s15+$0xB0]  }
0xc4: {  	v8 =	vld [tilespmem:s16+$0xFFFFFF30]  }
0xc5: {  	[tilespmem:s16+$0xFFFFFFA0] =	vst v3;
	v3 =	vld [tilespmem:s16+$0xFFFFFFB0];
	v1 =	vmul.f32 v2, v1  }
0xc6: {  	v2 =	vmul.f32 v5, v7;
	v5 =	vld [tilespmem:s15+$0xFFFFFFB0]  }
0xc7: {  	[tilespmem:s16+$0x20] =	vst v1;
	v1 =	vld [tilespmem:s16+$0x30]  }
0xc8: {  	[tilespmem:s16+$0xFFFFFF20] =	vst v2;
	v2 =	vld [tilespmem:s15+$0x30];
	v4 =	vmul.f32 v6, v4  }
0xc9: {  	v6 =	vld [tilespmem:s15+$0xFFFFFF30]  }
0xca: {  	[tilespmem:s16+$0xB0] =	vst v4;
	v4 =	vld [tilespmem:s16+$0xC0]  }
0xcb: {  	v3 =	vmul.f32 v5, v3;
	v5 =	vld [tilespmem:s15+$0xC0]  }
0xcc: {  	v7 =	vld [tilespmem:s16+$0xFFFFFF40]  }
0xcd: {  	[tilespmem:s16+$0xFFFFFFB0] =	vst v3;
	v3 =	vld [tilespmem:s16+$0xFFFFFFC0];
	v1 =	vmul.f32 v2, v1  }
0xce: {  	v2 =	vmul.f32 v6, v8;
	v6 =	vld [tilespmem:s15+$0xFFFFFFC0]  }
0xcf: {  	[tilespmem:s16+$0x30] =	vst v1;
	v1 =	vld [tilespmem:s16+$0x40]  }
0xd0: {  	[tilespmem:s16+$0xFFFFFF30] =	vst v2;
	v2 =	vld [tilespmem:s15+$0x40];
	v4 =	vmul.f32 v5, v4  }
0xd1: {  	v5 =	vld [tilespmem:s15+$0xFFFFFF40]  }
0xd2: {  	[tilespmem:s16+$0xC0] =	vst v4;
	v4 =	vld [tilespmem:s16+$0xD0]  }
0xd3: {  	v3 =	vmul.f32 v6, v3;
	v6 =	vld [tilespmem:s15+$0xD0]  }
0xd4: {  	v8 =	vld [tilespmem:s16+$0xFFFFFF50]  }
0xd5: {  	[tilespmem:s16+$0xFFFFFFC0] =	vst v3;
	v3 =	vld [tilespmem:s16+$0xFFFFFFD0];
	v1 =	vmul.f32 v2, v1  }
0xd6: {  	v2 =	vmul.f32 v5, v7;
	v5 =	vld [tilespmem:s15+$0xFFFFFFD0]  }
0xd7: {  	[tilespmem:s16+$0x40] =	vst v1;
	v1 =	vld [tilespmem:s16+$0x50]  }
0xd8: {  	[tilespmem:s16+$0xFFFFFF40] =	vst v2;
	v2 =	vld [tilespmem:s15+$0x50];
	v4 =	vmul.f32 v6, v4  }
0xd9: {  	v6 =	vld [tilespmem:s15+$0xFFFFFF50]  }
0xda: {  	[tilespmem:s16+$0xD0] =	vst v4;
	v4 =	vld [tilespmem:s16+$0xE0]  }
0xdb: {  	v3 =	vmul.f32 v5, v3;
	v5 =	vld [tilespmem:s15+$0xE0]  }
0xdc: {  	v7 =	vld [tilespmem:s16+$0xFFFFFF60]  }
0xdd: {  	[tilespmem:s16+$0xFFFFFFD0] =	vst v3;
	v3 =	vld [tilespmem:s16+$0xFFFFFFE0];
	v1 =	vmul.f32 v2, v1  }
0xde: {  	v2 =	vmul.f32 v6, v8;
	v6 =	vld [tilespmem:s15+$0xFFFFFFE0]  }
0xdf: {  	[tilespmem:s16+$0x50] =	vst v1;
	v8 =	vld [tilespmem:s16+$0x60]  }
0xe0: {  	[tilespmem:s16+$0xFFFFFF50] =	vst v2;
	v9 =	vld [tilespmem:s15+$0x60];
	v1 =	vmul.f32 v5, v4  }
0xe1: {  	v4 =	vld [tilespmem:s15+$0xFFFFFF60]  }
0xe2: {  	[tilespmem:s16+$0xE0] =	vst v1;
	v10 =	vld [tilespmem:s16+$0xF0]  }
0xe3: {  	v2 =	vmul.f32 v6, v3;
	v6 =	vld [tilespmem:s15+$0xF0]  }
0xe4: {  	v1 =	vld [tilespmem:s16+$0xFFFFFF70]  }
.Ltmp1:
0xe5: {  	[tilespmem:s16+$0xFFFFFFE0] =	vst v2;
	v2 =	vld [tilespmem:s16+$0xFFFFFFF0];
	v3 =	vmul.f32 v9, v8;
	(pc) =	sbr.rel @p1 .LBB2_5-.Ltmp1, $4  }
0xe6: {  	v5 =	vmul.f32 v4, v7;
	v4 =	vld [tilespmem:s15+$0xFFFFFFF0]  }
0xe7: {  	[tilespmem:s16+$0x60] =	vst v3;
	v3 =	vld [tilespmem:s16+$0x70]  }
0xe8: {  	[tilespmem:s16+$0xFFFFFF60] =	vst v5;
	v5 =	vld [tilespmem:s15+$0x70];
	v7 =	vmul.f32 v6, v10  }
0xe9: {  	s16 =	sadd.s32 $0x200, s16;
	v6 =	vld [tilespmem:s15+$0xFFFFFF70]  }
0xea: {  	_ =	sdelay $0x1  }
0xeb: {  	v2 =	vmul.f32 v4, v2  }
0xec: {  	[tilespmem:s14+$0xF0] =	vst v7;
	v3 =	vmul.f32 v5, v3  }
0xed: {  	s5 =	sshll.u32 s11, $0xA;
	[tilespmem:s14+$0xFFFFFFF0] =	vst v2;
	v1 =	vmul.f32 v6, v1  }
0xee: {  	s5 =	sshra.s32 s5, $0x2;
	[tilespmem:s14+$0x70] =	vst v3  }
0xef: {  	s5 =	sadd.s32 $0x3000, s5;
	[tilespmem:s14+$0xFFFFFF70] =	vst v1  }
0xf0: {  	[spmem:s3] =	stream.indirect.scatter.add.f32 [tilespmem:s28], [sflag:$0x4], $0x80, s5, s29, $0xb8;
	[tilespmem:$0x1FC00] =	vst v63  }
0xf1: {  	s5 =	sadd.s32 @!p0 s6, s12  }
0xf2: {  	s15 =	simm.s32 @!p0 $0xA000;
	s5 =	sshll.u32 @!p0 s5, $0xA  }
0xf3: {  	s13 =	sadd.s32 $0x2, s13;
	s14 =	simm.s32 @!p0 $0x0;
	s5 =	sadd.s32 @!p0 s7, s5  }
0xf4: {  	[tilespmem:s15], [sflag:$0x3] =	stream.linear.gather @!p0 [hbm4b:s5+s14], $0x2000, $0x38;
	[tilespmem:$0x1FC00] =	vst v63  }
0xf5: {  	p0 =	sge.u32 s13, s8;
	_ =	swait.ge [sflag:s2], $0x2000  }
0xf6: {  	s5 =	sshll.u32 @!p0 s13, $0x7;
	s14 =	simm.s32 @!p0 $0x40;
	[sflag:s2] =	ssyncset.done $0x0  }
0xf7: {  	s15 =	simm.s32 @!p0 $0x6000;
	s5 =	sand.u32 @!p0 $0x3FFFFF80, s5;
	[sflag:s2] =	ssyncadd.s32 $0xFFFFE000  }
0xf8: {  	[tilespmem:s15], [sflag:$0x1] =	stream.indirect.gather @!p0 [hbm4b:s1+s14], $0x80, s5, s14, $0xb8;
	[tilespmem:$0x1FC00] =	vst v63  }
0xf9: {  	_ =	swait.ge [sflag:s26], $0x2000  }
0xfa: {  	[sflag:s26] =	ssyncset.done $0x0  }
0xfb: {  	[sflag:s26] =	ssyncadd.s32 $0xFFFFE000  }
0xfc: {  	_ =	swait.ge [sflag:s0], $0x2000  }
0xfd: {  	[sflag:s0] =	ssyncset.done $0x0  }
0xfe: {  	s14 =	simm.s32 $0x81F0;
	[sflag:s0] =	ssyncadd.s32 $0xFFFFE000  }
0xff: {  	s15 =	simm.s32 $0xA100;
	v1 =	vld [tilespmem:s14+$0xFFFFFF90]  }
0x100: {  	v2 =	vld [tilespmem:s15+$0x80]  }
0x101: {  	v3 =	vld [tilespmem:s14+$0xFFFFFE90]  }
0x102: {  	v4 =	vld [tilespmem:s15+$0xFFFFFF80]  }
0x103: {  	v5 =	vld [tilespmem:s14+$0xFFFFFF10]  }
0x104: {  	v6 =	vld [tilespmem:s15+$0x0]  }
0x105: {  	v7 =	vld [tilespmem:s14+$0xFFFFFE10];
	v1 =	vmul.f32 v2, v1  }
0x106: {  	v2 =	vld [tilespmem:s15+$0xFFFFFF00]  }
0x107: {  	[tilespmem:s14+$0xFFFFFF90] =	vst v1;
	v1 =	vld [tilespmem:s14+$0xFFFFFFA0]  }
0x108: {  	v3 =	vmul.f32 v4, v3;
	v4 =	vld [tilespmem:s15+$0x90]  }
0x109: {  	v8 =	vld [tilespmem:s14+$0xFFFFFE20]  }
0x10a: {  	[tilespmem:s14+$0xFFFFFE90] =	vst v3;
	v3 =	vmul.f32 v6, v5;
	v5 =	vld [tilespmem:s14+$0xFFFFFEA0]  }
0x10b: {  	v6 =	vld [tilespmem:s15+$0xFFFFFF90];
	v2 =	vmul.f32 v2, v7  }
0x10c: {  	[tilespmem:s14+$0xFFFFFF10] =	vst v3;
	v3 =	vld [tilespmem:s14+$0xFFFFFF20]  }
0x10d: {  	v7 =	vld [tilespmem:s15+$0x10];
	[tilespmem:s14+$0xFFFFFE10] =	vst v2;
	v1 =	vmul.f32 v4, v1  }
0x10e: {  	v2 =	vld [tilespmem:s15+$0xFFFFFF10]  }
0x10f: {  	[tilespmem:s14+$0xFFFFFFA0] =	vst v1;
	v1 =	vld [tilespmem:s14+$0xFFFFFFB0]  }
0x110: {  	v4 =	vmul.f32 v6, v5;
	v5 =	vld [tilespmem:s15+$0xA0]  }
0x111: {  	v6 =	vld [tilespmem:s14+$0xFFFFFE30]  }
0x112: {  	[tilespmem:s14+$0xFFFFFEA0] =	vst v4;
	v3 =	vmul.f32 v7, v3;
	v4 =	vld [tilespmem:s14+$0xFFFFFEB0]  }
0x113: {  	v7 =	vld [tilespmem:s15+$0xFFFFFFA0];
	v2 =	vmul.f32 v2, v8  }
0x114: {  	[tilespmem:s14+$0xFFFFFF20] =	vst v3;
	v3 =	vld [tilespmem:s14+$0xFFFFFF30]  }
0x115: {  	v8 =	vld [tilespmem:s15+$0x20];
	[tilespmem:s14+$0xFFFFFE20] =	vst v2;
	v1 =	vmul.f32 v5, v1  }
0x116: {  	v2 =	vld [tilespmem:s15+$0xFFFFFF20]  }
0x117: {  	[tilespmem:s14+$0xFFFFFFB0] =	vst v1;
	v1 =	vld [tilespmem:s14+$0xFFFFFFC0]  }
0x118: {  	v4 =	vmul.f32 v7, v4;
	v5 =	vld [tilespmem:s15+$0xB0]  }
0x119: {  	v7 =	vld [tilespmem:s14+$0xFFFFFE40]  }
0x11a: {  	[tilespmem:s14+$0xFFFFFEB0] =	vst v4;
	v3 =	vmul.f32 v8, v3;
	v4 =	vld [tilespmem:s14+$0xFFFFFEC0]  }
0x11b: {  	v8 =	vld [tilespmem:s15+$0xFFFFFFB0];
	v2 =	vmul.f32 v2, v6  }
0x11c: {  	[tilespmem:s14+$0xFFFFFF30] =	vst v3;
	v3 =	vld [tilespmem:s14+$0xFFFFFF40]  }
0x11d: {  	v6 =	vld [tilespmem:s15+$0x30];
	[tilespmem:s14+$0xFFFFFE30] =	vst v2;
	v1 =	vmul.f32 v5, v1  }
0x11e: {  	v2 =	vld [tilespmem:s15+$0xFFFFFF30]  }
0x11f: {  	[tilespmem:s14+$0xFFFFFFC0] =	vst v1;
	v1 =	vld [tilespmem:s14+$0xFFFFFFD0]  }
0x120: {  	v4 =	vmul.f32 v8, v4;
	v5 =	vld [tilespmem:s15+$0xC0]  }
0x121: {  	v8 =	vld [tilespmem:s14+$0xFFFFFE50]  }
0x122: {  	[tilespmem:s14+$0xFFFFFEC0] =	vst v4;
	v3 =	vmul.f32 v6, v3;
	v4 =	vld [tilespmem:s14+$0xFFFFFED0]  }
0x123: {  	v6 =	vld [tilespmem:s15+$0xFFFFFFC0];
	v2 =	vmul.f32 v2, v7  }
0x124: {  	[tilespmem:s14+$0xFFFFFF40] =	vst v3;
	v3 =	vld [tilespmem:s14+$0xFFFFFF50]  }
0x125: {  	v7 =	vld [tilespmem:s15+$0x40];
	[tilespmem:s14+$0xFFFFFE40] =	vst v2;
	v1 =	vmul.f32 v5, v1  }
0x126: {  	v2 =	vld [tilespmem:s15+$0xFFFFFF40]  }
0x127: {  	[tilespmem:s14+$0xFFFFFFD0] =	vst v1;
	v1 =	vld [tilespmem:s14+$0xFFFFFFE0]  }
0x128: {  	v4 =	vmul.f32 v6, v4;
	v5 =	vld [tilespmem:s15+$0xD0]  }
0x129: {  	v6 =	vld [tilespmem:s14+$0xFFFFFE60]  }
0x12a: {  	[tilespmem:s14+$0xFFFFFED0] =	vst v4;
	v3 =	vmul.f32 v7, v3;
	v4 =	vld [tilespmem:s14+$0xFFFFFEE0]  }
0x12b: {  	v7 =	vld [tilespmem:s15+$0xFFFFFFD0];
	v2 =	vmul.f32 v2, v8  }
0x12c: {  	[tilespmem:s14+$0xFFFFFF50] =	vst v3;
	v3 =	vld [tilespmem:s14+$0xFFFFFF60]  }
0x12d: {  	v8 =	vld [tilespmem:s15+$0x50];
	[tilespmem:s14+$0xFFFFFE50] =	vst v2;
	v1 =	vmul.f32 v5, v1  }
0x12e: {  	v2 =	vld [tilespmem:s15+$0xFFFFFF50]  }
0x12f: {  	[tilespmem:s14+$0xFFFFFFE0] =	vst v1;
	v1 =	vld [tilespmem:s14+$0xFFFFFFF0]  }
0x130: {  	v4 =	vmul.f32 v7, v4;
	v5 =	vld [tilespmem:s15+$0xE0]  }
0x131: {  	v7 =	vld [tilespmem:s14+$0xFFFFFE70]  }
0x132: {  	[tilespmem:s14+$0xFFFFFEE0] =	vst v4;
	v3 =	vmul.f32 v8, v3;
	v4 =	vld [tilespmem:s14+$0xFFFFFEF0]  }
0x133: {  	v8 =	vld [tilespmem:s15+$0xFFFFFFE0];
	v2 =	vmul.f32 v2, v6  }
0x134: {  	[tilespmem:s14+$0xFFFFFF60] =	vst v3;
	v3 =	vld [tilespmem:s14+$0xFFFFFF70]  }
0x135: {  	v6 =	vld [tilespmem:s15+$0x60];
	[tilespmem:s14+$0xFFFFFE60] =	vst v2;
	v1 =	vmul.f32 v5, v1  }
0x136: {  	v5 =	vld [tilespmem:s15+$0xFFFFFF60]  }
0x137: {  	v9 =	vld [tilespmem:s14+$0x0];
	[tilespmem:s14+$0xFFFFFFF0] =	vst v1  }
0x138: {  	v2 =	vmul.f32 v8, v4;
	v8 =	vld [tilespmem:s15+$0xF0]  }
0x139: {  	v1 =	vld [tilespmem:s14+$0xFFFFFE80]  }
0x13a: {  	[tilespmem:s14+$0xFFFFFEF0] =	vst v2;
	v3 =	vmul.f32 v6, v3;
	v2 =	vld [tilespmem:s14+$0xFFFFFF00]  }
0x13b: {  	v4 =	vld [tilespmem:s15+$0xFFFFFFF0];
	v5 =	vmul.f32 v5, v7  }
0x13c: {  	[tilespmem:s14+$0xFFFFFF70] =	vst v3;
	v3 =	vld [tilespmem:s14+$0xFFFFFF80]  }
0x13d: {  	[tilespmem:s14+$0xFFFFFE70] =	vst v5;
	v5 =	vld [tilespmem:s15+$0x70];
	v7 =	vmul.f32 v8, v9  }
0x13e: {  	s16 =	simm.s32 $0x83F0;
	s5 =	simm.s32 $0x0;
	v6 =	vld [tilespmem:s15+$0xFFFFFF70]  }
.LBB2_7:
0x13f: {  	v8 =	vld [tilespmem:s16+$0xFFFFFF90];
	[tilespmem:s14+$0x0] =	vst v7;
	s15 =	sadd.s32 $0x200, s15  }
0x140: {  	s5 =	sadd.s32 $0x4, s5;
	v7 =	vld [tilespmem:s15+$0x80];
	v2 =	vmul.f32 v4, v2  }
0x141: {  	p1 =	slt.u32 s5, $0x3C;
	v4 =	vld [tilespmem:s15+$0xFFFFFF00]  }
0x142: {  	v9 =	vld [tilespmem:s16+$0xFFFFFE90];
	[tilespmem:s14+$0xFFFFFF00] =	vst v2;
	v2 =	vmul.f32 v5, v3  }
0x143: {  	v3 =	vld [tilespmem:s15+$0xFFFFFF80];
	v1 =	vmul.f32 v6, v1  }
0x144: {  	v5 =	vld [tilespmem:s16+$0xFFFFFF10];
	[tilespmem:s14+$0xFFFFFF80] =	vst v2  }
0x145: {  	v2 =	vld [tilespmem:s15+$0x0];
	v6 =	vmul.f32 v7, v8;
	[tilespmem:s14+$0xFFFFFE80] =	vst v1;
	s14 =	smov.u32 s16  }
0x146: {  	v1 =	vld [tilespmem:s16+$0xFFFFFE10]  }
0x147: {  	[tilespmem:s16+$0xFFFFFF90] =	vst v6;
	v6 =	vld [tilespmem:s16+$0xFFFFFFA0]  }
0x148: {  	v3 =	vmul.f32 v3, v9;
	v7 =	vld [tilespmem:s15+$0x90]  }
0x149: {  	v8 =	vld [tilespmem:s16+$0xFFFFFE20]  }
0x14a: {  	[tilespmem:s16+$0xFFFFFE90] =	vst v3;
	v3 =	vld [tilespmem:s16+$0xFFFFFEA0];
	v2 =	vmul.f32 v2, v5  }
0x14b: {  	v1 =	vmul.f32 v4, v1;
	v4 =	vld [tilespmem:s15+$0xFFFFFF90]  }
0x14c: {  	[tilespmem:s16+$0xFFFFFF10] =	vst v2;
	v2 =	vld [tilespmem:s16+$0xFFFFFF20]  }
0x14d: {  	[tilespmem:s16+$0xFFFFFE10] =	vst v1;
	v1 =	vld [tilespmem:s15+$0x10];
	v5 =	vmul.f32 v7, v6  }
0x14e: {  	v6 =	vld [tilespmem:s15+$0xFFFFFF10]  }
0x14f: {  	[tilespmem:s16+$0xFFFFFFA0] =	vst v5;
	v5 =	vld [tilespmem:s16+$0xFFFFFFB0]  }
0x150: {  	v3 =	vmul.f32 v4, v3;
	v4 =	vld [tilespmem:s15+$0xA0]  }
0x151: {  	v7 =	vld [tilespmem:s16+$0xFFFFFE30]  }
0x152: {  	[tilespmem:s16+$0xFFFFFEA0] =	vst v3;
	v3 =	vld [tilespmem:s16+$0xFFFFFEB0];
	v1 =	vmul.f32 v1, v2  }
0x153: {  	v2 =	vmul.f32 v6, v8;
	v6 =	vld [tilespmem:s15+$0xFFFFFFA0]  }
0x154: {  	[tilespmem:s16+$0xFFFFFF20] =	vst v1;
	v1 =	vld [tilespmem:s16+$0xFFFFFF30]  }
0x155: {  	[tilespmem:s16+$0xFFFFFE20] =	vst v2;
	v2 =	vld [tilespmem:s15+$0x20];
	v4 =	vmul.f32 v4, v5  }
0x156: {  	v5 =	vld [tilespmem:s15+$0xFFFFFF20]  }
0x157: {  	[tilespmem:s16+$0xFFFFFFB0] =	vst v4;
	v4 =	vld [tilespmem:s16+$0xFFFFFFC0]  }
0x158: {  	v3 =	vmul.f32 v6, v3;
	v6 =	vld [tilespmem:s15+$0xB0]  }
0x159: {  	v8 =	vld [tilespmem:s16+$0xFFFFFE40]  }
0x15a: {  	[tilespmem:s16+$0xFFFFFEB0] =	vst v3;
	v3 =	vld [tilespmem:s16+$0xFFFFFEC0];
	v1 =	vmul.f32 v2, v1  }
0x15b: {  	v2 =	vmul.f32 v5, v7;
	v5 =	vld [tilespmem:s15+$0xFFFFFFB0]  }
0x15c: {  	[tilespmem:s16+$0xFFFFFF30] =	vst v1;
	v1 =	vld [tilespmem:s16+$0xFFFFFF40]  }
0x15d: {  	[tilespmem:s16+$0xFFFFFE30] =	vst v2;
	v2 =	vld [tilespmem:s15+$0x30];
	v4 =	vmul.f32 v6, v4  }
0x15e: {  	v6 =	vld [tilespmem:s15+$0xFFFFFF30]  }
0x15f: {  	[tilespmem:s16+$0xFFFFFFC0] =	vst v4;
	v4 =	vld [tilespmem:s16+$0xFFFFFFD0]  }
0x160: {  	v3 =	vmul.f32 v5, v3;
	v5 =	vld [tilespmem:s15+$0xC0]  }
0x161: {  	v7 =	vld [tilespmem:s16+$0xFFFFFE50]  }
0x162: {  	[tilespmem:s16+$0xFFFFFEC0] =	vst v3;
	v3 =	vld [tilespmem:s16+$0xFFFFFED0];
	v1 =	vmul.f32 v2, v1  }
0x163: {  	v2 =	vmul.f32 v6, v8;
	v6 =	vld [tilespmem:s15+$0xFFFFFFC0]  }
0x164: {  	[tilespmem:s16+$0xFFFFFF40] =	vst v1;
	v1 =	vld [tilespmem:s16+$0xFFFFFF50]  }
0x165: {  	[tilespmem:s16+$0xFFFFFE40] =	vst v2;
	v2 =	vld [tilespmem:s15+$0x40];
	v4 =	vmul.f32 v5, v4  }
0x166: {  	v5 =	vld [tilespmem:s15+$0xFFFFFF40]  }
0x167: {  	[tilespmem:s16+$0xFFFFFFD0] =	vst v4;
	v4 =	vld [tilespmem:s16+$0xFFFFFFE0]  }
0x168: {  	v3 =	vmul.f32 v6, v3;
	v6 =	vld [tilespmem:s15+$0xD0]  }
0x169: {  	v8 =	vld [tilespmem:s16+$0xFFFFFE60]  }
0x16a: {  	[tilespmem:s16+$0xFFFFFED0] =	vst v3;
	v3 =	vld [tilespmem:s16+$0xFFFFFEE0];
	v1 =	vmul.f32 v2, v1  }
0x16b: {  	v2 =	vmul.f32 v5, v7;
	v5 =	vld [tilespmem:s15+$0xFFFFFFD0]  }
0x16c: {  	[tilespmem:s16+$0xFFFFFF50] =	vst v1;
	v1 =	vld [tilespmem:s16+$0xFFFFFF60]  }
0x16d: {  	[tilespmem:s16+$0xFFFFFE50] =	vst v2;
	v2 =	vld [tilespmem:s15+$0x50];
	v4 =	vmul.f32 v6, v4  }
0x16e: {  	v6 =	vld [tilespmem:s15+$0xFFFFFF50]  }
0x16f: {  	[tilespmem:s16+$0xFFFFFFE0] =	vst v4;
	v4 =	vld [tilespmem:s16+$0xFFFFFFF0]  }
0x170: {  	v3 =	vmul.f32 v5, v3;
	v5 =	vld [tilespmem:s15+$0xE0]  }
0x171: {  	v7 =	vld [tilespmem:s16+$0xFFFFFE70]  }
0x172: {  	[tilespmem:s16+$0xFFFFFEE0] =	vst v3;
	v3 =	vld [tilespmem:s16+$0xFFFFFEF0];
	v1 =	vmul.f32 v2, v1  }
0x173: {  	v2 =	vmul.f32 v6, v8;
	v6 =	vld [tilespmem:s15+$0xFFFFFFE0]  }
0x174: {  	[tilespmem:s16+$0xFFFFFF60] =	vst v1;
	v8 =	vld [tilespmem:s16+$0xFFFFFF70]  }
0x175: {  	[tilespmem:s16+$0xFFFFFE60] =	vst v2;
	v9 =	vld [tilespmem:s15+$0x60];
	v1 =	vmul.f32 v5, v4  }
0x176: {  	v4 =	vld [tilespmem:s15+$0xFFFFFF60]  }
0x177: {  	[tilespmem:s16+$0xFFFFFFF0] =	vst v1;
	v10 =	vld [tilespmem:s16+$0x0]  }
0x178: {  	v2 =	vmul.f32 v6, v3;
	v6 =	vld [tilespmem:s15+$0xF0]  }
0x179: {  	v1 =	vld [tilespmem:s16+$0xFFFFFE80]  }
.Ltmp2:
0x17a: {  	[tilespmem:s16+$0xFFFFFEF0] =	vst v2;
	v2 =	vld [tilespmem:s16+$0xFFFFFF00];
	v3 =	vmul.f32 v9, v8;
	(pc) =	sbr.rel @p1 .LBB2_7-.Ltmp2, $4  }
0x17b: {  	v5 =	vmul.f32 v4, v7;
	v4 =	vld [tilespmem:s15+$0xFFFFFFF0]  }
0x17c: {  	[tilespmem:s16+$0xFFFFFF70] =	vst v3;
	v3 =	vld [tilespmem:s16+$0xFFFFFF80]  }
0x17d: {  	[tilespmem:s16+$0xFFFFFE70] =	vst v5;
	v5 =	vld [tilespmem:s15+$0x70];
	v7 =	vmul.f32 v6, v10  }
0x17e: {  	s16 =	sadd.s32 $0x200, s16;
	v6 =	vld [tilespmem:s15+$0xFFFFFF70]  }
0x17f: {  	_ =	sdelay $0x1  }
0x180: {  	v2 =	vmul.f32 v4, v2  }
0x181: {  	[tilespmem:s14+$0x0] =	vst v7;
	v3 =	vmul.f32 v5, v3  }
0x182: {  	s5 =	sshll.u32 s12, $0x9;
	[tilespmem:s14+$0xFFFFFF00] =	vst v2;
	v1 =	vmul.f32 v6, v1  }
0x183: {  	s5 =	sshra.s32 s5, $0x2;
	[tilespmem:s14+$0xFFFFFF80] =	vst v3  }
0x184: {  	s5 =	sadd.s32 $0x3000, s5;
	[tilespmem:s14+$0xFFFFFE80] =	vst v1  }
0x185: {  	[spmem:s3] =	stream.indirect.scatter.add.f32 [tilespmem:s30], [sflag:$0x5], $0x80, s5, s29, $0xb8;
	[tilespmem:$0x1FC00] =	vst v63  }
0x186: {  	s5 =	sadd.s32 @!p0 s6, s13  }
0x187: {  	s12 =	simm.s32 @!p0 $0x0;
	s5 =	sshll.u32 @!p0 s5, $0xA  }
0x188: {  	s11 =	sadd.s32 $0x1, s11;
	s13 =	simm.s32 @!p0 $0xA000;
	s5 =	sadd.s32 @!p0 s7, s5  }
0x189: {  	[tilespmem:s13], [sflag:$0x3] =	stream.linear.gather @!p0 [hbm4b:s5+s12], $0x2000, $0x38;
	[tilespmem:$0x1FC00] =	vst v63  }
0x18a: {  	p0 =	sne.s32 s11, s22  }
.Ltmp3:
0x18b: {  	_ = 	snop;
	(pc) =	sbr.rel @p0 .LBB2_4-.Ltmp3, $1  }
0x18c: {  	_ =	sdelay $0x3  }
0x18d: {  	_ =	swait.ge [sflag:s4], $0x2000  }
0x18e: {  	[sflag:s4] =	ssyncset.done $0x0  }
0x18f: {  	[sflag:s4] =	ssyncadd.s32 $0xFFFFE000  }
0x190: {  	s9 =	sadd.s32 $0x1, s9;
	[bflag:$0x0] =	sbarrier.arrive $0xFFFF  }
0x191: {  	p0 =	sne.s32 s9, s24;
	s5 =	rddreg [dreg:$0x4]  }
.Ltmp4:
0x192: {  	s11 =	sshrl.u32 s10, $0x3;
	s5 =	sor.u32 $0x1C06, s5;
	(pc) =	sbr.rel @p0 .LBB2_1-.Ltmp4, $4  }
0x193: {  	[hbm:s23], [sflag:s5] =	dma.local [spmem:s11], $0x2780  }
0x194: {  	_ =	swait.ge [sflag:s25], $0x2780  }
0x195: {  	[sflag:s25] =	ssyncset.done $0x0  }
0x196: {  	[sflag:s25] =	ssyncadd.s32 $0xFFFFD880  }
0x197: {  	_ =	sfence.sel $0x180000  }
0x198: {  	[bflag:$0x0] =	sbarrier.arrive $0xFFFF  }
0x199: {  	_ =	strace $0x90000047  }
0x19a: {  	s0 =	stileid.u32;
	[bflag:$0x2] =	sbarrier.arrive $0xFFFF  }
0x19b: {  	p0 =	sne.s32 s0, $0x0;
	s0 =	rddreg [dreg:$0x3]  }
0x19c: {  	s0 =	sadd.s32 @!p0 $0x100000, s0  }
0x19d: {  	[sflag:s0] =	ssyncadd.tile.s32 @!p0 $0x1;
	_ =	shalt  }
.Lfunc_end2:
_tile_overlayer_lowered:
.L_overlay_start_2:
0x19e: {  	(tag) =	ssettag $0x2  }
0x19f: {  	s0 =	rddreg [dreg:$0x0];
	s2 =	stileid.u32  }
0x1a0: {  	s1 =	rddreg [dreg:$0x1];
	p0 =	sne.s32 s2, $0x0  }
0x1a1: {  	s3 =	rddreg [dreg:$0x2];
	[bflag:$0x3] =	sbarrier.arrive $0xFFFF;
	s2 =	simm.s32 @!p0 $0x1C06  }
0x1a2: {  	[timem:s3], [sflag:s2] =	dma.local @!p0 [hbm:s0], s1  }
0x1a3: {  	s0 =	simm.s32 @!p0 $0x6  }
0x1a4: {  	_ =	swait.ge @!p0 [sflag:s0], s1  }
0x1a5: {  	s1 =	ssub.s32 @!p0 $0x0, s1;
	[sflag:s0] =	ssyncset.done @!p0 $0x0  }
0x1a6: {  	[sflag:s0] =	ssyncadd.s32 @!p0 s1  }
0x1a7: {  	[bflag:$0x3] =	sbarrier.arrive $0xFFFF  }
0x1a8: {  	_ =	shalt  }

</sc_bundles>
